<compile_context>
chip_gen: v7x
topology: tpu7x:2x2x1
jax: 0.10.2.dev20260603
libtpu: 0.0.44.dev20260713+nightly
codegen_flags: <defaults>
</compile_context>

<pallas_src>
import functools

import jax
import jax.numpy as jnp
from jax import lax
from jax.experimental import pallas as pl
from jax.experimental.pallas import tpu as pltpu
from jax.experimental.pallas import tpu_sc as plsc

_EPS = 1e-06
_BETA = 0.5
_LN2 = 0.6931471805599453

_NC = 2
_NS = 16
_L = 16


def _ln(y):
    bits = lax.bitcast_convert_type(y, jnp.int32)
    e = ((bits >> 23) - 127).astype(jnp.float32)
    m = lax.bitcast_convert_type((bits & 0x007FFFFF) | 0x3F800000, jnp.float32)
    s = (m - 1.0) / (m + 1.0)
    s2 = s * s
    poly = 1.0 + s2 * (0.3333333333 + s2 * (0.2 + s2 * 0.1428571429))
    return 2.0 * s * poly + e * _LN2


def _bce(p, z):
    p = jnp.clip(p, -1.0 + _EPS, 1.0 - _EPS)
    return _LN2 - z * _ln(1.0 - p) - (1.0 - z) * _ln(1.0 + p)


def _tanh_half(x):
    a = jnp.abs(x)
    enx = jnp.exp(-a)
    th = (1.0 - enx) / (1.0 + enx)
    return jnp.where(x < 0.0, -th, th)


def _sc_body(llr_hbm, syn_hbm, obs_hbm, out_hbm, llr_v, syn_v, obs_v, part_v):
    rows = 16384 // (_NC * _NS)
    blocks = rows // _L
    wid = lax.axis_index("s") * _NC + lax.axis_index("c")
    base = wid * rows

    pltpu.sync_copy(llr_hbm.at[pl.ds(base * 16, rows * 16)], llr_v)
    pltpu.sync_copy(syn_hbm.at[pl.ds(base * 15, rows * 15)], syn_v)
    pltpu.sync_copy(obs_hbm.at[pl.ds(base, rows)], obs_v)

    lane = lax.iota(jnp.int32, _L)
    l16 = lane * 16
    l15 = lane * 15

    def _tree(vals, op):
        while len(vals) > 1:
            nxt = [op(vals[i], vals[i + 1]) for i in range(0, len(vals) - 1, 2)]
            if len(vals) % 2:
                nxt.append(vals[-1])
            vals = nxt
        return vals[0]

    def body(blk, loss):
        off = blk * 256
        soff = blk * 240
        ts = [_tanh_half(plsc.load_gather(llr_v, [l16 + (off + j)]))
              for j in range(16)]
        zs = [plsc.load_gather(syn_v, [l15 + (soff + j)]) for j in range(15)]
        terms = [_bce(ts[j] * ts[j + 1], zs[j]) for j in range(15)]
        obsprod = _tree(ts, lambda a, b: a * b)
        zo = obs_v[pl.ds(blk * 16, _L)]
        pair_sum = _tree(terms, lambda a, b: a + b)
        return loss + (_BETA * pair_sum
                       + (1.0 - _BETA) * _bce(obsprod, zo))

    loss = lax.fori_loop(0, blocks, body, jnp.zeros((_L,), jnp.float32))
    part_v[...] = loss
    pltpu.sync_copy(part_v, out_hbm.at[wid])


def kernel(llrs, syndromes, observables, chkmat, obsmat):
    B, n = llrs.shape
    rows = B // (_NC * _NS)
    run = pl.kernel(
        _sc_body,
        out_type=jax.ShapeDtypeStruct((_NC * _NS, _L), jnp.float32),
        mesh=plsc.VectorSubcoreMesh(
            core_axis_name="c", subcore_axis_name="s",
            num_cores=_NC, num_subcores=_NS),
        scratch_types=[
            pltpu.VMEM((rows * 16,), jnp.float32),
            pltpu.VMEM((rows * 15,), jnp.float32),
            pltpu.VMEM((rows,), jnp.float32),
            pltpu.VMEM((_L,), jnp.float32),
        ],
        compiler_params=pltpu.CompilerParams(needs_layout_passes=False),
    )
    parts = run(llrs.reshape(-1), syndromes.reshape(-1), observables.reshape(-1))
    return parts.sum() / B

# --- scband reference (transcript-rebuilt; emitter-appended) ---
"""Pipeline reference for scband-decoding-loss-bcebased-74895639707840 (READ-ONLY COPY).

The authoritative reference and input builder live on the scoring server;
editing this copy changes nothing except your own understanding.
"""

import jax, jax.numpy as jnp
import numpy as np

EPS = 1e-06
BETA = 0.5


def _bce_with_logits(x, z):
    # torch.nn.functional.binary_cross_entropy_with_logits, reduction='none'
    return jnp.maximum(x, 0.0) - x * z + jnp.log1p(jnp.exp(-jnp.abs(x)))


def _pred_llr(tanh_half, mat):
    # mat: (r, n) binary {0,1}; tanh_half: (B, n)
    # product of tanh(llr/2) over the support of each row, then 2*atanh(clamped)
    masked = jnp.where(mat[None, :, :] > 0.5, tanh_half[:, None, :], 1.0)
    prod = jnp.prod(masked, axis=2)
    prod = jnp.clip(prod, -1.0 + EPS, 1.0 - EPS)
    return 2.0 * jnp.arctanh(prod)


def setup_inputs(seed: int = 0) -> dict:
    key = jax.random.key(seed)
    k1, k2, k3 = jax.random.split(key, 3)
    B, n, m, kk = 16384, 16, 15, 1
    llrs = jax.random.normal(k1, (B, n), dtype=jnp.float32)
    syndromes = jax.random.uniform(k2, (B, m), dtype=jnp.float32)
    observables = jax.random.uniform(k3, (B, kk), dtype=jnp.float32)
    # distance-16 repetition code check matrix: row i has ones at columns i, i+1
    chk = np.clip(np.eye(m, n, dtype=np.float32) + np.eye(m, n, k=1, dtype=np.float32), 0.0, 1.0)
    chkmat = jnp.asarray(chk)
    obsmat = jnp.ones((kk, n), dtype=jnp.float32)
    return {"llrs": llrs, "syndromes": syndromes, "observables": observables, "chkmat": chkmat, "obsmat": obsmat}


def reference(llrs, syndromes, observables, chkmat, obsmat):
    tanh_llrs_over_2 = jnp.tanh(llrs / 2.0)
    syndromes_pred_llr = _pred_llr(tanh_llrs_over_2, chkmat)
    loss_syn = _bce_with_logits(-syndromes_pred_llr, syndromes)
    loss1 = loss_syn.sum(axis=1)
    observables_pred_llr = _pred_llr(tanh_llrs_over_2, obsmat)
    loss_obs = _bce_with_logits(-observables_pred_llr, observables)
    loss2 = loss_obs.sum(axis=1)
    loss = BETA * loss1 + (1.0 - BETA) * loss2
    return loss.mean()

if __name__ == "__main__":
    import jax
    _d = setup_inputs()
    print(jax.jit(kernel)(*tuple(_d.values())))

</pallas_src>

<mosaic_0001>
#map = affine_map<(d0, d1) -> (0)>
#map1 = affine_map<(d0, d1) -> (0, 0)>
module attributes {stable_mosaic.version = 14 : i64} {
  func.func @_sc_body(%arg0: i32, %arg1: i32, %arg2: memref<262144xf32, #tpu.memory_space<hbm>>, %arg3: memref<245760xf32, #tpu.memory_space<hbm>>, %arg4: memref<16384xf32, #tpu.memory_space<hbm>>, %arg5: memref<32x16xf32, #tpu.memory_space<hbm>>, %arg6: memref<8192xf32, #tpu.memory_space<vmem>>, %arg7: memref<7680xf32, #tpu.memory_space<vmem>>, %arg8: memref<512xf32, #tpu.memory_space<vmem>>, %arg9: memref<16xf32, #tpu.memory_space<vmem>>) attributes {dimension_semantics = [#tpu.dimension_semantics<core_parallel>, #tpu.dimension_semantics<subcore_parallel>], iteration_bounds = array<i64: 2, 16>, scalar_prefetch = 0 : i64, scratch_operands = 4 : i64, tpu.core_type = #tpu.core_type<sc_vector_subcore>, window_params = [{transform_indices = #map}, {transform_indices = #map}, {transform_indices = #map}, {transform_indices = #map1}]} {
    %mul3A = arith.constant 2 : i32
    %mul3A_0 = arith.muli %arg1, %mul3A : i32
    %add3A = arith.addi %mul3A_0, %arg0 : i32
    %mul3A_1 = arith.constant 512 : i32
    %mul3A_2 = arith.muli %add3A, %mul3A_1 : i32
    %mul3A_3 = arith.constant 16 : i32
    %mul3A_4 = arith.muli %mul3A_2, %mul3A_3 : i32
    "tpu.region"() ({
      %run_scoped3A = tpu.sem_alloc : memref<!tpu.dma_semaphore, #tpu.memory_space<semaphore_mem>>
      %dma_start3A = tpu.memref_slice %arg2[%mul3A_4] : memref<262144xf32, #tpu.memory_space<hbm>> -> memref<8192xf32, #tpu.memory_space<hbm>>
      %dma_start3A_20 = tpu.memref_slice %arg2[%mul3A_4] : memref<262144xf32, #tpu.memory_space<hbm>> -> memref<8192xf32, #tpu.memory_space<hbm>>
      tpu.enqueue_dma source(%dma_start3A_20 : memref<8192xf32, #tpu.memory_space<hbm>>) target(%arg6 : memref<8192xf32, #tpu.memory_space<vmem>>) target_semaphore(%run_scoped3A : memref<!tpu.dma_semaphore, #tpu.memory_space<semaphore_mem>>)
      %dma_wait3A = tpu.memref_slice %arg2[%mul3A_4] : memref<262144xf32, #tpu.memory_space<hbm>> -> memref<8192xf32, #tpu.memory_space<hbm>>
      %dma_wait3A_21 = tpu.memref_slice %arg2[%mul3A_4] : memref<262144xf32, #tpu.memory_space<hbm>> -> memref<8192xf32, #tpu.memory_space<hbm>>
      tpu.wait_dma2 semaphore(%run_scoped3A : memref<!tpu.dma_semaphore, #tpu.memory_space<semaphore_mem>>) src(%dma_wait3A_21 : memref<8192xf32, #tpu.memory_space<hbm>>) dst(%arg6 : memref<8192xf32, #tpu.memory_space<vmem>>)
      tpu.yield
    }) : () -> ()
    %mul3A_5 = arith.constant 15 : i32
    %mul3A_6 = arith.muli %mul3A_2, %mul3A_5 : i32
    "tpu.region"() ({
      %run_scoped3A = tpu.sem_alloc : memref<!tpu.dma_semaphore, #tpu.memory_space<semaphore_mem>>
      %dma_start3A = tpu.memref_slice %arg3[%mul3A_6] : memref<245760xf32, #tpu.memory_space<hbm>> -> memref<7680xf32, #tpu.memory_space<hbm>>
      %dma_start3A_20 = tpu.memref_slice %arg3[%mul3A_6] : memref<245760xf32, #tpu.memory_space<hbm>> -> memref<7680xf32, #tpu.memory_space<hbm>>
      tpu.enqueue_dma source(%dma_start3A_20 : memref<7680xf32, #tpu.memory_space<hbm>>) target(%arg7 : memref<7680xf32, #tpu.memory_space<vmem>>) target_semaphore(%run_scoped3A : memref<!tpu.dma_semaphore, #tpu.memory_space<semaphore_mem>>)
      %dma_wait3A = tpu.memref_slice %arg3[%mul3A_6] : memref<245760xf32, #tpu.memory_space<hbm>> -> memref<7680xf32, #tpu.memory_space<hbm>>
      %dma_wait3A_21 = tpu.memref_slice %arg3[%mul3A_6] : memref<245760xf32, #tpu.memory_space<hbm>> -> memref<7680xf32, #tpu.memory_space<hbm>>
      tpu.wait_dma2 semaphore(%run_scoped3A : memref<!tpu.dma_semaphore, #tpu.memory_space<semaphore_mem>>) src(%dma_wait3A_21 : memref<7680xf32, #tpu.memory_space<hbm>>) dst(%arg7 : memref<7680xf32, #tpu.memory_space<vmem>>)
      tpu.yield
    }) : () -> ()
    "tpu.region"() ({
      %run_scoped3A = tpu.sem_alloc : memref<!tpu.dma_semaphore, #tpu.memory_space<semaphore_mem>>
      %dma_start3A = tpu.memref_slice %arg4[%mul3A_2] : memref<16384xf32, #tpu.memory_space<hbm>> -> memref<512xf32, #tpu.memory_space<hbm>>
      %dma_start3A_20 = tpu.memref_slice %arg4[%mul3A_2] : memref<16384xf32, #tpu.memory_space<hbm>> -> memref<512xf32, #tpu.memory_space<hbm>>
      tpu.enqueue_dma source(%dma_start3A_20 : memref<512xf32, #tpu.memory_space<hbm>>) target(%arg8 : memref<512xf32, #tpu.memory_space<vmem>>) target_semaphore(%run_scoped3A : memref<!tpu.dma_semaphore, #tpu.memory_space<semaphore_mem>>)
      %dma_wait3A = tpu.memref_slice %arg4[%mul3A_2] : memref<16384xf32, #tpu.memory_space<hbm>> -> memref<512xf32, #tpu.memory_space<hbm>>
      %dma_wait3A_21 = tpu.memref_slice %arg4[%mul3A_2] : memref<16384xf32, #tpu.memory_space<hbm>> -> memref<512xf32, #tpu.memory_space<hbm>>
      tpu.wait_dma2 semaphore(%run_scoped3A : memref<!tpu.dma_semaphore, #tpu.memory_space<semaphore_mem>>) src(%dma_wait3A_21 : memref<512xf32, #tpu.memory_space<hbm>>) dst(%arg8 : memref<512xf32, #tpu.memory_space<vmem>>)
      tpu.yield
    }) : () -> ()
    %iota3A = tpu.iota {dimensions = array<i32: 0>} : vector<16xi32>
    %mul3A_7 = arith.constant 16 : i32
    %mul3A_8 = vector.broadcast %mul3A_7 : i32 to vector<16xi32>
    %mul3A_9 = arith.muli %iota3A, %mul3A_8 : vector<16xi32>
    %mul3A_10 = arith.constant 15 : i32
    %mul3A_11 = vector.broadcast %mul3A_10 : i32 to vector<16xi32>
    %mul3A_12 = arith.muli %iota3A, %mul3A_11 : vector<16xi32>
    %broadcast_in_dim3A = arith.constant 0.000000e+00 : f32
    %broadcast_in_dim3A_13 = vector.broadcast %broadcast_in_dim3A : f32 to vector<16xf32>
    %scan3A = arith.constant 0 : i32
    %scan3A_14 = arith.constant 32 : i32
    %scan3A_15 = arith.addi %scan3A, %scan3A_14 : i32
    %scan3A_16 = arith.constant 1 : i32
    %scan3A_17 = scf.for %scan3A_20 = %scan3A to %scan3A_15 step %scan3A_16 iter_args(%scan3A_21 = %broadcast_in_dim3A_13) -> (vector<16xf32>)  : i32 {
      %mul3A_22 = arith.constant 256 : i32
      %mul3A_23 = arith.muli %scan3A_20, %mul3A_22 : i32
      %mul3A_24 = arith.constant 240 : i32
      %mul3A_25 = arith.muli %scan3A_20, %mul3A_24 : i32
      %add3A_26 = arith.constant 0 : i32
      %add3A_27 = arith.addi %mul3A_23, %add3A_26 : i32
      %add3A_28 = vector.broadcast %add3A_27 : i32 to vector<16xi32>
      %add3A_29 = arith.addi %mul3A_9, %add3A_28 : vector<16xi32>
      %gather3A = tpu.vector_load_idx %arg6[%add3A_29] : memref<8192xf32, #tpu.memory_space<vmem>>[vector<16xi32>], vector<16xf32>,
      %abs3A = math.absf %gather3A : vector<16xf32>
      %neg3A = arith.constant 0.000000e+00 : f32
      %neg3A_30 = vector.broadcast %neg3A : f32 to vector<16xf32>
      %neg3A_31 = arith.subf %neg3A_30, %abs3A : vector<16xf32>
      %exp3A = math.exp %neg3A_31 : vector<16xf32>
      %sub3A = arith.constant 1.000000e+00 : f32
      %sub3A_32 = vector.broadcast %sub3A : f32 to vector<16xf32>
      %sub3A_33 = arith.subf %sub3A_32, %exp3A : vector<16xf32>
      %add3A_34 = arith.constant 1.000000e+00 : f32
      %add3A_35 = vector.broadcast %add3A_34 : f32 to vector<16xf32>
      %add3A_36 = arith.addf %add3A_35, %exp3A : vector<16xf32>
      %div3A = arith.divf %sub3A_33, %add3A_36 : vector<16xf32>
      %lt3A = arith.constant 0.000000e+00 : f32
      %lt3A_37 = vector.broadcast %lt3A : f32 to vector<16xf32>
      %lt3A_38 = arith.cmpf olt, %gather3A, %lt3A_37 : vector<16xf32>
      %neg3A_39 = arith.constant 0.000000e+00 : f32
      %neg3A_40 = vector.broadcast %neg3A_39 : f32 to vector<16xf32>
      %neg3A_41 = arith.subf %neg3A_40, %div3A : vector<16xf32>
      %select_n3A = arith.select %lt3A_38, %neg3A_41, %div3A : vector<16xi1>, vector<16xf32>
      %add3A_42 = arith.constant 1 : i32
      %add3A_43 = arith.addi %mul3A_23, %add3A_42 : i32
      %add3A_44 = vector.broadcast %add3A_43 : i32 to vector<16xi32>
      %add3A_45 = arith.addi %mul3A_9, %add3A_44 : vector<16xi32>
      %gather3A_46 = tpu.vector_load_idx %arg6[%add3A_45] : memref<8192xf32, #tpu.memory_space<vmem>>[vector<16xi32>], vector<16xf32>,
      %abs3A_47 = math.absf %gather3A_46 : vector<16xf32>
      %neg3A_48 = arith.constant 0.000000e+00 : f32
      %neg3A_49 = vector.broadcast %neg3A_48 : f32 to vector<16xf32>
      %neg3A_50 = arith.subf %neg3A_49, %abs3A_47 : vector<16xf32>
      %exp3A_51 = math.exp %neg3A_50 : vector<16xf32>
      %sub3A_52 = arith.constant 1.000000e+00 : f32
      %sub3A_53 = vector.broadcast %sub3A_52 : f32 to vector<16xf32>
      %sub3A_54 = arith.subf %sub3A_53, %exp3A_51 : vector<16xf32>
      %add3A_55 = arith.constant 1.000000e+00 : f32
      %add3A_56 = vector.broadcast %add3A_55 : f32 to vector<16xf32>
      %add3A_57 = arith.addf %add3A_56, %exp3A_51 : vector<16xf32>
      %div3A_58 = arith.divf %sub3A_54, %add3A_57 : vector<16xf32>
      %lt3A_59 = arith.constant 0.000000e+00 : f32
      %lt3A_60 = vector.broadcast %lt3A_59 : f32 to vector<16xf32>
      %lt3A_61 = arith.cmpf olt, %gather3A_46, %lt3A_60 : vector<16xf32>
      %neg3A_62 = arith.constant 0.000000e+00 : f32
      %neg3A_63 = vector.broadcast %neg3A_62 : f32 to vector<16xf32>
      %neg3A_64 = arith.subf %neg3A_63, %div3A_58 : vector<16xf32>
      %select_n3A_65 = arith.select %lt3A_61, %neg3A_64, %div3A_58 : vector<16xi1>, vector<16xf32>
      %add3A_66 = arith.constant 2 : i32
      %add3A_67 = arith.addi %mul3A_23, %add3A_66 : i32
      %add3A_68 = vector.broadcast %add3A_67 : i32 to vector<16xi32>
      %add3A_69 = arith.addi %mul3A_9, %add3A_68 : vector<16xi32>
      %gather3A_70 = tpu.vector_load_idx %arg6[%add3A_69] : memref<8192xf32, #tpu.memory_space<vmem>>[vector<16xi32>], vector<16xf32>,
      %abs3A_71 = math.absf %gather3A_70 : vector<16xf32>
      %neg3A_72 = arith.constant 0.000000e+00 : f32
      %neg3A_73 = vector.broadcast %neg3A_72 : f32 to vector<16xf32>
      %neg3A_74 = arith.subf %neg3A_73, %abs3A_71 : vector<16xf32>
      %exp3A_75 = math.exp %neg3A_74 : vector<16xf32>
      %sub3A_76 = arith.constant 1.000000e+00 : f32
      %sub3A_77 = vector.broadcast %sub3A_76 : f32 to vector<16xf32>
      %sub3A_78 = arith.subf %sub3A_77, %exp3A_75 : vector<16xf32>
      %add3A_79 = arith.constant 1.000000e+00 : f32
      %add3A_80 = vector.broadcast %add3A_79 : f32 to vector<16xf32>
      %add3A_81 = arith.addf %add3A_80, %exp3A_75 : vector<16xf32>
      %div3A_82 = arith.divf %sub3A_78, %add3A_81 : vector<16xf32>
      %lt3A_83 = arith.constant 0.000000e+00 : f32
      %lt3A_84 = vector.broadcast %lt3A_83 : f32 to vector<16xf32>
      %lt3A_85 = arith.cmpf olt, %gather3A_70, %lt3A_84 : vector<16xf32>
      %neg3A_86 = arith.constant 0.000000e+00 : f32
      %neg3A_87 = vector.broadcast %neg3A_86 : f32 to vector<16xf32>
      %neg3A_88 = arith.subf %neg3A_87, %div3A_82 : vector<16xf32>
      %select_n3A_89 = arith.select %lt3A_85, %neg3A_88, %div3A_82 : vector<16xi1>, vector<16xf32>
      %add3A_90 = arith.constant 3 : i32
      %add3A_91 = arith.addi %mul3A_23, %add3A_90 : i32
      %add3A_92 = vector.broadcast %add3A_91 : i32 to vector<16xi32>
      %add3A_93 = arith.addi %mul3A_9, %add3A_92 : vector<16xi32>
      %gather3A_94 = tpu.vector_load_idx %arg6[%add3A_93] : memref<8192xf32, #tpu.memory_space<vmem>>[vector<16xi32>], vector<16xf32>,
      %abs3A_95 = math.absf %gather3A_94 : vector<16xf32>
      %neg3A_96 = arith.constant 0.000000e+00 : f32
      %neg3A_97 = vector.broadcast %neg3A_96 : f32 to vector<16xf32>
      %neg3A_98 = arith.subf %neg3A_97, %abs3A_95 : vector<16xf32>
      %exp3A_99 = math.exp %neg3A_98 : vector<16xf32>
      %sub3A_100 = arith.constant 1.000000e+00 : f32
      %sub3A_101 = vector.broadcast %sub3A_100 : f32 to vector<16xf32>
      %sub3A_102 = arith.subf %sub3A_101, %exp3A_99 : vector<16xf32>
      %add3A_103 = arith.constant 1.000000e+00 : f32
      %add3A_104 = vector.broadcast %add3A_103 : f32 to vector<16xf32>
      %add3A_105 = arith.addf %add3A_104, %exp3A_99 : vector<16xf32>
      %div3A_106 = arith.divf %sub3A_102, %add3A_105 : vector<16xf32>
      %lt3A_107 = arith.constant 0.000000e+00 : f32
      %lt3A_108 = vector.broadcast %lt3A_107 : f32 to vector<16xf32>
      %lt3A_109 = arith.cmpf olt, %gather3A_94, %lt3A_108 : vector<16xf32>
      %neg3A_110 = arith.constant 0.000000e+00 : f32
      %neg3A_111 = vector.broadcast %neg3A_110 : f32 to vector<16xf32>
      %neg3A_112 = arith.subf %neg3A_111, %div3A_106 : vector<16xf32>
      %select_n3A_113 = arith.select %lt3A_109, %neg3A_112, %div3A_106 : vector<16xi1>, vector<16xf32>
      %add3A_114 = arith.constant 4 : i32
      %add3A_115 = arith.addi %mul3A_23, %add3A_114 : i32
      %add3A_116 = vector.broadcast %add3A_115 : i32 to vector<16xi32>
      %add3A_117 = arith.addi %mul3A_9, %add3A_116 : vector<16xi32>
      %gather3A_118 = tpu.vector_load_idx %arg6[%add3A_117] : memref<8192xf32, #tpu.memory_space<vmem>>[vector<16xi32>], vector<16xf32>,
      %abs3A_119 = math.absf %gather3A_118 : vector<16xf32>
      %neg3A_120 = arith.constant 0.000000e+00 : f32
      %neg3A_121 = vector.broadcast %neg3A_120 : f32 to vector<16xf32>
      %neg3A_122 = arith.subf %neg3A_121, %abs3A_119 : vector<16xf32>
      %exp3A_123 = math.exp %neg3A_122 : vector<16xf32>
      %sub3A_124 = arith.constant 1.000000e+00 : f32
      %sub3A_125 = vector.broadcast %sub3A_124 : f32 to vector<16xf32>
      %sub3A_126 = arith.subf %sub3A_125, %exp3A_123 : vector<16xf32>
      %add3A_127 = arith.constant 1.000000e+00 : f32
      %add3A_128 = vector.broadcast %add3A_127 : f32 to vector<16xf32>
      %add3A_129 = arith.addf %add3A_128, %exp3A_123 : vector<16xf32>
      %div3A_130 = arith.divf %sub3A_126, %add3A_129 : vector<16xf32>
      %lt3A_131 = arith.constant 0.000000e+00 : f32
      %lt3A_132 = vector.broadcast %lt3A_131 : f32 to vector<16xf32>
      %lt3A_133 = arith.cmpf olt, %gather3A_118, %lt3A_132 : vector<16xf32>
      %neg3A_134 = arith.constant 0.000000e+00 : f32
      %neg3A_135 = vector.broadcast %neg3A_134 : f32 to vector<16xf32>
      %neg3A_136 = arith.subf %neg3A_135, %div3A_130 : vector<16xf32>
      %select_n3A_137 = arith.select %lt3A_133, %neg3A_136, %div3A_130 : vector<16xi1>, vector<16xf32>
      %add3A_138 = arith.constant 5 : i32
      %add3A_139 = arith.addi %mul3A_23, %add3A_138 : i32
      %add3A_140 = vector.broadcast %add3A_139 : i32 to vector<16xi32>
      %add3A_141 = arith.addi %mul3A_9, %add3A_140 : vector<16xi32>
      %gather3A_142 = tpu.vector_load_idx %arg6[%add3A_141] : memref<8192xf32, #tpu.memory_space<vmem>>[vector<16xi32>], vector<16xf32>,
      %abs3A_143 = math.absf %gather3A_142 : vector<16xf32>
      %neg3A_144 = arith.constant 0.000000e+00 : f32
      %neg3A_145 = vector.broadcast %neg3A_144 : f32 to vector<16xf32>
      %neg3A_146 = arith.subf %neg3A_145, %abs3A_143 : vector<16xf32>
      %exp3A_147 = math.exp %neg3A_146 : vector<16xf32>
      %sub3A_148 = arith.constant 1.000000e+00 : f32
      %sub3A_149 = vector.broadcast %sub3A_148 : f32 to vector<16xf32>
      %sub3A_150 = arith.subf %sub3A_149, %exp3A_147 : vector<16xf32>
      %add3A_151 = arith.constant 1.000000e+00 : f32
      %add3A_152 = vector.broadcast %add3A_151 : f32 to vector<16xf32>
      %add3A_153 = arith.addf %add3A_152, %exp3A_147 : vector<16xf32>
      %div3A_154 = arith.divf %sub3A_150, %add3A_153 : vector<16xf32>
      %lt3A_155 = arith.constant 0.000000e+00 : f32
      %lt3A_156 = vector.broadcast %lt3A_155 : f32 to vector<16xf32>
      %lt3A_157 = arith.cmpf olt, %gather3A_142, %lt3A_156 : vector<16xf32>
      %neg3A_158 = arith.constant 0.000000e+00 : f32
      %neg3A_159 = vector.broadcast %neg3A_158 : f32 to vector<16xf32>
      %neg3A_160 = arith.subf %neg3A_159, %div3A_154 : vector<16xf32>
      %select_n3A_161 = arith.select %lt3A_157, %neg3A_160, %div3A_154 : vector<16xi1>, vector<16xf32>
      %add3A_162 = arith.constant 6 : i32
      %add3A_163 = arith.addi %mul3A_23, %add3A_162 : i32
      %add3A_164 = vector.broadcast %add3A_163 : i32 to vector<16xi32>
      %add3A_165 = arith.addi %mul3A_9, %add3A_164 : vector<16xi32>
      %gather3A_166 = tpu.vector_load_idx %arg6[%add3A_165] : memref<8192xf32, #tpu.memory_space<vmem>>[vector<16xi32>], vector<16xf32>,
      %abs3A_167 = math.absf %gather3A_166 : vector<16xf32>
      %neg3A_168 = arith.constant 0.000000e+00 : f32
      %neg3A_169 = vector.broadcast %neg3A_168 : f32 to vector<16xf32>
      %neg3A_170 = arith.subf %neg3A_169, %abs3A_167 : vector<16xf32>
      %exp3A_171 = math.exp %neg3A_170 : vector<16xf32>
      %sub3A_172 = arith.constant 1.000000e+00 : f32
      %sub3A_173 = vector.broadcast %sub3A_172 : f32 to vector<16xf32>
      %sub3A_174 = arith.subf %sub3A_173, %exp3A_171 : vector<16xf32>
      %add3A_175 = arith.constant 1.000000e+00 : f32
      %add3A_176 = vector.broadcast %add3A_175 : f32 to vector<16xf32>
      %add3A_177 = arith.addf %add3A_176, %exp3A_171 : vector<16xf32>
      %div3A_178 = arith.divf %sub3A_174, %add3A_177 : vector<16xf32>
      %lt3A_179 = arith.constant 0.000000e+00 : f32
      %lt3A_180 = vector.broadcast %lt3A_179 : f32 to vector<16xf32>
      %lt3A_181 = arith.cmpf olt, %gather3A_166, %lt3A_180 : vector<16xf32>
      %neg3A_182 = arith.constant 0.000000e+00 : f32
      %neg3A_183 = vector.broadcast %neg3A_182 : f32 to vector<16xf32>
      %neg3A_184 = arith.subf %neg3A_183, %div3A_178 : vector<16xf32>
      %select_n3A_185 = arith.select %lt3A_181, %neg3A_184, %div3A_178 : vector<16xi1>, vector<16xf32>
      %add3A_186 = arith.constant 7 : i32
      %add3A_187 = arith.addi %mul3A_23, %add3A_186 : i32
      %add3A_188 = vector.broadcast %add3A_187 : i32 to vector<16xi32>
      %add3A_189 = arith.addi %mul3A_9, %add3A_188 : vector<16xi32>
      %gather3A_190 = tpu.vector_load_idx %arg6[%add3A_189] : memref<8192xf32, #tpu.memory_space<vmem>>[vector<16xi32>], vector<16xf32>,
      %abs3A_191 = math.absf %gather3A_190 : vector<16xf32>
      %neg3A_192 = arith.constant 0.000000e+00 : f32
      %neg3A_193 = vector.broadcast %neg3A_192 : f32 to vector<16xf32>
      %neg3A_194 = arith.subf %neg3A_193, %abs3A_191 : vector<16xf32>
      %exp3A_195 = math.exp %neg3A_194 : vector<16xf32>
      %sub3A_196 = arith.constant 1.000000e+00 : f32
      %sub3A_197 = vector.broadcast %sub3A_196 : f32 to vector<16xf32>
      %sub3A_198 = arith.subf %sub3A_197, %exp3A_195 : vector<16xf32>
      %add3A_199 = arith.constant 1.000000e+00 : f32
      %add3A_200 = vector.broadcast %add3A_199 : f32 to vector<16xf32>
      %add3A_201 = arith.addf %add3A_200, %exp3A_195 : vector<16xf32>
      %div3A_202 = arith.divf %sub3A_198, %add3A_201 : vector<16xf32>
      %lt3A_203 = arith.constant 0.000000e+00 : f32
      %lt3A_204 = vector.broadcast %lt3A_203 : f32 to vector<16xf32>
      %lt3A_205 = arith.cmpf olt, %gather3A_190, %lt3A_204 : vector<16xf32>
      %neg3A_206 = arith.constant 0.000000e+00 : f32
      %neg3A_207 = vector.broadcast %neg3A_206 : f32 to vector<16xf32>
      %neg3A_208 = arith.subf %neg3A_207, %div3A_202 : vector<16xf32>
      %select_n3A_209 = arith.select %lt3A_205, %neg3A_208, %div3A_202 : vector<16xi1>, vector<16xf32>
      %add3A_210 = arith.constant 8 : i32
      %add3A_211 = arith.addi %mul3A_23, %add3A_210 : i32
      %add3A_212 = vector.broadcast %add3A_211 : i32 to vector<16xi32>
      %add3A_213 = arith.addi %mul3A_9, %add3A_212 : vector<16xi32>
      %gather3A_214 = tpu.vector_load_idx %arg6[%add3A_213] : memref<8192xf32, #tpu.memory_space<vmem>>[vector<16xi32>], vector<16xf32>,
      %abs3A_215 = math.absf %gather3A_214 : vector<16xf32>
      %neg3A_216 = arith.constant 0.000000e+00 : f32
      %neg3A_217 = vector.broadcast %neg3A_216 : f32 to vector<16xf32>
      %neg3A_218 = arith.subf %neg3A_217, %abs3A_215 : vector<16xf32>
      %exp3A_219 = math.exp %neg3A_218 : vector<16xf32>
      %sub3A_220 = arith.constant 1.000000e+00 : f32
      %sub3A_221 = vector.broadcast %sub3A_220 : f32 to vector<16xf32>
      %sub3A_222 = arith.subf %sub3A_221, %exp3A_219 : vector<16xf32>
      %add3A_223 = arith.constant 1.000000e+00 : f32
      %add3A_224 = vector.broadcast %add3A_223 : f32 to vector<16xf32>
      %add3A_225 = arith.addf %add3A_224, %exp3A_219 : vector<16xf32>
      %div3A_226 = arith.divf %sub3A_222, %add3A_225 : vector<16xf32>
      %lt3A_227 = arith.constant 0.000000e+00 : f32
      %lt3A_228 = vector.broadcast %lt3A_227 : f32 to vector<16xf32>
      %lt3A_229 = arith.cmpf olt, %gather3A_214, %lt3A_228 : vector<16xf32>
      %neg3A_230 = arith.constant 0.000000e+00 : f32
      %neg3A_231 = vector.broadcast %neg3A_230 : f32 to vector<16xf32>
      %neg3A_232 = arith.subf %neg3A_231, %div3A_226 : vector<16xf32>
      %select_n3A_233 = arith.select %lt3A_229, %neg3A_232, %div3A_226 : vector<16xi1>, vector<16xf32>
      %add3A_234 = arith.constant 9 : i32
      %add3A_235 = arith.addi %mul3A_23, %add3A_234 : i32
      %add3A_236 = vector.broadcast %add3A_235 : i32 to vector<16xi32>
      %add3A_237 = arith.addi %mul3A_9, %add3A_236 : vector<16xi32>
      %gather3A_238 = tpu.vector_load_idx %arg6[%add3A_237] : memref<8192xf32, #tpu.memory_space<vmem>>[vector<16xi32>], vector<16xf32>,
      %abs3A_239 = math.absf %gather3A_238 : vector<16xf32>
      %neg3A_240 = arith.constant 0.000000e+00 : f32
      %neg3A_241 = vector.broadcast %neg3A_240 : f32 to vector<16xf32>
      %neg3A_242 = arith.subf %neg3A_241, %abs3A_239 : vector<16xf32>
      %exp3A_243 = math.exp %neg3A_242 : vector<16xf32>
      %sub3A_244 = arith.constant 1.000000e+00 : f32
      %sub3A_245 = vector.broadcast %sub3A_244 : f32 to vector<16xf32>
      %sub3A_246 = arith.subf %sub3A_245, %exp3A_243 : vector<16xf32>
      %add3A_247 = arith.constant 1.000000e+00 : f32
      %add3A_248 = vector.broadcast %add3A_247 : f32 to vector<16xf32>
      %add3A_249 = arith.addf %add3A_248, %exp3A_243 : vector<16xf32>
      %div3A_250 = arith.divf %sub3A_246, %add3A_249 : vector<16xf32>
      %lt3A_251 = arith.constant 0.000000e+00 : f32
      %lt3A_252 = vector.broadcast %lt3A_251 : f32 to vector<16xf32>
      %lt3A_253 = arith.cmpf olt, %gather3A_238, %lt3A_252 : vector<16xf32>
      %neg3A_254 = arith.constant 0.000000e+00 : f32
      %neg3A_255 = vector.broadcast %neg3A_254 : f32 to vector<16xf32>
      %neg3A_256 = arith.subf %neg3A_255, %div3A_250 : vector<16xf32>
      %select_n3A_257 = arith.select %lt3A_253, %neg3A_256, %div3A_250 : vector<16xi1>, vector<16xf32>
      %add3A_258 = arith.constant 10 : i32
      %add3A_259 = arith.addi %mul3A_23, %add3A_258 : i32
      %add3A_260 = vector.broadcast %add3A_259 : i32 to vector<16xi32>
      %add3A_261 = arith.addi %mul3A_9, %add3A_260 : vector<16xi32>
      %gather3A_262 = tpu.vector_load_idx %arg6[%add3A_261] : memref<8192xf32, #tpu.memory_space<vmem>>[vector<16xi32>], vector<16xf32>,
      %abs3A_263 = math.absf %gather3A_262 : vector<16xf32>
      %neg3A_264 = arith.constant 0.000000e+00 : f32
      %neg3A_265 = vector.broadcast %neg3A_264 : f32 to vector<16xf32>
      %neg3A_266 = arith.subf %neg3A_265, %abs3A_263 : vector<16xf32>
      %exp3A_267 = math.exp %neg3A_266 : vector<16xf32>
      %sub3A_268 = arith.constant 1.000000e+00 : f32
      %sub3A_269 = vector.broadcast %sub3A_268 : f32 to vector<16xf32>
      %sub3A_270 = arith.subf %sub3A_269, %exp3A_267 : vector<16xf32>
      %add3A_271 = arith.constant 1.000000e+00 : f32
      %add3A_272 = vector.broadcast %add3A_271 : f32 to vector<16xf32>
      %add3A_273 = arith.addf %add3A_272, %exp3A_267 : vector<16xf32>
      %div3A_274 = arith.divf %sub3A_270, %add3A_273 : vector<16xf32>
      %lt3A_275 = arith.constant 0.000000e+00 : f32
      %lt3A_276 = vector.broadcast %lt3A_275 : f32 to vector<16xf32>
      %lt3A_277 = arith.cmpf olt, %gather3A_262, %lt3A_276 : vector<16xf32>
      %neg3A_278 = arith.constant 0.000000e+00 : f32
      %neg3A_279 = vector.broadcast %neg3A_278 : f32 to vector<16xf32>
      %neg3A_280 = arith.subf %neg3A_279, %div3A_274 : vector<16xf32>
      %select_n3A_281 = arith.select %lt3A_277, %neg3A_280, %div3A_274 : vector<16xi1>, vector<16xf32>
      %add3A_282 = arith.constant 11 : i32
      %add3A_283 = arith.addi %mul3A_23, %add3A_282 : i32
      %add3A_284 = vector.broadcast %add3A_283 : i32 to vector<16xi32>
      %add3A_285 = arith.addi %mul3A_9, %add3A_284 : vector<16xi32>
      %gather3A_286 = tpu.vector_load_idx %arg6[%add3A_285] : memref<8192xf32, #tpu.memory_space<vmem>>[vector<16xi32>], vector<16xf32>,
      %abs3A_287 = math.absf %gather3A_286 : vector<16xf32>
      %neg3A_288 = arith.constant 0.000000e+00 : f32
      %neg3A_289 = vector.broadcast %neg3A_288 : f32 to vector<16xf32>
      %neg3A_290 = arith.subf %neg3A_289, %abs3A_287 : vector<16xf32>
      %exp3A_291 = math.exp %neg3A_290 : vector<16xf32>
      %sub3A_292 = arith.constant 1.000000e+00 : f32
      %sub3A_293 = vector.broadcast %sub3A_292 : f32 to vector<16xf32>
      %sub3A_294 = arith.subf %sub3A_293, %exp3A_291 : vector<16xf32>
      %add3A_295 = arith.constant 1.000000e+00 : f32
      %add3A_296 = vector.broadcast %add3A_295 : f32 to vector<16xf32>
      %add3A_297 = arith.addf %add3A_296, %exp3A_291 : vector<16xf32>
      %div3A_298 = arith.divf %sub3A_294, %add3A_297 : vector<16xf32>
      %lt3A_299 = arith.constant 0.000000e+00 : f32
      %lt3A_300 = vector.broadcast %lt3A_299 : f32 to vector<16xf32>
      %lt3A_301 = arith.cmpf olt, %gather3A_286, %lt3A_300 : vector<16xf32>
      %neg3A_302 = arith.constant 0.000000e+00 : f32
      %neg3A_303 = vector.broadcast %neg3A_302 : f32 to vector<16xf32>
      %neg3A_304 = arith.subf %neg3A_303, %div3A_298 : vector<16xf32>
      %select_n3A_305 = arith.select %lt3A_301, %neg3A_304, %div3A_298 : vector<16xi1>, vector<16xf32>
      %add3A_306 = arith.constant 12 : i32
      %add3A_307 = arith.addi %mul3A_23, %add3A_306 : i32
      %add3A_308 = vector.broadcast %add3A_307 : i32 to vector<16xi32>
      %add3A_309 = arith.addi %mul3A_9, %add3A_308 : vector<16xi32>
      %gather3A_310 = tpu.vector_load_idx %arg6[%add3A_309] : memref<8192xf32, #tpu.memory_space<vmem>>[vector<16xi32>], vector<16xf32>,
      %abs3A_311 = math.absf %gather3A_310 : vector<16xf32>
      %neg3A_312 = arith.constant 0.000000e+00 : f32
      %neg3A_313 = vector.broadcast %neg3A_312 : f32 to vector<16xf32>
      %neg3A_314 = arith.subf %neg3A_313, %abs3A_311 : vector<16xf32>
      %exp3A_315 = math.exp %neg3A_314 : vector<16xf32>
      %sub3A_316 = arith.constant 1.000000e+00 : f32
      %sub3A_317 = vector.broadcast %sub3A_316 : f32 to vector<16xf32>
      %sub3A_318 = arith.subf %sub3A_317, %exp3A_315 : vector<16xf32>
      %add3A_319 = arith.constant 1.000000e+00 : f32
      %add3A_320 = vector.broadcast %add3A_319 : f32 to vector<16xf32>
      %add3A_321 = arith.addf %add3A_320, %exp3A_315 : vector<16xf32>
      %div3A_322 = arith.divf %sub3A_318, %add3A_321 : vector<16xf32>
      %lt3A_323 = arith.constant 0.000000e+00 : f32
      %lt3A_324 = vector.broadcast %lt3A_323 : f32 to vector<16xf32>
      %lt3A_325 = arith.cmpf olt, %gather3A_310, %lt3A_324 : vector<16xf32>
      %neg3A_326 = arith.constant 0.000000e+00 : f32
      %neg3A_327 = vector.broadcast %neg3A_326 : f32 to vector<16xf32>
      %neg3A_328 = arith.subf %neg3A_327, %div3A_322 : vector<16xf32>
      %select_n3A_329 = arith.select %lt3A_325, %neg3A_328, %div3A_322 : vector<16xi1>, vector<16xf32>
      %add3A_330 = arith.constant 13 : i32
      %add3A_331 = arith.addi %mul3A_23, %add3A_330 : i32
      %add3A_332 = vector.broadcast %add3A_331 : i32 to vector<16xi32>
      %add3A_333 = arith.addi %mul3A_9, %add3A_332 : vector<16xi32>
      %gather3A_334 = tpu.vector_load_idx %arg6[%add3A_333] : memref<8192xf32, #tpu.memory_space<vmem>>[vector<16xi32>], vector<16xf32>,
      %abs3A_335 = math.absf %gather3A_334 : vector<16xf32>
      %neg3A_336 = arith.constant 0.000000e+00 : f32
      %neg3A_337 = vector.broadcast %neg3A_336 : f32 to vector<16xf32>
      %neg3A_338 = arith.subf %neg3A_337, %abs3A_335 : vector<16xf32>
      %exp3A_339 = math.exp %neg3A_338 : vector<16xf32>
      %sub3A_340 = arith.constant 1.000000e+00 : f32
      %sub3A_341 = vector.broadcast %sub3A_340 : f32 to vector<16xf32>
      %sub3A_342 = arith.subf %sub3A_341, %exp3A_339 : vector<16xf32>
      %add3A_343 = arith.constant 1.000000e+00 : f32
      %add3A_344 = vector.broadcast %add3A_343 : f32 to vector<16xf32>
      %add3A_345 = arith.addf %add3A_344, %exp3A_339 : vector<16xf32>
      %div3A_346 = arith.divf %sub3A_342, %add3A_345 : vector<16xf32>
      %lt3A_347 = arith.constant 0.000000e+00 : f32
      %lt3A_348 = vector.broadcast %lt3A_347 : f32 to vector<16xf32>
      %lt3A_349 = arith.cmpf olt, %gather3A_334, %lt3A_348 : vector<16xf32>
      %neg3A_350 = arith.constant 0.000000e+00 : f32
      %neg3A_351 = vector.broadcast %neg3A_350 : f32 to vector<16xf32>
      %neg3A_352 = arith.subf %neg3A_351, %div3A_346 : vector<16xf32>
      %select_n3A_353 = arith.select %lt3A_349, %neg3A_352, %div3A_346 : vector<16xi1>, vector<16xf32>
      %add3A_354 = arith.constant 14 : i32
      %add3A_355 = arith.addi %mul3A_23, %add3A_354 : i32
      %add3A_356 = vector.broadcast %add3A_355 : i32 to vector<16xi32>
      %add3A_357 = arith.addi %mul3A_9, %add3A_356 : vector<16xi32>
      %gather3A_358 = tpu.vector_load_idx %arg6[%add3A_357] : memref<8192xf32, #tpu.memory_space<vmem>>[vector<16xi32>], vector<16xf32>,
      %abs3A_359 = math.absf %gather3A_358 : vector<16xf32>
      %neg3A_360 = arith.constant 0.000000e+00 : f32
      %neg3A_361 = vector.broadcast %neg3A_360 : f32 to vector<16xf32>
      %neg3A_362 = arith.subf %neg3A_361, %abs3A_359 : vector<16xf32>
      %exp3A_363 = math.exp %neg3A_362 : vector<16xf32>
      %sub3A_364 = arith.constant 1.000000e+00 : f32
      %sub3A_365 = vector.broadcast %sub3A_364 : f32 to vector<16xf32>
      %sub3A_366 = arith.subf %sub3A_365, %exp3A_363 : vector<16xf32>
      %add3A_367 = arith.constant 1.000000e+00 : f32
      %add3A_368 = vector.broadcast %add3A_367 : f32 to vector<16xf32>
      %add3A_369 = arith.addf %add3A_368, %exp3A_363 : vector<16xf32>
      %div3A_370 = arith.divf %sub3A_366, %add3A_369 : vector<16xf32>
      %lt3A_371 = arith.constant 0.000000e+00 : f32
      %lt3A_372 = vector.broadcast %lt3A_371 : f32 to vector<16xf32>
      %lt3A_373 = arith.cmpf olt, %gather3A_358, %lt3A_372 : vector<16xf32>
      %neg3A_374 = arith.constant 0.000000e+00 : f32
      %neg3A_375 = vector.broadcast %neg3A_374 : f32 to vector<16xf32>
      %neg3A_376 = arith.subf %neg3A_375, %div3A_370 : vector<16xf32>
      %select_n3A_377 = arith.select %lt3A_373, %neg3A_376, %div3A_370 : vector<16xi1>, vector<16xf32>
      %add3A_378 = arith.constant 15 : i32
      %add3A_379 = arith.addi %mul3A_23, %add3A_378 : i32
      %add3A_380 = vector.broadcast %add3A_379 : i32 to vector<16xi32>
      %add3A_381 = arith.addi %mul3A_9, %add3A_380 : vector<16xi32>
      %gather3A_382 = tpu.vector_load_idx %arg6[%add3A_381] : memref<8192xf32, #tpu.memory_space<vmem>>[vector<16xi32>], vector<16xf32>,
      %abs3A_383 = math.absf %gather3A_382 : vector<16xf32>
      %neg3A_384 = arith.constant 0.000000e+00 : f32
      %neg3A_385 = vector.broadcast %neg3A_384 : f32 to vector<16xf32>
      %neg3A_386 = arith.subf %neg3A_385, %abs3A_383 : vector<16xf32>
      %exp3A_387 = math.exp %neg3A_386 : vector<16xf32>
      %sub3A_388 = arith.constant 1.000000e+00 : f32
      %sub3A_389 = vector.broadcast %sub3A_388 : f32 to vector<16xf32>
      %sub3A_390 = arith.subf %sub3A_389, %exp3A_387 : vector<16xf32>
      %add3A_391 = arith.constant 1.000000e+00 : f32
      %add3A_392 = vector.broadcast %add3A_391 : f32 to vector<16xf32>
      %add3A_393 = arith.addf %add3A_392, %exp3A_387 : vector<16xf32>
      %div3A_394 = arith.divf %sub3A_390, %add3A_393 : vector<16xf32>
      %lt3A_395 = arith.constant 0.000000e+00 : f32
      %lt3A_396 = vector.broadcast %lt3A_395 : f32 to vector<16xf32>
      %lt3A_397 = arith.cmpf olt, %gather3A_382, %lt3A_396 : vector<16xf32>
      %neg3A_398 = arith.constant 0.000000e+00 : f32
      %neg3A_399 = vector.broadcast %neg3A_398 : f32 to vector<16xf32>
      %neg3A_400 = arith.subf %neg3A_399, %div3A_394 : vector<16xf32>
      %select_n3A_401 = arith.select %lt3A_397, %neg3A_400, %div3A_394 : vector<16xi1>, vector<16xf32>
      %add3A_402 = arith.constant 0 : i32
      %add3A_403 = arith.addi %mul3A_25, %add3A_402 : i32
      %add3A_404 = vector.broadcast %add3A_403 : i32 to vector<16xi32>
      %add3A_405 = arith.addi %mul3A_12, %add3A_404 : vector<16xi32>
      %gather3A_406 = tpu.vector_load_idx %arg7[%add3A_405] : memref<7680xf32, #tpu.memory_space<vmem>>[vector<16xi32>], vector<16xf32>,
      %add3A_407 = arith.constant 1 : i32
      %add3A_408 = arith.addi %mul3A_25, %add3A_407 : i32
      %add3A_409 = vector.broadcast %add3A_408 : i32 to vector<16xi32>
      %add3A_410 = arith.addi %mul3A_12, %add3A_409 : vector<16xi32>
      %gather3A_411 = tpu.vector_load_idx %arg7[%add3A_410] : memref<7680xf32, #tpu.memory_space<vmem>>[vector<16xi32>], vector<16xf32>,
      %add3A_412 = arith.constant 2 : i32
      %add3A_413 = arith.addi %mul3A_25, %add3A_412 : i32
      %add3A_414 = vector.broadcast %add3A_413 : i32 to vector<16xi32>
      %add3A_415 = arith.addi %mul3A_12, %add3A_414 : vector<16xi32>
      %gather3A_416 = tpu.vector_load_idx %arg7[%add3A_415] : memref<7680xf32, #tpu.memory_space<vmem>>[vector<16xi32>], vector<16xf32>,
      %add3A_417 = arith.constant 3 : i32
      %add3A_418 = arith.addi %mul3A_25, %add3A_417 : i32
      %add3A_419 = vector.broadcast %add3A_418 : i32 to vector<16xi32>
      %add3A_420 = arith.addi %mul3A_12, %add3A_419 : vector<16xi32>
      %gather3A_421 = tpu.vector_load_idx %arg7[%add3A_420] : memref<7680xf32, #tpu.memory_space<vmem>>[vector<16xi32>], vector<16xf32>,
      %add3A_422 = arith.constant 4 : i32
      %add3A_423 = arith.addi %mul3A_25, %add3A_422 : i32
      %add3A_424 = vector.broadcast %add3A_423 : i32 to vector<16xi32>
      %add3A_425 = arith.addi %mul3A_12, %add3A_424 : vector<16xi32>
      %gather3A_426 = tpu.vector_load_idx %arg7[%add3A_425] : memref<7680xf32, #tpu.memory_space<vmem>>[vector<16xi32>], vector<16xf32>,
      %add3A_427 = arith.constant 5 : i32
      %add3A_428 = arith.addi %mul3A_25, %add3A_427 : i32
      %add3A_429 = vector.broadcast %add3A_428 : i32 to vector<16xi32>
      %add3A_430 = arith.addi %mul3A_12, %add3A_429 : vector<16xi32>
      %gather3A_431 = tpu.vector_load_idx %arg7[%add3A_430] : memref<7680xf32, #tpu.memory_space<vmem>>[vector<16xi32>], vector<16xf32>,
      %add3A_432 = arith.constant 6 : i32
      %add3A_433 = arith.addi %mul3A_25, %add3A_432 : i32
      %add3A_434 = vector.broadcast %add3A_433 : i32 to vector<16xi32>
      %add3A_435 = arith.addi %mul3A_12, %add3A_434 : vector<16xi32>
      %gather3A_436 = tpu.vector_load_idx %arg7[%add3A_435] : memref<7680xf32, #tpu.memory_space<vmem>>[vector<16xi32>], vector<16xf32>,
      %add3A_437 = arith.constant 7 : i32
      %add3A_438 = arith.addi %mul3A_25, %add3A_437 : i32
      %add3A_439 = vector.broadcast %add3A_438 : i32 to vector<16xi32>
      %add3A_440 = arith.addi %mul3A_12, %add3A_439 : vector<16xi32>
      %gather3A_441 = tpu.vector_load_idx %arg7[%add3A_440] : memref<7680xf32, #tpu.memory_space<vmem>>[vector<16xi32>], vector<16xf32>,
      %add3A_442 = arith.constant 8 : i32
      %add3A_443 = arith.addi %mul3A_25, %add3A_442 : i32
      %add3A_444 = vector.broadcast %add3A_443 : i32 to vector<16xi32>
      %add3A_445 = arith.addi %mul3A_12, %add3A_444 : vector<16xi32>
      %gather3A_446 = tpu.vector_load_idx %arg7[%add3A_445] : memref<7680xf32, #tpu.memory_space<vmem>>[vector<16xi32>], vector<16xf32>,
      %add3A_447 = arith.constant 9 : i32
      %add3A_448 = arith.addi %mul3A_25, %add3A_447 : i32
      %add3A_449 = vector.broadcast %add3A_448 : i32 to vector<16xi32>
      %add3A_450 = arith.addi %mul3A_12, %add3A_449 : vector<16xi32>
      %gather3A_451 = tpu.vector_load_idx %arg7[%add3A_450] : memref<7680xf32, #tpu.memory_space<vmem>>[vector<16xi32>], vector<16xf32>,
      %add3A_452 = arith.constant 10 : i32
      %add3A_453 = arith.addi %mul3A_25, %add3A_452 : i32
      %add3A_454 = vector.broadcast %add3A_453 : i32 to vector<16xi32>
      %add3A_455 = arith.addi %mul3A_12, %add3A_454 : vector<16xi32>
      %gather3A_456 = tpu.vector_load_idx %arg7[%add3A_455] : memref<7680xf32, #tpu.memory_space<vmem>>[vector<16xi32>], vector<16xf32>,
      %add3A_457 = arith.constant 11 : i32
      %add3A_458 = arith.addi %mul3A_25, %add3A_457 : i32
      %add3A_459 = vector.broadcast %add3A_458 : i32 to vector<16xi32>
      %add3A_460 = arith.addi %mul3A_12, %add3A_459 : vector<16xi32>
      %gather3A_461 = tpu.vector_load_idx %arg7[%add3A_460] : memref<7680xf32, #tpu.memory_space<vmem>>[vector<16xi32>], vector<16xf32>,
      %add3A_462 = arith.constant 12 : i32
      %add3A_463 = arith.addi %mul3A_25, %add3A_462 : i32
      %add3A_464 = vector.broadcast %add3A_463 : i32 to vector<16xi32>
      %add3A_465 = arith.addi %mul3A_12, %add3A_464 : vector<16xi32>
      %gather3A_466 = tpu.vector_load_idx %arg7[%add3A_465] : memref<7680xf32, #tpu.memory_space<vmem>>[vector<16xi32>], vector<16xf32>,
      %add3A_467 = arith.constant 13 : i32
      %add3A_468 = arith.addi %mul3A_25, %add3A_467 : i32
      %add3A_469 = vector.broadcast %add3A_468 : i32 to vector<16xi32>
      %add3A_470 = arith.addi %mul3A_12, %add3A_469 : vector<16xi32>
      %gather3A_471 = tpu.vector_load_idx %arg7[%add3A_470] : memref<7680xf32, #tpu.memory_space<vmem>>[vector<16xi32>], vector<16xf32>,
      %add3A_472 = arith.constant 14 : i32
      %add3A_473 = arith.addi %mul3A_25, %add3A_472 : i32
      %add3A_474 = vector.broadcast %add3A_473 : i32 to vector<16xi32>
      %add3A_475 = arith.addi %mul3A_12, %add3A_474 : vector<16xi32>
      %gather3A_476 = tpu.vector_load_idx %arg7[%add3A_475] : memref<7680xf32, #tpu.memory_space<vmem>>[vector<16xi32>], vector<16xf32>,
      %mul3A_477 = arith.mulf %select_n3A, %select_n3A_65 : vector<16xf32>
      %jit3A = arith.constant -0.999998986 : f32
      %jit3A_478 = arith.constant 0.999998986 : f32
      %max3A = vector.broadcast %jit3A : f32 to vector<16xf32>
      %max3A_479 = arith.maximumf %max3A, %mul3A_477 : vector<16xf32>
      %min3A = vector.broadcast %jit3A_478 : f32 to vector<16xf32>
      %min3A_480 = arith.minimumf %min3A, %max3A_479 : vector<16xf32>
      %sub3A_481 = arith.constant 1.000000e+00 : f32
      %sub3A_482 = vector.broadcast %sub3A_481 : f32 to vector<16xf32>
      %sub3A_483 = arith.subf %sub3A_482, %min3A_480 : vector<16xf32>
      %bitcast_convert_type3A = tpu.bitcast %sub3A_483 : vector<16xf32> -> vector<16xi32>
      %shift_right_arithmetic3A = arith.constant 23 : i32
      %shift_right_arithmetic3A_484 = vector.broadcast %shift_right_arithmetic3A : i32 to vector<16xi32>
      %shift_right_arithmetic3A_485 = arith.shrsi %bitcast_convert_type3A, %shift_right_arithmetic3A_484 : vector<16xi32>
      %sub3A_486 = arith.constant 127 : i32
      %sub3A_487 = vector.broadcast %sub3A_486 : i32 to vector<16xi32>
      %sub3A_488 = arith.subi %shift_right_arithmetic3A_485, %sub3A_487 : vector<16xi32>
      %convert_element_type3A = arith.sitofp %sub3A_488 : vector<16xi32> to vector<16xf32>
      %and3A = arith.constant 8388607 : i32
      %and3A_489 = vector.broadcast %and3A : i32 to vector<16xi32>
      %and3A_490 = arith.andi %bitcast_convert_type3A, %and3A_489 : vector<16xi32>
      %or3A = arith.constant 1065353216 : i32
      %or3A_491 = vector.broadcast %or3A : i32 to vector<16xi32>
      %or3A_492 = arith.ori %and3A_490, %or3A_491 : vector<16xi32>
      %bitcast_convert_type3A_493 = tpu.bitcast %or3A_492 : vector<16xi32> -> vector<16xf32>
      %sub3A_494 = arith.constant 1.000000e+00 : f32
      %sub3A_495 = vector.broadcast %sub3A_494 : f32 to vector<16xf32>
      %sub3A_496 = arith.subf %bitcast_convert_type3A_493, %sub3A_495 : vector<16xf32>
      %add3A_497 = arith.constant 1.000000e+00 : f32
      %add3A_498 = vector.broadcast %add3A_497 : f32 to vector<16xf32>
      %add3A_499 = arith.addf %bitcast_convert_type3A_493, %add3A_498 : vector<16xf32>
      %div3A_500 = arith.divf %sub3A_496, %add3A_499 : vector<16xf32>
      %mul3A_501 = arith.mulf %div3A_500, %div3A_500 : vector<16xf32>
      %mul3A_502 = arith.constant 0.142857149 : f32
      %mul3A_503 = vector.broadcast %mul3A_502 : f32 to vector<16xf32>
      %mul3A_504 = arith.mulf %mul3A_501, %mul3A_503 : vector<16xf32>
      %add3A_505 = arith.constant 2.000000e-01 : f32
      %add3A_506 = vector.broadcast %add3A_505 : f32 to vector<16xf32>
      %add3A_507 = arith.addf %add3A_506, %mul3A_504 : vector<16xf32>
      %mul3A_508 = arith.mulf %mul3A_501, %add3A_507 : vector<16xf32>
      %add3A_509 = arith.constant 0.333333343 : f32
      %add3A_510 = vector.broadcast %add3A_509 : f32 to vector<16xf32>
      %add3A_511 = arith.addf %add3A_510, %mul3A_508 : vector<16xf32>
      %mul3A_512 = arith.mulf %mul3A_501, %add3A_511 : vector<16xf32>
      %add3A_513 = arith.constant 1.000000e+00 : f32
      %add3A_514 = vector.broadcast %add3A_513 : f32 to vector<16xf32>
      %add3A_515 = arith.addf %add3A_514, %mul3A_512 : vector<16xf32>
      %mul3A_516 = arith.constant 2.000000e+00 : f32
      %mul3A_517 = vector.broadcast %mul3A_516 : f32 to vector<16xf32>
      %mul3A_518 = arith.mulf %mul3A_517, %div3A_500 : vector<16xf32>
      %mul3A_519 = arith.mulf %mul3A_518, %add3A_515 : vector<16xf32>
      %mul3A_520 = arith.constant 0.693147182 : f32
      %mul3A_521 = vector.broadcast %mul3A_520 : f32 to vector<16xf32>
      %mul3A_522 = arith.mulf %convert_element_type3A, %mul3A_521 : vector<16xf32>
      %add3A_523 = arith.addf %mul3A_519, %mul3A_522 : vector<16xf32>
      %mul3A_524 = arith.mulf %gather3A_406, %add3A_523 : vector<16xf32>
      %sub3A_525 = arith.constant 0.693147182 : f32
      %sub3A_526 = vector.broadcast %sub3A_525 : f32 to vector<16xf32>
      %sub3A_527 = arith.subf %sub3A_526, %mul3A_524 : vector<16xf32>
      %sub3A_528 = arith.constant 1.000000e+00 : f32
      %sub3A_529 = vector.broadcast %sub3A_528 : f32 to vector<16xf32>
      %sub3A_530 = arith.subf %sub3A_529, %gather3A_406 : vector<16xf32>
      %add3A_531 = arith.constant 1.000000e+00 : f32
      %add3A_532 = vector.broadcast %add3A_531 : f32 to vector<16xf32>
      %add3A_533 = arith.addf %add3A_532, %min3A_480 : vector<16xf32>
      %bitcast_convert_type3A_534 = tpu.bitcast %add3A_533 : vector<16xf32> -> vector<16xi32>
      %shift_right_arithmetic3A_535 = arith.constant 23 : i32
      %shift_right_arithmetic3A_536 = vector.broadcast %shift_right_arithmetic3A_535 : i32 to vector<16xi32>
      %shift_right_arithmetic3A_537 = arith.shrsi %bitcast_convert_type3A_534, %shift_right_arithmetic3A_536 : vector<16xi32>
      %sub3A_538 = arith.constant 127 : i32
      %sub3A_539 = vector.broadcast %sub3A_538 : i32 to vector<16xi32>
      %sub3A_540 = arith.subi %shift_right_arithmetic3A_537, %sub3A_539 : vector<16xi32>
      %convert_element_type3A_541 = arith.sitofp %sub3A_540 : vector<16xi32> to vector<16xf32>
      %and3A_542 = arith.constant 8388607 : i32
      %and3A_543 = vector.broadcast %and3A_542 : i32 to vector<16xi32>
      %and3A_544 = arith.andi %bitcast_convert_type3A_534, %and3A_543 : vector<16xi32>
      %or3A_545 = arith.constant 1065353216 : i32
      %or3A_546 = vector.broadcast %or3A_545 : i32 to vector<16xi32>
      %or3A_547 = arith.ori %and3A_544, %or3A_546 : vector<16xi32>
      %bitcast_convert_type3A_548 = tpu.bitcast %or3A_547 : vector<16xi32> -> vector<16xf32>
      %sub3A_549 = arith.constant 1.000000e+00 : f32
      %sub3A_550 = vector.broadcast %sub3A_549 : f32 to vector<16xf32>
      %sub3A_551 = arith.subf %bitcast_convert_type3A_548, %sub3A_550 : vector<16xf32>
      %add3A_552 = arith.constant 1.000000e+00 : f32
      %add3A_553 = vector.broadcast %add3A_552 : f32 to vector<16xf32>
      %add3A_554 = arith.addf %bitcast_convert_type3A_548, %add3A_553 : vector<16xf32>
      %div3A_555 = arith.divf %sub3A_551, %add3A_554 : vector<16xf32>
      %mul3A_556 = arith.mulf %div3A_555, %div3A_555 : vector<16xf32>
      %mul3A_557 = arith.constant 0.142857149 : f32
      %mul3A_558 = vector.broadcast %mul3A_557 : f32 to vector<16xf32>
      %mul3A_559 = arith.mulf %mul3A_556, %mul3A_558 : vector<16xf32>
      %add3A_560 = arith.constant 2.000000e-01 : f32
      %add3A_561 = vector.broadcast %add3A_560 : f32 to vector<16xf32>
      %add3A_562 = arith.addf %add3A_561, %mul3A_559 : vector<16xf32>
      %mul3A_563 = arith.mulf %mul3A_556, %add3A_562 : vector<16xf32>
      %add3A_564 = arith.constant 0.333333343 : f32
      %add3A_565 = vector.broadcast %add3A_564 : f32 to vector<16xf32>
      %add3A_566 = arith.addf %add3A_565, %mul3A_563 : vector<16xf32>
      %mul3A_567 = arith.mulf %mul3A_556, %add3A_566 : vector<16xf32>
      %add3A_568 = arith.constant 1.000000e+00 : f32
      %add3A_569 = vector.broadcast %add3A_568 : f32 to vector<16xf32>
      %add3A_570 = arith.addf %add3A_569, %mul3A_567 : vector<16xf32>
      %mul3A_571 = arith.constant 2.000000e+00 : f32
      %mul3A_572 = vector.broadcast %mul3A_571 : f32 to vector<16xf32>
      %mul3A_573 = arith.mulf %mul3A_572, %div3A_555 : vector<16xf32>
      %mul3A_574 = arith.mulf %mul3A_573, %add3A_570 : vector<16xf32>
      %mul3A_575 = arith.constant 0.693147182 : f32
      %mul3A_576 = vector.broadcast %mul3A_575 : f32 to vector<16xf32>
      %mul3A_577 = arith.mulf %convert_element_type3A_541, %mul3A_576 : vector<16xf32>
      %add3A_578 = arith.addf %mul3A_574, %mul3A_577 : vector<16xf32>
      %mul3A_579 = arith.mulf %sub3A_530, %add3A_578 : vector<16xf32>
      %sub3A_580 = arith.subf %sub3A_527, %mul3A_579 : vector<16xf32>
      %mul3A_581 = arith.mulf %select_n3A_65, %select_n3A_89 : vector<16xf32>
      %jit3A_582 = arith.constant -0.999998986 : f32
      %jit3A_583 = arith.constant 0.999998986 : f32
      %max3A_584 = vector.broadcast %jit3A_582 : f32 to vector<16xf32>
      %max3A_585 = arith.maximumf %max3A_584, %mul3A_581 : vector<16xf32>
      %min3A_586 = vector.broadcast %jit3A_583 : f32 to vector<16xf32>
      %min3A_587 = arith.minimumf %min3A_586, %max3A_585 : vector<16xf32>
      %sub3A_588 = arith.constant 1.000000e+00 : f32
      %sub3A_589 = vector.broadcast %sub3A_588 : f32 to vector<16xf32>
      %sub3A_590 = arith.subf %sub3A_589, %min3A_587 : vector<16xf32>
      %bitcast_convert_type3A_591 = tpu.bitcast %sub3A_590 : vector<16xf32> -> vector<16xi32>
      %shift_right_arithmetic3A_592 = arith.constant 23 : i32
      %shift_right_arithmetic3A_593 = vector.broadcast %shift_right_arithmetic3A_592 : i32 to vector<16xi32>
      %shift_right_arithmetic3A_594 = arith.shrsi %bitcast_convert_type3A_591, %shift_right_arithmetic3A_593 : vector<16xi32>
      %sub3A_595 = arith.constant 127 : i32
      %sub3A_596 = vector.broadcast %sub3A_595 : i32 to vector<16xi32>
      %sub3A_597 = arith.subi %shift_right_arithmetic3A_594, %sub3A_596 : vector<16xi32>
      %convert_element_type3A_598 = arith.sitofp %sub3A_597 : vector<16xi32> to vector<16xf32>
      %and3A_599 = arith.constant 8388607 : i32
      %and3A_600 = vector.broadcast %and3A_599 : i32 to vector<16xi32>
      %and3A_601 = arith.andi %bitcast_convert_type3A_591, %and3A_600 : vector<16xi32>
      %or3A_602 = arith.constant 1065353216 : i32
      %or3A_603 = vector.broadcast %or3A_602 : i32 to vector<16xi32>
      %or3A_604 = arith.ori %and3A_601, %or3A_603 : vector<16xi32>
      %bitcast_convert_type3A_605 = tpu.bitcast %or3A_604 : vector<16xi32> -> vector<16xf32>
      %sub3A_606 = arith.constant 1.000000e+00 : f32
      %sub3A_607 = vector.broadcast %sub3A_606 : f32 to vector<16xf32>
      %sub3A_608 = arith.subf %bitcast_convert_type3A_605, %sub3A_607 : vector<16xf32>
      %add3A_609 = arith.constant 1.000000e+00 : f32
      %add3A_610 = vector.broadcast %add3A_609 : f32 to vector<16xf32>
      %add3A_611 = arith.addf %bitcast_convert_type3A_605, %add3A_610 : vector<16xf32>
      %div3A_612 = arith.divf %sub3A_608, %add3A_611 : vector<16xf32>
      %mul3A_613 = arith.mulf %div3A_612, %div3A_612 : vector<16xf32>
      %mul3A_614 = arith.constant 0.142857149 : f32
      %mul3A_615 = vector.broadcast %mul3A_614 : f32 to vector<16xf32>
      %mul3A_616 = arith.mulf %mul3A_613, %mul3A_615 : vector<16xf32>
      %add3A_617 = arith.constant 2.000000e-01 : f32
      %add3A_618 = vector.broadcast %add3A_617 : f32 to vector<16xf32>
      %add3A_619 = arith.addf %add3A_618, %mul3A_616 : vector<16xf32>
      %mul3A_620 = arith.mulf %mul3A_613, %add3A_619 : vector<16xf32>
      %add3A_621 = arith.constant 0.333333343 : f32
      %add3A_622 = vector.broadcast %add3A_621 : f32 to vector<16xf32>
      %add3A_623 = arith.addf %add3A_622, %mul3A_620 : vector<16xf32>
      %mul3A_624 = arith.mulf %mul3A_613, %add3A_623 : vector<16xf32>
      %add3A_625 = arith.constant 1.000000e+00 : f32
      %add3A_626 = vector.broadcast %add3A_625 : f32 to vector<16xf32>
      %add3A_627 = arith.addf %add3A_626, %mul3A_624 : vector<16xf32>
      %mul3A_628 = arith.constant 2.000000e+00 : f32
      %mul3A_629 = vector.broadcast %mul3A_628 : f32 to vector<16xf32>
      %mul3A_630 = arith.mulf %mul3A_629, %div3A_612 : vector<16xf32>
      %mul3A_631 = arith.mulf %mul3A_630, %add3A_627 : vector<16xf32>
      %mul3A_632 = arith.constant 0.693147182 : f32
      %mul3A_633 = vector.broadcast %mul3A_632 : f32 to vector<16xf32>
      %mul3A_634 = arith.mulf %convert_element_type3A_598, %mul3A_633 : vector<16xf32>
      %add3A_635 = arith.addf %mul3A_631, %mul3A_634 : vector<16xf32>
      %mul3A_636 = arith.mulf %gather3A_411, %add3A_635 : vector<16xf32>
      %sub3A_637 = arith.constant 0.693147182 : f32
      %sub3A_638 = vector.broadcast %sub3A_637 : f32 to vector<16xf32>
      %sub3A_639 = arith.subf %sub3A_638, %mul3A_636 : vector<16xf32>
      %sub3A_640 = arith.constant 1.000000e+00 : f32
      %sub3A_641 = vector.broadcast %sub3A_640 : f32 to vector<16xf32>
      %sub3A_642 = arith.subf %sub3A_641, %gather3A_411 : vector<16xf32>
      %add3A_643 = arith.constant 1.000000e+00 : f32
      %add3A_644 = vector.broadcast %add3A_643 : f32 to vector<16xf32>
      %add3A_645 = arith.addf %add3A_644, %min3A_587 : vector<16xf32>
      %bitcast_convert_type3A_646 = tpu.bitcast %add3A_645 : vector<16xf32> -> vector<16xi32>
      %shift_right_arithmetic3A_647 = arith.constant 23 : i32
      %shift_right_arithmetic3A_648 = vector.broadcast %shift_right_arithmetic3A_647 : i32 to vector<16xi32>
      %shift_right_arithmetic3A_649 = arith.shrsi %bitcast_convert_type3A_646, %shift_right_arithmetic3A_648 : vector<16xi32>
      %sub3A_650 = arith.constant 127 : i32
      %sub3A_651 = vector.broadcast %sub3A_650 : i32 to vector<16xi32>
      %sub3A_652 = arith.subi %shift_right_arithmetic3A_649, %sub3A_651 : vector<16xi32>
      %convert_element_type3A_653 = arith.sitofp %sub3A_652 : vector<16xi32> to vector<16xf32>
      %and3A_654 = arith.constant 8388607 : i32
      %and3A_655 = vector.broadcast %and3A_654 : i32 to vector<16xi32>
      %and3A_656 = arith.andi %bitcast_convert_type3A_646, %and3A_655 : vector<16xi32>
      %or3A_657 = arith.constant 1065353216 : i32
      %or3A_658 = vector.broadcast %or3A_657 : i32 to vector<16xi32>
      %or3A_659 = arith.ori %and3A_656, %or3A_658 : vector<16xi32>
      %bitcast_convert_type3A_660 = tpu.bitcast %or3A_659 : vector<16xi32> -> vector<16xf32>
      %sub3A_661 = arith.constant 1.000000e+00 : f32
      %sub3A_662 = vector.broadcast %sub3A_661 : f32 to vector<16xf32>
      %sub3A_663 = arith.subf %bitcast_convert_type3A_660, %sub3A_662 : vector<16xf32>
      %add3A_664 = arith.constant 1.000000e+00 : f32
      %add3A_665 = vector.broadcast %add3A_664 : f32 to vector<16xf32>
      %add3A_666 = arith.addf %bitcast_convert_type3A_660, %add3A_665 : vector<16xf32>
      %div3A_667 = arith.divf %sub3A_663, %add3A_666 : vector<16xf32>
      %mul3A_668 = arith.mulf %div3A_667, %div3A_667 : vector<16xf32>
      %mul3A_669 = arith.constant 0.142857149 : f32
      %mul3A_670 = vector.broadcast %mul3A_669 : f32 to vector<16xf32>
      %mul3A_671 = arith.mulf %mul3A_668, %mul3A_670 : vector<16xf32>
      %add3A_672 = arith.constant 2.000000e-01 : f32
      %add3A_673 = vector.broadcast %add3A_672 : f32 to vector<16xf32>
      %add3A_674 = arith.addf %add3A_673, %mul3A_671 : vector<16xf32>
      %mul3A_675 = arith.mulf %mul3A_668, %add3A_674 : vector<16xf32>
      %add3A_676 = arith.constant 0.333333343 : f32
      %add3A_677 = vector.broadcast %add3A_676 : f32 to vector<16xf32>
      %add3A_678 = arith.addf %add3A_677, %mul3A_675 : vector<16xf32>
      %mul3A_679 = arith.mulf %mul3A_668, %add3A_678 : vector<16xf32>
      %add3A_680 = arith.constant 1.000000e+00 : f32
      %add3A_681 = vector.broadcast %add3A_680 : f32 to vector<16xf32>
      %add3A_682 = arith.addf %add3A_681, %mul3A_679 : vector<16xf32>
      %mul3A_683 = arith.constant 2.000000e+00 : f32
      %mul3A_684 = vector.broadcast %mul3A_683 : f32 to vector<16xf32>
      %mul3A_685 = arith.mulf %mul3A_684, %div3A_667 : vector<16xf32>
      %mul3A_686 = arith.mulf %mul3A_685, %add3A_682 : vector<16xf32>
      %mul3A_687 = arith.constant 0.693147182 : f32
      %mul3A_688 = vector.broadcast %mul3A_687 : f32 to vector<16xf32>
      %mul3A_689 = arith.mulf %convert_element_type3A_653, %mul3A_688 : vector<16xf32>
      %add3A_690 = arith.addf %mul3A_686, %mul3A_689 : vector<16xf32>
      %mul3A_691 = arith.mulf %sub3A_642, %add3A_690 : vector<16xf32>
      %sub3A_692 = arith.subf %sub3A_639, %mul3A_691 : vector<16xf32>
      %mul3A_693 = arith.mulf %select_n3A_89, %select_n3A_113 : vector<16xf32>
      %jit3A_694 = arith.constant -0.999998986 : f32
      %jit3A_695 = arith.constant 0.999998986 : f32
      %max3A_696 = vector.broadcast %jit3A_694 : f32 to vector<16xf32>
      %max3A_697 = arith.maximumf %max3A_696, %mul3A_693 : vector<16xf32>
      %min3A_698 = vector.broadcast %jit3A_695 : f32 to vector<16xf32>
      %min3A_699 = arith.minimumf %min3A_698, %max3A_697 : vector<16xf32>
      %sub3A_700 = arith.constant 1.000000e+00 : f32
      %sub3A_701 = vector.broadcast %sub3A_700 : f32 to vector<16xf32>
      %sub3A_702 = arith.subf %sub3A_701, %min3A_699 : vector<16xf32>
      %bitcast_convert_type3A_703 = tpu.bitcast %sub3A_702 : vector<16xf32> -> vector<16xi32>
      %shift_right_arithmetic3A_704 = arith.constant 23 : i32
      %shift_right_arithmetic3A_705 = vector.broadcast %shift_right_arithmetic3A_704 : i32 to vector<16xi32>
      %shift_right_arithmetic3A_706 = arith.shrsi %bitcast_convert_type3A_703, %shift_right_arithmetic3A_705 : vector<16xi32>
      %sub3A_707 = arith.constant 127 : i32
      %sub3A_708 = vector.broadcast %sub3A_707 : i32 to vector<16xi32>
      %sub3A_709 = arith.subi %shift_right_arithmetic3A_706, %sub3A_708 : vector<16xi32>
      %convert_element_type3A_710 = arith.sitofp %sub3A_709 : vector<16xi32> to vector<16xf32>
      %and3A_711 = arith.constant 8388607 : i32
      %and3A_712 = vector.broadcast %and3A_711 : i32 to vector<16xi32>
      %and3A_713 = arith.andi %bitcast_convert_type3A_703, %and3A_712 : vector<16xi32>
      %or3A_714 = arith.constant 1065353216 : i32
      %or3A_715 = vector.broadcast %or3A_714 : i32 to vector<16xi32>
      %or3A_716 = arith.ori %and3A_713, %or3A_715 : vector<16xi32>
      %bitcast_convert_type3A_717 = tpu.bitcast %or3A_716 : vector<16xi32> -> vector<16xf32>
      %sub3A_718 = arith.constant 1.000000e+00 : f32
      %sub3A_719 = vector.broadcast %sub3A_718 : f32 to vector<16xf32>
      %sub3A_720 = arith.subf %bitcast_convert_type3A_717, %sub3A_719 : vector<16xf32>
      %add3A_721 = arith.constant 1.000000e+00 : f32
      %add3A_722 = vector.broadcast %add3A_721 : f32 to vector<16xf32>
      %add3A_723 = arith.addf %bitcast_convert_type3A_717, %add3A_722 : vector<16xf32>
      %div3A_724 = arith.divf %sub3A_720, %add3A_723 : vector<16xf32>
      %mul3A_725 = arith.mulf %div3A_724, %div3A_724 : vector<16xf32>
      %mul3A_726 = arith.constant 0.142857149 : f32
      %mul3A_727 = vector.broadcast %mul3A_726 : f32 to vector<16xf32>
      %mul3A_728 = arith.mulf %mul3A_725, %mul3A_727 : vector<16xf32>
      %add3A_729 = arith.constant 2.000000e-01 : f32
      %add3A_730 = vector.broadcast %add3A_729 : f32 to vector<16xf32>
      %add3A_731 = arith.addf %add3A_730, %mul3A_728 : vector<16xf32>
      %mul3A_732 = arith.mulf %mul3A_725, %add3A_731 : vector<16xf32>
      %add3A_733 = arith.constant 0.333333343 : f32
      %add3A_734 = vector.broadcast %add3A_733 : f32 to vector<16xf32>
      %add3A_735 = arith.addf %add3A_734, %mul3A_732 : vector<16xf32>
      %mul3A_736 = arith.mulf %mul3A_725, %add3A_735 : vector<16xf32>
      %add3A_737 = arith.constant 1.000000e+00 : f32
      %add3A_738 = vector.broadcast %add3A_737 : f32 to vector<16xf32>
      %add3A_739 = arith.addf %add3A_738, %mul3A_736 : vector<16xf32>
      %mul3A_740 = arith.constant 2.000000e+00 : f32
      %mul3A_741 = vector.broadcast %mul3A_740 : f32 to vector<16xf32>
      %mul3A_742 = arith.mulf %mul3A_741, %div3A_724 : vector<16xf32>
      %mul3A_743 = arith.mulf %mul3A_742, %add3A_739 : vector<16xf32>
      %mul3A_744 = arith.constant 0.693147182 : f32
      %mul3A_745 = vector.broadcast %mul3A_744 : f32 to vector<16xf32>
      %mul3A_746 = arith.mulf %convert_element_type3A_710, %mul3A_745 : vector<16xf32>
      %add3A_747 = arith.addf %mul3A_743, %mul3A_746 : vector<16xf32>
      %mul3A_748 = arith.mulf %gather3A_416, %add3A_747 : vector<16xf32>
      %sub3A_749 = arith.constant 0.693147182 : f32
      %sub3A_750 = vector.broadcast %sub3A_749 : f32 to vector<16xf32>
      %sub3A_751 = arith.subf %sub3A_750, %mul3A_748 : vector<16xf32>
      %sub3A_752 = arith.constant 1.000000e+00 : f32
      %sub3A_753 = vector.broadcast %sub3A_752 : f32 to vector<16xf32>
      %sub3A_754 = arith.subf %sub3A_753, %gather3A_416 : vector<16xf32>
      %add3A_755 = arith.constant 1.000000e+00 : f32
      %add3A_756 = vector.broadcast %add3A_755 : f32 to vector<16xf32>
      %add3A_757 = arith.addf %add3A_756, %min3A_699 : vector<16xf32>
      %bitcast_convert_type3A_758 = tpu.bitcast %add3A_757 : vector<16xf32> -> vector<16xi32>
      %shift_right_arithmetic3A_759 = arith.constant 23 : i32
      %shift_right_arithmetic3A_760 = vector.broadcast %shift_right_arithmetic3A_759 : i32 to vector<16xi32>
      %shift_right_arithmetic3A_761 = arith.shrsi %bitcast_convert_type3A_758, %shift_right_arithmetic3A_760 : vector<16xi32>
      %sub3A_762 = arith.constant 127 : i32
      %sub3A_763 = vector.broadcast %sub3A_762 : i32 to vector<16xi32>
      %sub3A_764 = arith.subi %shift_right_arithmetic3A_761, %sub3A_763 : vector<16xi32>
      %convert_element_type3A_765 = arith.sitofp %sub3A_764 : vector<16xi32> to vector<16xf32>
      %and3A_766 = arith.constant 8388607 : i32
      %and3A_767 = vector.broadcast %and3A_766 : i32 to vector<16xi32>
      %and3A_768 = arith.andi %bitcast_convert_type3A_758, %and3A_767 : vector<16xi32>
      %or3A_769 = arith.constant 1065353216 : i32
      %or3A_770 = vector.broadcast %or3A_769 : i32 to vector<16xi32>
      %or3A_771 = arith.ori %and3A_768, %or3A_770 : vector<16xi32>
      %bitcast_convert_type3A_772 = tpu.bitcast %or3A_771 : vector<16xi32> -> vector<16xf32>
      %sub3A_773 = arith.constant 1.000000e+00 : f32
      %sub3A_774 = vector.broadcast %sub3A_773 : f32 to vector<16xf32>
      %sub3A_775 = arith.subf %bitcast_convert_type3A_772, %sub3A_774 : vector<16xf32>
      %add3A_776 = arith.constant 1.000000e+00 : f32
      %add3A_777 = vector.broadcast %add3A_776 : f32 to vector<16xf32>
      %add3A_778 = arith.addf %bitcast_convert_type3A_772, %add3A_777 : vector<16xf32>
      %div3A_779 = arith.divf %sub3A_775, %add3A_778 : vector<16xf32>
      %mul3A_780 = arith.mulf %div3A_779, %div3A_779 : vector<16xf32>
      %mul3A_781 = arith.constant 0.142857149 : f32
      %mul3A_782 = vector.broadcast %mul3A_781 : f32 to vector<16xf32>
      %mul3A_783 = arith.mulf %mul3A_780, %mul3A_782 : vector<16xf32>
      %add3A_784 = arith.constant 2.000000e-01 : f32
      %add3A_785 = vector.broadcast %add3A_784 : f32 to vector<16xf32>
      %add3A_786 = arith.addf %add3A_785, %mul3A_783 : vector<16xf32>
      %mul3A_787 = arith.mulf %mul3A_780, %add3A_786 : vector<16xf32>
      %add3A_788 = arith.constant 0.333333343 : f32
      %add3A_789 = vector.broadcast %add3A_788 : f32 to vector<16xf32>
      %add3A_790 = arith.addf %add3A_789, %mul3A_787 : vector<16xf32>
      %mul3A_791 = arith.mulf %mul3A_780, %add3A_790 : vector<16xf32>
      %add3A_792 = arith.constant 1.000000e+00 : f32
      %add3A_793 = vector.broadcast %add3A_792 : f32 to vector<16xf32>
      %add3A_794 = arith.addf %add3A_793, %mul3A_791 : vector<16xf32>
      %mul3A_795 = arith.constant 2.000000e+00 : f32
      %mul3A_796 = vector.broadcast %mul3A_795 : f32 to vector<16xf32>
      %mul3A_797 = arith.mulf %mul3A_796, %div3A_779 : vector<16xf32>
      %mul3A_798 = arith.mulf %mul3A_797, %add3A_794 : vector<16xf32>
      %mul3A_799 = arith.constant 0.693147182 : f32
      %mul3A_800 = vector.broadcast %mul3A_799 : f32 to vector<16xf32>
      %mul3A_801 = arith.mulf %convert_element_type3A_765, %mul3A_800 : vector<16xf32>
      %add3A_802 = arith.addf %mul3A_798, %mul3A_801 : vector<16xf32>
      %mul3A_803 = arith.mulf %sub3A_754, %add3A_802 : vector<16xf32>
      %sub3A_804 = arith.subf %sub3A_751, %mul3A_803 : vector<16xf32>
      %mul3A_805 = arith.mulf %select_n3A_113, %select_n3A_137 : vector<16xf32>
      %jit3A_806 = arith.constant -0.999998986 : f32
      %jit3A_807 = arith.constant 0.999998986 : f32
      %max3A_808 = vector.broadcast %jit3A_806 : f32 to vector<16xf32>
      %max3A_809 = arith.maximumf %max3A_808, %mul3A_805 : vector<16xf32>
      %min3A_810 = vector.broadcast %jit3A_807 : f32 to vector<16xf32>
      %min3A_811 = arith.minimumf %min3A_810, %max3A_809 : vector<16xf32>
      %sub3A_812 = arith.constant 1.000000e+00 : f32
      %sub3A_813 = vector.broadcast %sub3A_812 : f32 to vector<16xf32>
      %sub3A_814 = arith.subf %sub3A_813, %min3A_811 : vector<16xf32>
      %bitcast_convert_type3A_815 = tpu.bitcast %sub3A_814 : vector<16xf32> -> vector<16xi32>
      %shift_right_arithmetic3A_816 = arith.constant 23 : i32
      %shift_right_arithmetic3A_817 = vector.broadcast %shift_right_arithmetic3A_816 : i32 to vector<16xi32>
      %shift_right_arithmetic3A_818 = arith.shrsi %bitcast_convert_type3A_815, %shift_right_arithmetic3A_817 : vector<16xi32>
      %sub3A_819 = arith.constant 127 : i32
      %sub3A_820 = vector.broadcast %sub3A_819 : i32 to vector<16xi32>
      %sub3A_821 = arith.subi %shift_right_arithmetic3A_818, %sub3A_820 : vector<16xi32>
      %convert_element_type3A_822 = arith.sitofp %sub3A_821 : vector<16xi32> to vector<16xf32>
      %and3A_823 = arith.constant 8388607 : i32
      %and3A_824 = vector.broadcast %and3A_823 : i32 to vector<16xi32>
      %and3A_825 = arith.andi %bitcast_convert_type3A_815, %and3A_824 : vector<16xi32>
      %or3A_826 = arith.constant 1065353216 : i32
      %or3A_827 = vector.broadcast %or3A_826 : i32 to vector<16xi32>
      %or3A_828 = arith.ori %and3A_825, %or3A_827 : vector<16xi32>
      %bitcast_convert_type3A_829 = tpu.bitcast %or3A_828 : vector<16xi32> -> vector<16xf32>
      %sub3A_830 = arith.constant 1.000000e+00 : f32
      %sub3A_831 = vector.broadcast %sub3A_830 : f32 to vector<16xf32>
      %sub3A_832 = arith.subf %bitcast_convert_type3A_829, %sub3A_831 : vector<16xf32>
      %add3A_833 = arith.constant 1.000000e+00 : f32
      %add3A_834 = vector.broadcast %add3A_833 : f32 to vector<16xf32>
      %add3A_835 = arith.addf %bitcast_convert_type3A_829, %add3A_834 : vector<16xf32>
      %div3A_836 = arith.divf %sub3A_832, %add3A_835 : vector<16xf32>
      %mul3A_837 = arith.mulf %div3A_836, %div3A_836 : vector<16xf32>
      %mul3A_838 = arith.constant 0.142857149 : f32
      %mul3A_839 = vector.broadcast %mul3A_838 : f32 to vector<16xf32>
      %mul3A_840 = arith.mulf %mul3A_837, %mul3A_839 : vector<16xf32>
      %add3A_841 = arith.constant 2.000000e-01 : f32
      %add3A_842 = vector.broadcast %add3A_841 : f32 to vector<16xf32>
      %add3A_843 = arith.addf %add3A_842, %mul3A_840 : vector<16xf32>
      %mul3A_844 = arith.mulf %mul3A_837, %add3A_843 : vector<16xf32>
      %add3A_845 = arith.constant 0.333333343 : f32
      %add3A_846 = vector.broadcast %add3A_845 : f32 to vector<16xf32>
      %add3A_847 = arith.addf %add3A_846, %mul3A_844 : vector<16xf32>
      %mul3A_848 = arith.mulf %mul3A_837, %add3A_847 : vector<16xf32>
      %add3A_849 = arith.constant 1.000000e+00 : f32
      %add3A_850 = vector.broadcast %add3A_849 : f32 to vector<16xf32>
      %add3A_851 = arith.addf %add3A_850, %mul3A_848 : vector<16xf32>
      %mul3A_852 = arith.constant 2.000000e+00 : f32
      %mul3A_853 = vector.broadcast %mul3A_852 : f32 to vector<16xf32>
      %mul3A_854 = arith.mulf %mul3A_853, %div3A_836 : vector<16xf32>
      %mul3A_855 = arith.mulf %mul3A_854, %add3A_851 : vector<16xf32>
      %mul3A_856 = arith.constant 0.693147182 : f32
      %mul3A_857 = vector.broadcast %mul3A_856 : f32 to vector<16xf32>
      %mul3A_858 = arith.mulf %convert_element_type3A_822, %mul3A_857 : vector<16xf32>
      %add3A_859 = arith.addf %mul3A_855, %mul3A_858 : vector<16xf32>
      %mul3A_860 = arith.mulf %gather3A_421, %add3A_859 : vector<16xf32>
      %sub3A_861 = arith.constant 0.693147182 : f32
      %sub3A_862 = vector.broadcast %sub3A_861 : f32 to vector<16xf32>
      %sub3A_863 = arith.subf %sub3A_862, %mul3A_860 : vector<16xf32>
      %sub3A_864 = arith.constant 1.000000e+00 : f32
      %sub3A_865 = vector.broadcast %sub3A_864 : f32 to vector<16xf32>
      %sub3A_866 = arith.subf %sub3A_865, %gather3A_421 : vector<16xf32>
      %add3A_867 = arith.constant 1.000000e+00 : f32
      %add3A_868 = vector.broadcast %add3A_867 : f32 to vector<16xf32>
      %add3A_869 = arith.addf %add3A_868, %min3A_811 : vector<16xf32>
      %bitcast_convert_type3A_870 = tpu.bitcast %add3A_869 : vector<16xf32> -> vector<16xi32>
      %shift_right_arithmetic3A_871 = arith.constant 23 : i32
      %shift_right_arithmetic3A_872 = vector.broadcast %shift_right_arithmetic3A_871 : i32 to vector<16xi32>
      %shift_right_arithmetic3A_873 = arith.shrsi %bitcast_convert_type3A_870, %shift_right_arithmetic3A_872 : vector<16xi32>
      %sub3A_874 = arith.constant 127 : i32
      %sub3A_875 = vector.broadcast %sub3A_874 : i32 to vector<16xi32>
      %sub3A_876 = arith.subi %shift_right_arithmetic3A_873, %sub3A_875 : vector<16xi32>
      %convert_element_type3A_877 = arith.sitofp %sub3A_876 : vector<16xi32> to vector<16xf32>
      %and3A_878 = arith.constant 8388607 : i32
      %and3A_879 = vector.broadcast %and3A_878 : i32 to vector<16xi32>
      %and3A_880 = arith.andi %bitcast_convert_type3A_870, %and3A_879 : vector<16xi32>
      %or3A_881 = arith.constant 1065353216 : i32
      %or3A_882 = vector.broadcast %or3A_881 : i32 to vector<16xi32>
      %or3A_883 = arith.ori %and3A_880, %or3A_882 : vector<16xi32>
      %bitcast_convert_type3A_884 = tpu.bitcast %or3A_883 : vector<16xi32> -> vector<16xf32>
      %sub3A_885 = arith.constant 1.000000e+00 : f32
      %sub3A_886 = vector.broadcast %sub3A_885 : f32 to vector<16xf32>
      %sub3A_887 = arith.subf %bitcast_convert_type3A_884, %sub3A_886 : vector<16xf32>
      %add3A_888 = arith.constant 1.000000e+00 : f32
      %add3A_889 = vector.broadcast %add3A_888 : f32 to vector<16xf32>
      %add3A_890 = arith.addf %bitcast_convert_type3A_884, %add3A_889 : vector<16xf32>
      %div3A_891 = arith.divf %sub3A_887, %add3A_890 : vector<16xf32>
      %mul3A_892 = arith.mulf %div3A_891, %div3A_891 : vector<16xf32>
      %mul3A_893 = arith.constant 0.142857149 : f32
      %mul3A_894 = vector.broadcast %mul3A_893 : f32 to vector<16xf32>
      %mul3A_895 = arith.mulf %mul3A_892, %mul3A_894 : vector<16xf32>
      %add3A_896 = arith.constant 2.000000e-01 : f32
      %add3A_897 = vector.broadcast %add3A_896 : f32 to vector<16xf32>
      %add3A_898 = arith.addf %add3A_897, %mul3A_895 : vector<16xf32>
      %mul3A_899 = arith.mulf %mul3A_892, %add3A_898 : vector<16xf32>
      %add3A_900 = arith.constant 0.333333343 : f32
      %add3A_901 = vector.broadcast %add3A_900 : f32 to vector<16xf32>
      %add3A_902 = arith.addf %add3A_901, %mul3A_899 : vector<16xf32>
      %mul3A_903 = arith.mulf %mul3A_892, %add3A_902 : vector<16xf32>
      %add3A_904 = arith.constant 1.000000e+00 : f32
      %add3A_905 = vector.broadcast %add3A_904 : f32 to vector<16xf32>
      %add3A_906 = arith.addf %add3A_905, %mul3A_903 : vector<16xf32>
      %mul3A_907 = arith.constant 2.000000e+00 : f32
      %mul3A_908 = vector.broadcast %mul3A_907 : f32 to vector<16xf32>
      %mul3A_909 = arith.mulf %mul3A_908, %div3A_891 : vector<16xf32>
      %mul3A_910 = arith.mulf %mul3A_909, %add3A_906 : vector<16xf32>
      %mul3A_911 = arith.constant 0.693147182 : f32
      %mul3A_912 = vector.broadcast %mul3A_911 : f32 to vector<16xf32>
      %mul3A_913 = arith.mulf %convert_element_type3A_877, %mul3A_912 : vector<16xf32>
      %add3A_914 = arith.addf %mul3A_910, %mul3A_913 : vector<16xf32>
      %mul3A_915 = arith.mulf %sub3A_866, %add3A_914 : vector<16xf32>
      %sub3A_916 = arith.subf %sub3A_863, %mul3A_915 : vector<16xf32>
      %mul3A_917 = arith.mulf %select_n3A_137, %select_n3A_161 : vector<16xf32>
      %jit3A_918 = arith.constant -0.999998986 : f32
      %jit3A_919 = arith.constant 0.999998986 : f32
      %max3A_920 = vector.broadcast %jit3A_918 : f32 to vector<16xf32>
      %max3A_921 = arith.maximumf %max3A_920, %mul3A_917 : vector<16xf32>
      %min3A_922 = vector.broadcast %jit3A_919 : f32 to vector<16xf32>
      %min3A_923 = arith.minimumf %min3A_922, %max3A_921 : vector<16xf32>
      %sub3A_924 = arith.constant 1.000000e+00 : f32
      %sub3A_925 = vector.broadcast %sub3A_924 : f32 to vector<16xf32>
      %sub3A_926 = arith.subf %sub3A_925, %min3A_923 : vector<16xf32>
      %bitcast_convert_type3A_927 = tpu.bitcast %sub3A_926 : vector<16xf32> -> vector<16xi32>
      %shift_right_arithmetic3A_928 = arith.constant 23 : i32
      %shift_right_arithmetic3A_929 = vector.broadcast %shift_right_arithmetic3A_928 : i32 to vector<16xi32>
      %shift_right_arithmetic3A_930 = arith.shrsi %bitcast_convert_type3A_927, %shift_right_arithmetic3A_929 : vector<16xi32>
      %sub3A_931 = arith.constant 127 : i32
      %sub3A_932 = vector.broadcast %sub3A_931 : i32 to vector<16xi32>
      %sub3A_933 = arith.subi %shift_right_arithmetic3A_930, %sub3A_932 : vector<16xi32>
      %convert_element_type3A_934 = arith.sitofp %sub3A_933 : vector<16xi32> to vector<16xf32>
      %and3A_935 = arith.constant 8388607 : i32
      %and3A_936 = vector.broadcast %and3A_935 : i32 to vector<16xi32>
      %and3A_937 = arith.andi %bitcast_convert_type3A_927, %and3A_936 : vector<16xi32>
      %or3A_938 = arith.constant 1065353216 : i32
      %or3A_939 = vector.broadcast %or3A_938 : i32 to vector<16xi32>
      %or3A_940 = arith.ori %and3A_937, %or3A_939 : vector<16xi32>
      %bitcast_convert_type3A_941 = tpu.bitcast %or3A_940 : vector<16xi32> -> vector<16xf32>
      %sub3A_942 = arith.constant 1.000000e+00 : f32
      %sub3A_943 = vector.broadcast %sub3A_942 : f32 to vector<16xf32>
      %sub3A_944 = arith.subf %bitcast_convert_type3A_941, %sub3A_943 : vector<16xf32>
      %add3A_945 = arith.constant 1.000000e+00 : f32
      %add3A_946 = vector.broadcast %add3A_945 : f32 to vector<16xf32>
      %add3A_947 = arith.addf %bitcast_convert_type3A_941, %add3A_946 : vector<16xf32>
      %div3A_948 = arith.divf %sub3A_944, %add3A_947 : vector<16xf32>
      %mul3A_949 = arith.mulf %div3A_948, %div3A_948 : vector<16xf32>
      %mul3A_950 = arith.constant 0.142857149 : f32
      %mul3A_951 = vector.broadcast %mul3A_950 : f32 to vector<16xf32>
      %mul3A_952 = arith.mulf %mul3A_949, %mul3A_951 : vector<16xf32>
      %add3A_953 = arith.constant 2.000000e-01 : f32
      %add3A_954 = vector.broadcast %add3A_953 : f32 to vector<16xf32>
      %add3A_955 = arith.addf %add3A_954, %mul3A_952 : vector<16xf32>
      %mul3A_956 = arith.mulf %mul3A_949, %add3A_955 : vector<16xf32>
      %add3A_957 = arith.constant 0.333333343 : f32
      %add3A_958 = vector.broadcast %add3A_957 : f32 to vector<16xf32>
      %add3A_959 = arith.addf %add3A_958, %mul3A_956 : vector<16xf32>
      %mul3A_960 = arith.mulf %mul3A_949, %add3A_959 : vector<16xf32>
      %add3A_961 = arith.constant 1.000000e+00 : f32
      %add3A_962 = vector.broadcast %add3A_961 : f32 to vector<16xf32>
      %add3A_963 = arith.addf %add3A_962, %mul3A_960 : vector<16xf32>
      %mul3A_964 = arith.constant 2.000000e+00 : f32
      %mul3A_965 = vector.broadcast %mul3A_964 : f32 to vector<16xf32>
      %mul3A_966 = arith.mulf %mul3A_965, %div3A_948 : vector<16xf32>
      %mul3A_967 = arith.mulf %mul3A_966, %add3A_963 : vector<16xf32>
      %mul3A_968 = arith.constant 0.693147182 : f32
      %mul3A_969 = vector.broadcast %mul3A_968 : f32 to vector<16xf32>
      %mul3A_970 = arith.mulf %convert_element_type3A_934, %mul3A_969 : vector<16xf32>
      %add3A_971 = arith.addf %mul3A_967, %mul3A_970 : vector<16xf32>
      %mul3A_972 = arith.mulf %gather3A_426, %add3A_971 : vector<16xf32>
      %sub3A_973 = arith.constant 0.693147182 : f32
      %sub3A_974 = vector.broadcast %sub3A_973 : f32 to vector<16xf32>
      %sub3A_975 = arith.subf %sub3A_974, %mul3A_972 : vector<16xf32>
      %sub3A_976 = arith.constant 1.000000e+00 : f32
      %sub3A_977 = vector.broadcast %sub3A_976 : f32 to vector<16xf32>
      %sub3A_978 = arith.subf %sub3A_977, %gather3A_426 : vector<16xf32>
      %add3A_979 = arith.constant 1.000000e+00 : f32
      %add3A_980 = vector.broadcast %add3A_979 : f32 to vector<16xf32>
      %add3A_981 = arith.addf %add3A_980, %min3A_923 : vector<16xf32>
      %bitcast_convert_type3A_982 = tpu.bitcast %add3A_981 : vector<16xf32> -> vector<16xi32>
      %shift_right_arithmetic3A_983 = arith.constant 23 : i32
      %shift_right_arithmetic3A_984 = vector.broadcast %shift_right_arithmetic3A_983 : i32 to vector<16xi32>
      %shift_right_arithmetic3A_985 = arith.shrsi %bitcast_convert_type3A_982, %shift_right_arithmetic3A_984 : vector<16xi32>
      %sub3A_986 = arith.constant 127 : i32
      %sub3A_987 = vector.broadcast %sub3A_986 : i32 to vector<16xi32>
      %sub3A_988 = arith.subi %shift_right_arithmetic3A_985, %sub3A_987 : vector<16xi32>
      %convert_element_type3A_989 = arith.sitofp %sub3A_988 : vector<16xi32> to vector<16xf32>
      %and3A_990 = arith.constant 8388607 : i32
      %and3A_991 = vector.broadcast %and3A_990 : i32 to vector<16xi32>
      %and3A_992 = arith.andi %bitcast_convert_type3A_982, %and3A_991 : vector<16xi32>
      %or3A_993 = arith.constant 1065353216 : i32
      %or3A_994 = vector.broadcast %or3A_993 : i32 to vector<16xi32>
      %or3A_995 = arith.ori %and3A_992, %or3A_994 : vector<16xi32>
      %bitcast_convert_type3A_996 = tpu.bitcast %or3A_995 : vector<16xi32> -> vector<16xf32>
      %sub3A_997 = arith.constant 1.000000e+00 : f32
      %sub3A_998 = vector.broadcast %sub3A_997 : f32 to vector<16xf32>
      %sub3A_999 = arith.subf %bitcast_convert_type3A_996, %sub3A_998 : vector<16xf32>
      %add3A_1000 = arith.constant 1.000000e+00 : f32
      %add3A_1001 = vector.broadcast %add3A_1000 : f32 to vector<16xf32>
      %add3A_1002 = arith.addf %bitcast_convert_type3A_996, %add3A_1001 : vector<16xf32>
      %div3A_1003 = arith.divf %sub3A_999, %add3A_1002 : vector<16xf32>
      %mul3A_1004 = arith.mulf %div3A_1003, %div3A_1003 : vector<16xf32>
      %mul3A_1005 = arith.constant 0.142857149 : f32
      %mul3A_1006 = vector.broadcast %mul3A_1005 : f32 to vector<16xf32>
      %mul3A_1007 = arith.mulf %mul3A_1004, %mul3A_1006 : vector<16xf32>
      %add3A_1008 = arith.constant 2.000000e-01 : f32
      %add3A_1009 = vector.broadcast %add3A_1008 : f32 to vector<16xf32>
      %add3A_1010 = arith.addf %add3A_1009, %mul3A_1007 : vector<16xf32>
      %mul3A_1011 = arith.mulf %mul3A_1004, %add3A_1010 : vector<16xf32>
      %add3A_1012 = arith.constant 0.333333343 : f32
      %add3A_1013 = vector.broadcast %add3A_1012 : f32 to vector<16xf32>
      %add3A_1014 = arith.addf %add3A_1013, %mul3A_1011 : vector<16xf32>
      %mul3A_1015 = arith.mulf %mul3A_1004, %add3A_1014 : vector<16xf32>
      %add3A_1016 = arith.constant 1.000000e+00 : f32
      %add3A_1017 = vector.broadcast %add3A_1016 : f32 to vector<16xf32>
      %add3A_1018 = arith.addf %add3A_1017, %mul3A_1015 : vector<16xf32>
      %mul3A_1019 = arith.constant 2.000000e+00 : f32
      %mul3A_1020 = vector.broadcast %mul3A_1019 : f32 to vector<16xf32>
      %mul3A_1021 = arith.mulf %mul3A_1020, %div3A_1003 : vector<16xf32>
      %mul3A_1022 = arith.mulf %mul3A_1021, %add3A_1018 : vector<16xf32>
      %mul3A_1023 = arith.constant 0.693147182 : f32
      %mul3A_1024 = vector.broadcast %mul3A_1023 : f32 to vector<16xf32>
      %mul3A_1025 = arith.mulf %convert_element_type3A_989, %mul3A_1024 : vector<16xf32>
      %add3A_1026 = arith.addf %mul3A_1022, %mul3A_1025 : vector<16xf32>
      %mul3A_1027 = arith.mulf %sub3A_978, %add3A_1026 : vector<16xf32>
      %sub3A_1028 = arith.subf %sub3A_975, %mul3A_1027 : vector<16xf32>
      %mul3A_1029 = arith.mulf %select_n3A_161, %select_n3A_185 : vector<16xf32>
      %jit3A_1030 = arith.constant -0.999998986 : f32
      %jit3A_1031 = arith.constant 0.999998986 : f32
      %max3A_1032 = vector.broadcast %jit3A_1030 : f32 to vector<16xf32>
      %max3A_1033 = arith.maximumf %max3A_1032, %mul3A_1029 : vector<16xf32>
      %min3A_1034 = vector.broadcast %jit3A_1031 : f32 to vector<16xf32>
      %min3A_1035 = arith.minimumf %min3A_1034, %max3A_1033 : vector<16xf32>
      %sub3A_1036 = arith.constant 1.000000e+00 : f32
      %sub3A_1037 = vector.broadcast %sub3A_1036 : f32 to vector<16xf32>
      %sub3A_1038 = arith.subf %sub3A_1037, %min3A_1035 : vector<16xf32>
      %bitcast_convert_type3A_1039 = tpu.bitcast %sub3A_1038 : vector<16xf32> -> vector<16xi32>
      %shift_right_arithmetic3A_1040 = arith.constant 23 : i32
      %shift_right_arithmetic3A_1041 = vector.broadcast %shift_right_arithmetic3A_1040 : i32 to vector<16xi32>
      %shift_right_arithmetic3A_1042 = arith.shrsi %bitcast_convert_type3A_1039, %shift_right_arithmetic3A_1041 : vector<16xi32>
      %sub3A_1043 = arith.constant 127 : i32
      %sub3A_1044 = vector.broadcast %sub3A_1043 : i32 to vector<16xi32>
      %sub3A_1045 = arith.subi %shift_right_arithmetic3A_1042, %sub3A_1044 : vector<16xi32>
      %convert_element_type3A_1046 = arith.sitofp %sub3A_1045 : vector<16xi32> to vector<16xf32>
      %and3A_1047 = arith.constant 8388607 : i32
      %and3A_1048 = vector.broadcast %and3A_1047 : i32 to vector<16xi32>
      %and3A_1049 = arith.andi %bitcast_convert_type3A_1039, %and3A_1048 : vector<16xi32>
      %or3A_1050 = arith.constant 1065353216 : i32
      %or3A_1051 = vector.broadcast %or3A_1050 : i32 to vector<16xi32>
      %or3A_1052 = arith.ori %and3A_1049, %or3A_1051 : vector<16xi32>
      %bitcast_convert_type3A_1053 = tpu.bitcast %or3A_1052 : vector<16xi32> -> vector<16xf32>
      %sub3A_1054 = arith.constant 1.000000e+00 : f32
      %sub3A_1055 = vector.broadcast %sub3A_1054 : f32 to vector<16xf32>
      %sub3A_1056 = arith.subf %bitcast_convert_type3A_1053, %sub3A_1055 : vector<16xf32>
      %add3A_1057 = arith.constant 1.000000e+00 : f32
      %add3A_1058 = vector.broadcast %add3A_1057 : f32 to vector<16xf32>
      %add3A_1059 = arith.addf %bitcast_convert_type3A_1053, %add3A_1058 : vector<16xf32>
      %div3A_1060 = arith.divf %sub3A_1056, %add3A_1059 : vector<16xf32>
      %mul3A_1061 = arith.mulf %div3A_1060, %div3A_1060 : vector<16xf32>
      %mul3A_1062 = arith.constant 0.142857149 : f32
      %mul3A_1063 = vector.broadcast %mul3A_1062 : f32 to vector<16xf32>
      %mul3A_1064 = arith.mulf %mul3A_1061, %mul3A_1063 : vector<16xf32>
      %add3A_1065 = arith.constant 2.000000e-01 : f32
      %add3A_1066 = vector.broadcast %add3A_1065 : f32 to vector<16xf32>
      %add3A_1067 = arith.addf %add3A_1066, %mul3A_1064 : vector<16xf32>
      %mul3A_1068 = arith.mulf %mul3A_1061, %add3A_1067 : vector<16xf32>
      %add3A_1069 = arith.constant 0.333333343 : f32
      %add3A_1070 = vector.broadcast %add3A_1069 : f32 to vector<16xf32>
      %add3A_1071 = arith.addf %add3A_1070, %mul3A_1068 : vector<16xf32>
      %mul3A_1072 = arith.mulf %mul3A_1061, %add3A_1071 : vector<16xf32>
      %add3A_1073 = arith.constant 1.000000e+00 : f32
      %add3A_1074 = vector.broadcast %add3A_1073 : f32 to vector<16xf32>
      %add3A_1075 = arith.addf %add3A_1074, %mul3A_1072 : vector<16xf32>
      %mul3A_1076 = arith.constant 2.000000e+00 : f32
      %mul3A_1077 = vector.broadcast %mul3A_1076 : f32 to vector<16xf32>
      %mul3A_1078 = arith.mulf %mul3A_1077, %div3A_1060 : vector<16xf32>
      %mul3A_1079 = arith.mulf %mul3A_1078, %add3A_1075 : vector<16xf32>
      %mul3A_1080 = arith.constant 0.693147182 : f32
      %mul3A_1081 = vector.broadcast %mul3A_1080 : f32 to vector<16xf32>
      %mul3A_1082 = arith.mulf %convert_element_type3A_1046, %mul3A_1081 : vector<16xf32>
      %add3A_1083 = arith.addf %mul3A_1079, %mul3A_1082 : vector<16xf32>
      %mul3A_1084 = arith.mulf %gather3A_431, %add3A_1083 : vector<16xf32>
      %sub3A_1085 = arith.constant 0.693147182 : f32
      %sub3A_1086 = vector.broadcast %sub3A_1085 : f32 to vector<16xf32>
      %sub3A_1087 = arith.subf %sub3A_1086, %mul3A_1084 : vector<16xf32>
      %sub3A_1088 = arith.constant 1.000000e+00 : f32
      %sub3A_1089 = vector.broadcast %sub3A_1088 : f32 to vector<16xf32>
      %sub3A_1090 = arith.subf %sub3A_1089, %gather3A_431 : vector<16xf32>
      %add3A_1091 = arith.constant 1.000000e+00 : f32
      %add3A_1092 = vector.broadcast %add3A_1091 : f32 to vector<16xf32>
      %add3A_1093 = arith.addf %add3A_1092, %min3A_1035 : vector<16xf32>
      %bitcast_convert_type3A_1094 = tpu.bitcast %add3A_1093 : vector<16xf32> -> vector<16xi32>
      %shift_right_arithmetic3A_1095 = arith.constant 23 : i32
      %shift_right_arithmetic3A_1096 = vector.broadcast %shift_right_arithmetic3A_1095 : i32 to vector<16xi32>
      %shift_right_arithmetic3A_1097 = arith.shrsi %bitcast_convert_type3A_1094, %shift_right_arithmetic3A_1096 : vector<16xi32>
      %sub3A_1098 = arith.constant 127 : i32
      %sub3A_1099 = vector.broadcast %sub3A_1098 : i32 to vector<16xi32>
      %sub3A_1100 = arith.subi %shift_right_arithmetic3A_1097, %sub3A_1099 : vector<16xi32>
      %convert_element_type3A_1101 = arith.sitofp %sub3A_1100 : vector<16xi32> to vector<16xf32>
      %and3A_1102 = arith.constant 8388607 : i32
      %and3A_1103 = vector.broadcast %and3A_1102 : i32 to vector<16xi32>
      %and3A_1104 = arith.andi %bitcast_convert_type3A_1094, %and3A_1103 : vector<16xi32>
      %or3A_1105 = arith.constant 1065353216 : i32
      %or3A_1106 = vector.broadcast %or3A_1105 : i32 to vector<16xi32>
      %or3A_1107 = arith.ori %and3A_1104, %or3A_1106 : vector<16xi32>
      %bitcast_convert_type3A_1108 = tpu.bitcast %or3A_1107 : vector<16xi32> -> vector<16xf32>
      %sub3A_1109 = arith.constant 1.000000e+00 : f32
      %sub3A_1110 = vector.broadcast %sub3A_1109 : f32 to vector<16xf32>
      %sub3A_1111 = arith.subf %bitcast_convert_type3A_1108, %sub3A_1110 : vector<16xf32>
      %add3A_1112 = arith.constant 1.000000e+00 : f32
      %add3A_1113 = vector.broadcast %add3A_1112 : f32 to vector<16xf32>
      %add3A_1114 = arith.addf %bitcast_convert_type3A_1108, %add3A_1113 : vector<16xf32>
      %div3A_1115 = arith.divf %sub3A_1111, %add3A_1114 : vector<16xf32>
      %mul3A_1116 = arith.mulf %div3A_1115, %div3A_1115 : vector<16xf32>
      %mul3A_1117 = arith.constant 0.142857149 : f32
      %mul3A_1118 = vector.broadcast %mul3A_1117 : f32 to vector<16xf32>
      %mul3A_1119 = arith.mulf %mul3A_1116, %mul3A_1118 : vector<16xf32>
      %add3A_1120 = arith.constant 2.000000e-01 : f32
      %add3A_1121 = vector.broadcast %add3A_1120 : f32 to vector<16xf32>
      %add3A_1122 = arith.addf %add3A_1121, %mul3A_1119 : vector<16xf32>
      %mul3A_1123 = arith.mulf %mul3A_1116, %add3A_1122 : vector<16xf32>
      %add3A_1124 = arith.constant 0.333333343 : f32
      %add3A_1125 = vector.broadcast %add3A_1124 : f32 to vector<16xf32>
      %add3A_1126 = arith.addf %add3A_1125, %mul3A_1123 : vector<16xf32>
      %mul3A_1127 = arith.mulf %mul3A_1116, %add3A_1126 : vector<16xf32>
      %add3A_1128 = arith.constant 1.000000e+00 : f32
      %add3A_1129 = vector.broadcast %add3A_1128 : f32 to vector<16xf32>
      %add3A_1130 = arith.addf %add3A_1129, %mul3A_1127 : vector<16xf32>
      %mul3A_1131 = arith.constant 2.000000e+00 : f32
      %mul3A_1132 = vector.broadcast %mul3A_1131 : f32 to vector<16xf32>
      %mul3A_1133 = arith.mulf %mul3A_1132, %div3A_1115 : vector<16xf32>
      %mul3A_1134 = arith.mulf %mul3A_1133, %add3A_1130 : vector<16xf32>
      %mul3A_1135 = arith.constant 0.693147182 : f32
      %mul3A_1136 = vector.broadcast %mul3A_1135 : f32 to vector<16xf32>
      %mul3A_1137 = arith.mulf %convert_element_type3A_1101, %mul3A_1136 : vector<16xf32>
      %add3A_1138 = arith.addf %mul3A_1134, %mul3A_1137 : vector<16xf32>
      %mul3A_1139 = arith.mulf %sub3A_1090, %add3A_1138 : vector<16xf32>
      %sub3A_1140 = arith.subf %sub3A_1087, %mul3A_1139 : vector<16xf32>
      %mul3A_1141 = arith.mulf %select_n3A_185, %select_n3A_209 : vector<16xf32>
      %jit3A_1142 = arith.constant -0.999998986 : f32
      %jit3A_1143 = arith.constant 0.999998986 : f32
      %max3A_1144 = vector.broadcast %jit3A_1142 : f32 to vector<16xf32>
      %max3A_1145 = arith.maximumf %max3A_1144, %mul3A_1141 : vector<16xf32>
      %min3A_1146 = vector.broadcast %jit3A_1143 : f32 to vector<16xf32>
      %min3A_1147 = arith.minimumf %min3A_1146, %max3A_1145 : vector<16xf32>
      %sub3A_1148 = arith.constant 1.000000e+00 : f32
      %sub3A_1149 = vector.broadcast %sub3A_1148 : f32 to vector<16xf32>
      %sub3A_1150 = arith.subf %sub3A_1149, %min3A_1147 : vector<16xf32>
      %bitcast_convert_type3A_1151 = tpu.bitcast %sub3A_1150 : vector<16xf32> -> vector<16xi32>
      %shift_right_arithmetic3A_1152 = arith.constant 23 : i32
      %shift_right_arithmetic3A_1153 = vector.broadcast %shift_right_arithmetic3A_1152 : i32 to vector<16xi32>
      %shift_right_arithmetic3A_1154 = arith.shrsi %bitcast_convert_type3A_1151, %shift_right_arithmetic3A_1153 : vector<16xi32>
      %sub3A_1155 = arith.constant 127 : i32
      %sub3A_1156 = vector.broadcast %sub3A_1155 : i32 to vector<16xi32>
      %sub3A_1157 = arith.subi %shift_right_arithmetic3A_1154, %sub3A_1156 : vector<16xi32>
      %convert_element_type3A_1158 = arith.sitofp %sub3A_1157 : vector<16xi32> to vector<16xf32>
      %and3A_1159 = arith.constant 8388607 : i32
      %and3A_1160 = vector.broadcast %and3A_1159 : i32 to vector<16xi32>
      %and3A_1161 = arith.andi %bitcast_convert_type3A_1151, %and3A_1160 : vector<16xi32>
      %or3A_1162 = arith.constant 1065353216 : i32
      %or3A_1163 = vector.broadcast %or3A_1162 : i32 to vector<16xi32>
      %or3A_1164 = arith.ori %and3A_1161, %or3A_1163 : vector<16xi32>
      %bitcast_convert_type3A_1165 = tpu.bitcast %or3A_1164 : vector<16xi32> -> vector<16xf32>
      %sub3A_1166 = arith.constant 1.000000e+00 : f32
      %sub3A_1167 = vector.broadcast %sub3A_1166 : f32 to vector<16xf32>
      %sub3A_1168 = arith.subf %bitcast_convert_type3A_1165, %sub3A_1167 : vector<16xf32>
      %add3A_1169 = arith.constant 1.000000e+00 : f32
      %add3A_1170 = vector.broadcast %add3A_1169 : f32 to vector<16xf32>
      %add3A_1171 = arith.addf %bitcast_convert_type3A_1165, %add3A_1170 : vector<16xf32>
      %div3A_1172 = arith.divf %sub3A_1168, %add3A_1171 : vector<16xf32>
      %mul3A_1173 = arith.mulf %div3A_1172, %div3A_1172 : vector<16xf32>
      %mul3A_1174 = arith.constant 0.142857149 : f32
      %mul3A_1175 = vector.broadcast %mul3A_1174 : f32 to vector<16xf32>
      %mul3A_1176 = arith.mulf %mul3A_1173, %mul3A_1175 : vector<16xf32>
      %add3A_1177 = arith.constant 2.000000e-01 : f32
      %add3A_1178 = vector.broadcast %add3A_1177 : f32 to vector<16xf32>
      %add3A_1179 = arith.addf %add3A_1178, %mul3A_1176 : vector<16xf32>
      %mul3A_1180 = arith.mulf %mul3A_1173, %add3A_1179 : vector<16xf32>
      %add3A_1181 = arith.constant 0.333333343 : f32
      %add3A_1182 = vector.broadcast %add3A_1181 : f32 to vector<16xf32>
      %add3A_1183 = arith.addf %add3A_1182, %mul3A_1180 : vector<16xf32>
      %mul3A_1184 = arith.mulf %mul3A_1173, %add3A_1183 : vector<16xf32>
      %add3A_1185 = arith.constant 1.000000e+00 : f32
      %add3A_1186 = vector.broadcast %add3A_1185 : f32 to vector<16xf32>
      %add3A_1187 = arith.addf %add3A_1186, %mul3A_1184 : vector<16xf32>
      %mul3A_1188 = arith.constant 2.000000e+00 : f32
      %mul3A_1189 = vector.broadcast %mul3A_1188 : f32 to vector<16xf32>
      %mul3A_1190 = arith.mulf %mul3A_1189, %div3A_1172 : vector<16xf32>
      %mul3A_1191 = arith.mulf %mul3A_1190, %add3A_1187 : vector<16xf32>
      %mul3A_1192 = arith.constant 0.693147182 : f32
      %mul3A_1193 = vector.broadcast %mul3A_1192 : f32 to vector<16xf32>
      %mul3A_1194 = arith.mulf %convert_element_type3A_1158, %mul3A_1193 : vector<16xf32>
      %add3A_1195 = arith.addf %mul3A_1191, %mul3A_1194 : vector<16xf32>
      %mul3A_1196 = arith.mulf %gather3A_436, %add3A_1195 : vector<16xf32>
      %sub3A_1197 = arith.constant 0.693147182 : f32
      %sub3A_1198 = vector.broadcast %sub3A_1197 : f32 to vector<16xf32>
      %sub3A_1199 = arith.subf %sub3A_1198, %mul3A_1196 : vector<16xf32>
      %sub3A_1200 = arith.constant 1.000000e+00 : f32
      %sub3A_1201 = vector.broadcast %sub3A_1200 : f32 to vector<16xf32>
      %sub3A_1202 = arith.subf %sub3A_1201, %gather3A_436 : vector<16xf32>
      %add3A_1203 = arith.constant 1.000000e+00 : f32
      %add3A_1204 = vector.broadcast %add3A_1203 : f32 to vector<16xf32>
      %add3A_1205 = arith.addf %add3A_1204, %min3A_1147 : vector<16xf32>
      %bitcast_convert_type3A_1206 = tpu.bitcast %add3A_1205 : vector<16xf32> -> vector<16xi32>
      %shift_right_arithmetic3A_1207 = arith.constant 23 : i32
      %shift_right_arithmetic3A_1208 = vector.broadcast %shift_right_arithmetic3A_1207 : i32 to vector<16xi32>
      %shift_right_arithmetic3A_1209 = arith.shrsi %bitcast_convert_type3A_1206, %shift_right_arithmetic3A_1208 : vector<16xi32>
      %sub3A_1210 = arith.constant 127 : i32
      %sub3A_1211 = vector.broadcast %sub3A_1210 : i32 to vector<16xi32>
      %sub3A_1212 = arith.subi %shift_right_arithmetic3A_1209, %sub3A_1211 : vector<16xi32>
      %convert_element_type3A_1213 = arith.sitofp %sub3A_1212 : vector<16xi32> to vector<16xf32>
      %and3A_1214 = arith.constant 8388607 : i32
      %and3A_1215 = vector.broadcast %and3A_1214 : i32 to vector<16xi32>
      %and3A_1216 = arith.andi %bitcast_convert_type3A_1206, %and3A_1215 : vector<16xi32>
      %or3A_1217 = arith.constant 1065353216 : i32
      %or3A_1218 = vector.broadcast %or3A_1217 : i32 to vector<16xi32>
      %or3A_1219 = arith.ori %and3A_1216, %or3A_1218 : vector<16xi32>
      %bitcast_convert_type3A_1220 = tpu.bitcast %or3A_1219 : vector<16xi32> -> vector<16xf32>
      %sub3A_1221 = arith.constant 1.000000e+00 : f32
      %sub3A_1222 = vector.broadcast %sub3A_1221 : f32 to vector<16xf32>
      %sub3A_1223 = arith.subf %bitcast_convert_type3A_1220, %sub3A_1222 : vector<16xf32>
      %add3A_1224 = arith.constant 1.000000e+00 : f32
      %add3A_1225 = vector.broadcast %add3A_1224 : f32 to vector<16xf32>
      %add3A_1226 = arith.addf %bitcast_convert_type3A_1220, %add3A_1225 : vector<16xf32>
      %div3A_1227 = arith.divf %sub3A_1223, %add3A_1226 : vector<16xf32>
      %mul3A_1228 = arith.mulf %div3A_1227, %div3A_1227 : vector<16xf32>
      %mul3A_1229 = arith.constant 0.142857149 : f32
      %mul3A_1230 = vector.broadcast %mul3A_1229 : f32 to vector<16xf32>
      %mul3A_1231 = arith.mulf %mul3A_1228, %mul3A_1230 : vector<16xf32>
      %add3A_1232 = arith.constant 2.000000e-01 : f32
      %add3A_1233 = vector.broadcast %add3A_1232 : f32 to vector<16xf32>
      %add3A_1234 = arith.addf %add3A_1233, %mul3A_1231 : vector<16xf32>
      %mul3A_1235 = arith.mulf %mul3A_1228, %add3A_1234 : vector<16xf32>
      %add3A_1236 = arith.constant 0.333333343 : f32
      %add3A_1237 = vector.broadcast %add3A_1236 : f32 to vector<16xf32>
      %add3A_1238 = arith.addf %add3A_1237, %mul3A_1235 : vector<16xf32>
      %mul3A_1239 = arith.mulf %mul3A_1228, %add3A_1238 : vector<16xf32>
      %add3A_1240 = arith.constant 1.000000e+00 : f32
      %add3A_1241 = vector.broadcast %add3A_1240 : f32 to vector<16xf32>
      %add3A_1242 = arith.addf %add3A_1241, %mul3A_1239 : vector<16xf32>
      %mul3A_1243 = arith.constant 2.000000e+00 : f32
      %mul3A_1244 = vector.broadcast %mul3A_1243 : f32 to vector<16xf32>
      %mul3A_1245 = arith.mulf %mul3A_1244, %div3A_1227 : vector<16xf32>
      %mul3A_1246 = arith.mulf %mul3A_1245, %add3A_1242 : vector<16xf32>
      %mul3A_1247 = arith.constant 0.693147182 : f32
      %mul3A_1248 = vector.broadcast %mul3A_1247 : f32 to vector<16xf32>
      %mul3A_1249 = arith.mulf %convert_element_type3A_1213, %mul3A_1248 : vector<16xf32>
      %add3A_1250 = arith.addf %mul3A_1246, %mul3A_1249 : vector<16xf32>
      %mul3A_1251 = arith.mulf %sub3A_1202, %add3A_1250 : vector<16xf32>
      %sub3A_1252 = arith.subf %sub3A_1199, %mul3A_1251 : vector<16xf32>
      %mul3A_1253 = arith.mulf %select_n3A_209, %select_n3A_233 : vector<16xf32>
      %jit3A_1254 = arith.constant -0.999998986 : f32
      %jit3A_1255 = arith.constant 0.999998986 : f32
      %max3A_1256 = vector.broadcast %jit3A_1254 : f32 to vector<16xf32>
      %max3A_1257 = arith.maximumf %max3A_1256, %mul3A_1253 : vector<16xf32>
      %min3A_1258 = vector.broadcast %jit3A_1255 : f32 to vector<16xf32>
      %min3A_1259 = arith.minimumf %min3A_1258, %max3A_1257 : vector<16xf32>
      %sub3A_1260 = arith.constant 1.000000e+00 : f32
      %sub3A_1261 = vector.broadcast %sub3A_1260 : f32 to vector<16xf32>
      %sub3A_1262 = arith.subf %sub3A_1261, %min3A_1259 : vector<16xf32>
      %bitcast_convert_type3A_1263 = tpu.bitcast %sub3A_1262 : vector<16xf32> -> vector<16xi32>
      %shift_right_arithmetic3A_1264 = arith.constant 23 : i32
      %shift_right_arithmetic3A_1265 = vector.broadcast %shift_right_arithmetic3A_1264 : i32 to vector<16xi32>
      %shift_right_arithmetic3A_1266 = arith.shrsi %bitcast_convert_type3A_1263, %shift_right_arithmetic3A_1265 : vector<16xi32>
      %sub3A_1267 = arith.constant 127 : i32
      %sub3A_1268 = vector.broadcast %sub3A_1267 : i32 to vector<16xi32>
      %sub3A_1269 = arith.subi %shift_right_arithmetic3A_1266, %sub3A_1268 : vector<16xi32>
      %convert_element_type3A_1270 = arith.sitofp %sub3A_1269 : vector<16xi32> to vector<16xf32>
      %and3A_1271 = arith.constant 8388607 : i32
      %and3A_1272 = vector.broadcast %and3A_1271 : i32 to vector<16xi32>
      %and3A_1273 = arith.andi %bitcast_convert_type3A_1263, %and3A_1272 : vector<16xi32>
      %or3A_1274 = arith.constant 1065353216 : i32
      %or3A_1275 = vector.broadcast %or3A_1274 : i32 to vector<16xi32>
      %or3A_1276 = arith.ori %and3A_1273, %or3A_1275 : vector<16xi32>
      %bitcast_convert_type3A_1277 = tpu.bitcast %or3A_1276 : vector<16xi32> -> vector<16xf32>
      %sub3A_1278 = arith.constant 1.000000e+00 : f32
      %sub3A_1279 = vector.broadcast %sub3A_1278 : f32 to vector<16xf32>
      %sub3A_1280 = arith.subf %bitcast_convert_type3A_1277, %sub3A_1279 : vector<16xf32>
      %add3A_1281 = arith.constant 1.000000e+00 : f32
      %add3A_1282 = vector.broadcast %add3A_1281 : f32 to vector<16xf32>
      %add3A_1283 = arith.addf %bitcast_convert_type3A_1277, %add3A_1282 : vector<16xf32>
      %div3A_1284 = arith.divf %sub3A_1280, %add3A_1283 : vector<16xf32>
      %mul3A_1285 = arith.mulf %div3A_1284, %div3A_1284 : vector<16xf32>
      %mul3A_1286 = arith.constant 0.142857149 : f32
      %mul3A_1287 = vector.broadcast %mul3A_1286 : f32 to vector<16xf32>
      %mul3A_1288 = arith.mulf %mul3A_1285, %mul3A_1287 : vector<16xf32>
      %add3A_1289 = arith.constant 2.000000e-01 : f32
      %add3A_1290 = vector.broadcast %add3A_1289 : f32 to vector<16xf32>
      %add3A_1291 = arith.addf %add3A_1290, %mul3A_1288 : vector<16xf32>
      %mul3A_1292 = arith.mulf %mul3A_1285, %add3A_1291 : vector<16xf32>
      %add3A_1293 = arith.constant 0.333333343 : f32
      %add3A_1294 = vector.broadcast %add3A_1293 : f32 to vector<16xf32>
      %add3A_1295 = arith.addf %add3A_1294, %mul3A_1292 : vector<16xf32>
      %mul3A_1296 = arith.mulf %mul3A_1285, %add3A_1295 : vector<16xf32>
      %add3A_1297 = arith.constant 1.000000e+00 : f32
      %add3A_1298 = vector.broadcast %add3A_1297 : f32 to vector<16xf32>
      %add3A_1299 = arith.addf %add3A_1298, %mul3A_1296 : vector<16xf32>
      %mul3A_1300 = arith.constant 2.000000e+00 : f32
      %mul3A_1301 = vector.broadcast %mul3A_1300 : f32 to vector<16xf32>
      %mul3A_1302 = arith.mulf %mul3A_1301, %div3A_1284 : vector<16xf32>
      %mul3A_1303 = arith.mulf %mul3A_1302, %add3A_1299 : vector<16xf32>
      %mul3A_1304 = arith.constant 0.693147182 : f32
      %mul3A_1305 = vector.broadcast %mul3A_1304 : f32 to vector<16xf32>
      %mul3A_1306 = arith.mulf %convert_element_type3A_1270, %mul3A_1305 : vector<16xf32>
      %add3A_1307 = arith.addf %mul3A_1303, %mul3A_1306 : vector<16xf32>
      %mul3A_1308 = arith.mulf %gather3A_441, %add3A_1307 : vector<16xf32>
      %sub3A_1309 = arith.constant 0.693147182 : f32
      %sub3A_1310 = vector.broadcast %sub3A_1309 : f32 to vector<16xf32>
      %sub3A_1311 = arith.subf %sub3A_1310, %mul3A_1308 : vector<16xf32>
      %sub3A_1312 = arith.constant 1.000000e+00 : f32
      %sub3A_1313 = vector.broadcast %sub3A_1312 : f32 to vector<16xf32>
      %sub3A_1314 = arith.subf %sub3A_1313, %gather3A_441 : vector<16xf32>
      %add3A_1315 = arith.constant 1.000000e+00 : f32
      %add3A_1316 = vector.broadcast %add3A_1315 : f32 to vector<16xf32>
      %add3A_1317 = arith.addf %add3A_1316, %min3A_1259 : vector<16xf32>
      %bitcast_convert_type3A_1318 = tpu.bitcast %add3A_1317 : vector<16xf32> -> vector<16xi32>
      %shift_right_arithmetic3A_1319 = arith.constant 23 : i32
      %shift_right_arithmetic3A_1320 = vector.broadcast %shift_right_arithmetic3A_1319 : i32 to vector<16xi32>
      %shift_right_arithmetic3A_1321 = arith.shrsi %bitcast_convert_type3A_1318, %shift_right_arithmetic3A_1320 : vector<16xi32>
      %sub3A_1322 = arith.constant 127 : i32
      %sub3A_1323 = vector.broadcast %sub3A_1322 : i32 to vector<16xi32>
      %sub3A_1324 = arith.subi %shift_right_arithmetic3A_1321, %sub3A_1323 : vector<16xi32>
      %convert_element_type3A_1325 = arith.sitofp %sub3A_1324 : vector<16xi32> to vector<16xf32>
      %and3A_1326 = arith.constant 8388607 : i32
      %and3A_1327 = vector.broadcast %and3A_1326 : i32 to vector<16xi32>
      %and3A_1328 = arith.andi %bitcast_convert_type3A_1318, %and3A_1327 : vector<16xi32>
      %or3A_1329 = arith.constant 1065353216 : i32
      %or3A_1330 = vector.broadcast %or3A_1329 : i32 to vector<16xi32>
      %or3A_1331 = arith.ori %and3A_1328, %or3A_1330 : vector<16xi32>
      %bitcast_convert_type3A_1332 = tpu.bitcast %or3A_1331 : vector<16xi32> -> vector<16xf32>
      %sub3A_1333 = arith.constant 1.000000e+00 : f32
      %sub3A_1334 = vector.broadcast %sub3A_1333 : f32 to vector<16xf32>
      %sub3A_1335 = arith.subf %bitcast_convert_type3A_1332, %sub3A_1334 : vector<16xf32>
      %add3A_1336 = arith.constant 1.000000e+00 : f32
      %add3A_1337 = vector.broadcast %add3A_1336 : f32 to vector<16xf32>
      %add3A_1338 = arith.addf %bitcast_convert_type3A_1332, %add3A_1337 : vector<16xf32>
      %div3A_1339 = arith.divf %sub3A_1335, %add3A_1338 : vector<16xf32>
      %mul3A_1340 = arith.mulf %div3A_1339, %div3A_1339 : vector<16xf32>
      %mul3A_1341 = arith.constant 0.142857149 : f32
      %mul3A_1342 = vector.broadcast %mul3A_1341 : f32 to vector<16xf32>
      %mul3A_1343 = arith.mulf %mul3A_1340, %mul3A_1342 : vector<16xf32>
      %add3A_1344 = arith.constant 2.000000e-01 : f32
      %add3A_1345 = vector.broadcast %add3A_1344 : f32 to vector<16xf32>
      %add3A_1346 = arith.addf %add3A_1345, %mul3A_1343 : vector<16xf32>
      %mul3A_1347 = arith.mulf %mul3A_1340, %add3A_1346 : vector<16xf32>
      %add3A_1348 = arith.constant 0.333333343 : f32
      %add3A_1349 = vector.broadcast %add3A_1348 : f32 to vector<16xf32>
      %add3A_1350 = arith.addf %add3A_1349, %mul3A_1347 : vector<16xf32>
      %mul3A_1351 = arith.mulf %mul3A_1340, %add3A_1350 : vector<16xf32>
      %add3A_1352 = arith.constant 1.000000e+00 : f32
      %add3A_1353 = vector.broadcast %add3A_1352 : f32 to vector<16xf32>
      %add3A_1354 = arith.addf %add3A_1353, %mul3A_1351 : vector<16xf32>
      %mul3A_1355 = arith.constant 2.000000e+00 : f32
      %mul3A_1356 = vector.broadcast %mul3A_1355 : f32 to vector<16xf32>
      %mul3A_1357 = arith.mulf %mul3A_1356, %div3A_1339 : vector<16xf32>
      %mul3A_1358 = arith.mulf %mul3A_1357, %add3A_1354 : vector<16xf32>
      %mul3A_1359 = arith.constant 0.693147182 : f32
      %mul3A_1360 = vector.broadcast %mul3A_1359 : f32 to vector<16xf32>
      %mul3A_1361 = arith.mulf %convert_element_type3A_1325, %mul3A_1360 : vector<16xf32>
      %add3A_1362 = arith.addf %mul3A_1358, %mul3A_1361 : vector<16xf32>
      %mul3A_1363 = arith.mulf %sub3A_1314, %add3A_1362 : vector<16xf32>
      %sub3A_1364 = arith.subf %sub3A_1311, %mul3A_1363 : vector<16xf32>
      %mul3A_1365 = arith.mulf %select_n3A_233, %select_n3A_257 : vector<16xf32>
      %jit3A_1366 = arith.constant -0.999998986 : f32
      %jit3A_1367 = arith.constant 0.999998986 : f32
      %max3A_1368 = vector.broadcast %jit3A_1366 : f32 to vector<16xf32>
      %max3A_1369 = arith.maximumf %max3A_1368, %mul3A_1365 : vector<16xf32>
      %min3A_1370 = vector.broadcast %jit3A_1367 : f32 to vector<16xf32>
      %min3A_1371 = arith.minimumf %min3A_1370, %max3A_1369 : vector<16xf32>
      %sub3A_1372 = arith.constant 1.000000e+00 : f32
      %sub3A_1373 = vector.broadcast %sub3A_1372 : f32 to vector<16xf32>
      %sub3A_1374 = arith.subf %sub3A_1373, %min3A_1371 : vector<16xf32>
      %bitcast_convert_type3A_1375 = tpu.bitcast %sub3A_1374 : vector<16xf32> -> vector<16xi32>
      %shift_right_arithmetic3A_1376 = arith.constant 23 : i32
      %shift_right_arithmetic3A_1377 = vector.broadcast %shift_right_arithmetic3A_1376 : i32 to vector<16xi32>
      %shift_right_arithmetic3A_1378 = arith.shrsi %bitcast_convert_type3A_1375, %shift_right_arithmetic3A_1377 : vector<16xi32>
      %sub3A_1379 = arith.constant 127 : i32
      %sub3A_1380 = vector.broadcast %sub3A_1379 : i32 to vector<16xi32>
      %sub3A_1381 = arith.subi %shift_right_arithmetic3A_1378, %sub3A_1380 : vector<16xi32>
      %convert_element_type3A_1382 = arith.sitofp %sub3A_1381 : vector<16xi32> to vector<16xf32>
      %and3A_1383 = arith.constant 8388607 : i32
      %and3A_1384 = vector.broadcast %and3A_1383 : i32 to vector<16xi32>
      %and3A_1385 = arith.andi %bitcast_convert_type3A_1375, %and3A_1384 : vector<16xi32>
      %or3A_1386 = arith.constant 1065353216 : i32
      %or3A_1387 = vector.broadcast %or3A_1386 : i32 to vector<16xi32>
      %or3A_1388 = arith.ori %and3A_1385, %or3A_1387 : vector<16xi32>
      %bitcast_convert_type3A_1389 = tpu.bitcast %or3A_1388 : vector<16xi32> -> vector<16xf32>
      %sub3A_1390 = arith.constant 1.000000e+00 : f32
      %sub3A_1391 = vector.broadcast %sub3A_1390 : f32 to vector<16xf32>
      %sub3A_1392 = arith.subf %bitcast_convert_type3A_1389, %sub3A_1391 : vector<16xf32>
      %add3A_1393 = arith.constant 1.000000e+00 : f32
      %add3A_1394 = vector.broadcast %add3A_1393 : f32 to vector<16xf32>
      %add3A_1395 = arith.addf %bitcast_convert_type3A_1389, %add3A_1394 : vector<16xf32>
      %div3A_1396 = arith.divf %sub3A_1392, %add3A_1395 : vector<16xf32>
      %mul3A_1397 = arith.mulf %div3A_1396, %div3A_1396 : vector<16xf32>
      %mul3A_1398 = arith.constant 0.142857149 : f32
      %mul3A_1399 = vector.broadcast %mul3A_1398 : f32 to vector<16xf32>
      %mul3A_1400 = arith.mulf %mul3A_1397, %mul3A_1399 : vector<16xf32>
      %add3A_1401 = arith.constant 2.000000e-01 : f32
      %add3A_1402 = vector.broadcast %add3A_1401 : f32 to vector<16xf32>
      %add3A_1403 = arith.addf %add3A_1402, %mul3A_1400 : vector<16xf32>
      %mul3A_1404 = arith.mulf %mul3A_1397, %add3A_1403 : vector<16xf32>
      %add3A_1405 = arith.constant 0.333333343 : f32
      %add3A_1406 = vector.broadcast %add3A_1405 : f32 to vector<16xf32>
      %add3A_1407 = arith.addf %add3A_1406, %mul3A_1404 : vector<16xf32>
      %mul3A_1408 = arith.mulf %mul3A_1397, %add3A_1407 : vector<16xf32>
      %add3A_1409 = arith.constant 1.000000e+00 : f32
      %add3A_1410 = vector.broadcast %add3A_1409 : f32 to vector<16xf32>
      %add3A_1411 = arith.addf %add3A_1410, %mul3A_1408 : vector<16xf32>
      %mul3A_1412 = arith.constant 2.000000e+00 : f32
      %mul3A_1413 = vector.broadcast %mul3A_1412 : f32 to vector<16xf32>
      %mul3A_1414 = arith.mulf %mul3A_1413, %div3A_1396 : vector<16xf32>
      %mul3A_1415 = arith.mulf %mul3A_1414, %add3A_1411 : vector<16xf32>
      %mul3A_1416 = arith.constant 0.693147182 : f32
      %mul3A_1417 = vector.broadcast %mul3A_1416 : f32 to vector<16xf32>
      %mul3A_1418 = arith.mulf %convert_element_type3A_1382, %mul3A_1417 : vector<16xf32>
      %add3A_1419 = arith.addf %mul3A_1415, %mul3A_1418 : vector<16xf32>
      %mul3A_1420 = arith.mulf %gather3A_446, %add3A_1419 : vector<16xf32>
      %sub3A_1421 = arith.constant 0.693147182 : f32
      %sub3A_1422 = vector.broadcast %sub3A_1421 : f32 to vector<16xf32>
      %sub3A_1423 = arith.subf %sub3A_1422, %mul3A_1420 : vector<16xf32>
      %sub3A_1424 = arith.constant 1.000000e+00 : f32
      %sub3A_1425 = vector.broadcast %sub3A_1424 : f32 to vector<16xf32>
      %sub3A_1426 = arith.subf %sub3A_1425, %gather3A_446 : vector<16xf32>
      %add3A_1427 = arith.constant 1.000000e+00 : f32
      %add3A_1428 = vector.broadcast %add3A_1427 : f32 to vector<16xf32>
      %add3A_1429 = arith.addf %add3A_1428, %min3A_1371 : vector<16xf32>
      %bitcast_convert_type3A_1430 = tpu.bitcast %add3A_1429 : vector<16xf32> -> vector<16xi32>
      %shift_right_arithmetic3A_1431 = arith.constant 23 : i32
      %shift_right_arithmetic3A_1432 = vector.broadcast %shift_right_arithmetic3A_1431 : i32 to vector<16xi32>
      %shift_right_arithmetic3A_1433 = arith.shrsi %bitcast_convert_type3A_1430, %shift_right_arithmetic3A_1432 : vector<16xi32>
      %sub3A_1434 = arith.constant 127 : i32
      %sub3A_1435 = vector.broadcast %sub3A_1434 : i32 to vector<16xi32>
      %sub3A_1436 = arith.subi %shift_right_arithmetic3A_1433, %sub3A_1435 : vector<16xi32>
      %convert_element_type3A_1437 = arith.sitofp %sub3A_1436 : vector<16xi32> to vector<16xf32>
      %and3A_1438 = arith.constant 8388607 : i32
      %and3A_1439 = vector.broadcast %and3A_1438 : i32 to vector<16xi32>
      %and3A_1440 = arith.andi %bitcast_convert_type3A_1430, %and3A_1439 : vector<16xi32>
      %or3A_1441 = arith.constant 1065353216 : i32
      %or3A_1442 = vector.broadcast %or3A_1441 : i32 to vector<16xi32>
      %or3A_1443 = arith.ori %and3A_1440, %or3A_1442 : vector<16xi32>
      %bitcast_convert_type3A_1444 = tpu.bitcast %or3A_1443 : vector<16xi32> -> vector<16xf32>
      %sub3A_1445 = arith.constant 1.000000e+00 : f32
      %sub3A_1446 = vector.broadcast %sub3A_1445 : f32 to vector<16xf32>
      %sub3A_1447 = arith.subf %bitcast_convert_type3A_1444, %sub3A_1446 : vector<16xf32>
      %add3A_1448 = arith.constant 1.000000e+00 : f32
      %add3A_1449 = vector.broadcast %add3A_1448 : f32 to vector<16xf32>
      %add3A_1450 = arith.addf %bitcast_convert_type3A_1444, %add3A_1449 : vector<16xf32>
      %div3A_1451 = arith.divf %sub3A_1447, %add3A_1450 : vector<16xf32>
      %mul3A_1452 = arith.mulf %div3A_1451, %div3A_1451 : vector<16xf32>
      %mul3A_1453 = arith.constant 0.142857149 : f32
      %mul3A_1454 = vector.broadcast %mul3A_1453 : f32 to vector<16xf32>
      %mul3A_1455 = arith.mulf %mul3A_1452, %mul3A_1454 : vector<16xf32>
      %add3A_1456 = arith.constant 2.000000e-01 : f32
      %add3A_1457 = vector.broadcast %add3A_1456 : f32 to vector<16xf32>
      %add3A_1458 = arith.addf %add3A_1457, %mul3A_1455 : vector<16xf32>
      %mul3A_1459 = arith.mulf %mul3A_1452, %add3A_1458 : vector<16xf32>
      %add3A_1460 = arith.constant 0.333333343 : f32
      %add3A_1461 = vector.broadcast %add3A_1460 : f32 to vector<16xf32>
      %add3A_1462 = arith.addf %add3A_1461, %mul3A_1459 : vector<16xf32>
      %mul3A_1463 = arith.mulf %mul3A_1452, %add3A_1462 : vector<16xf32>
      %add3A_1464 = arith.constant 1.000000e+00 : f32
      %add3A_1465 = vector.broadcast %add3A_1464 : f32 to vector<16xf32>
      %add3A_1466 = arith.addf %add3A_1465, %mul3A_1463 : vector<16xf32>
      %mul3A_1467 = arith.constant 2.000000e+00 : f32
      %mul3A_1468 = vector.broadcast %mul3A_1467 : f32 to vector<16xf32>
      %mul3A_1469 = arith.mulf %mul3A_1468, %div3A_1451 : vector<16xf32>
      %mul3A_1470 = arith.mulf %mul3A_1469, %add3A_1466 : vector<16xf32>
      %mul3A_1471 = arith.constant 0.693147182 : f32
      %mul3A_1472 = vector.broadcast %mul3A_1471 : f32 to vector<16xf32>
      %mul3A_1473 = arith.mulf %convert_element_type3A_1437, %mul3A_1472 : vector<16xf32>
      %add3A_1474 = arith.addf %mul3A_1470, %mul3A_1473 : vector<16xf32>
      %mul3A_1475 = arith.mulf %sub3A_1426, %add3A_1474 : vector<16xf32>
      %sub3A_1476 = arith.subf %sub3A_1423, %mul3A_1475 : vector<16xf32>
      %mul3A_1477 = arith.mulf %select_n3A_257, %select_n3A_281 : vector<16xf32>
      %jit3A_1478 = arith.constant -0.999998986 : f32
      %jit3A_1479 = arith.constant 0.999998986 : f32
      %max3A_1480 = vector.broadcast %jit3A_1478 : f32 to vector<16xf32>
      %max3A_1481 = arith.maximumf %max3A_1480, %mul3A_1477 : vector<16xf32>
      %min3A_1482 = vector.broadcast %jit3A_1479 : f32 to vector<16xf32>
      %min3A_1483 = arith.minimumf %min3A_1482, %max3A_1481 : vector<16xf32>
      %sub3A_1484 = arith.constant 1.000000e+00 : f32
      %sub3A_1485 = vector.broadcast %sub3A_1484 : f32 to vector<16xf32>
      %sub3A_1486 = arith.subf %sub3A_1485, %min3A_1483 : vector<16xf32>
      %bitcast_convert_type3A_1487 = tpu.bitcast %sub3A_1486 : vector<16xf32> -> vector<16xi32>
      %shift_right_arithmetic3A_1488 = arith.constant 23 : i32
      %shift_right_arithmetic3A_1489 = vector.broadcast %shift_right_arithmetic3A_1488 : i32 to vector<16xi32>
      %shift_right_arithmetic3A_1490 = arith.shrsi %bitcast_convert_type3A_1487, %shift_right_arithmetic3A_1489 : vector<16xi32>
      %sub3A_1491 = arith.constant 127 : i32
      %sub3A_1492 = vector.broadcast %sub3A_1491 : i32 to vector<16xi32>
      %sub3A_1493 = arith.subi %shift_right_arithmetic3A_1490, %sub3A_1492 : vector<16xi32>
      %convert_element_type3A_1494 = arith.sitofp %sub3A_1493 : vector<16xi32> to vector<16xf32>
      %and3A_1495 = arith.constant 8388607 : i32
      %and3A_1496 = vector.broadcast %and3A_1495 : i32 to vector<16xi32>
      %and3A_1497 = arith.andi %bitcast_convert_type3A_1487, %and3A_1496 : vector<16xi32>
      %or3A_1498 = arith.constant 1065353216 : i32
      %or3A_1499 = vector.broadcast %or3A_1498 : i32 to vector<16xi32>
      %or3A_1500 = arith.ori %and3A_1497, %or3A_1499 : vector<16xi32>
      %bitcast_convert_type3A_1501 = tpu.bitcast %or3A_1500 : vector<16xi32> -> vector<16xf32>
      %sub3A_1502 = arith.constant 1.000000e+00 : f32
      %sub3A_1503 = vector.broadcast %sub3A_1502 : f32 to vector<16xf32>
      %sub3A_1504 = arith.subf %bitcast_convert_type3A_1501, %sub3A_1503 : vector<16xf32>
      %add3A_1505 = arith.constant 1.000000e+00 : f32
      %add3A_1506 = vector.broadcast %add3A_1505 : f32 to vector<16xf32>
      %add3A_1507 = arith.addf %bitcast_convert_type3A_1501, %add3A_1506 : vector<16xf32>
      %div3A_1508 = arith.divf %sub3A_1504, %add3A_1507 : vector<16xf32>
      %mul3A_1509 = arith.mulf %div3A_1508, %div3A_1508 : vector<16xf32>
      %mul3A_1510 = arith.constant 0.142857149 : f32
      %mul3A_1511 = vector.broadcast %mul3A_1510 : f32 to vector<16xf32>
      %mul3A_1512 = arith.mulf %mul3A_1509, %mul3A_1511 : vector<16xf32>
      %add3A_1513 = arith.constant 2.000000e-01 : f32
      %add3A_1514 = vector.broadcast %add3A_1513 : f32 to vector<16xf32>
      %add3A_1515 = arith.addf %add3A_1514, %mul3A_1512 : vector<16xf32>
      %mul3A_1516 = arith.mulf %mul3A_1509, %add3A_1515 : vector<16xf32>
      %add3A_1517 = arith.constant 0.333333343 : f32
      %add3A_1518 = vector.broadcast %add3A_1517 : f32 to vector<16xf32>
      %add3A_1519 = arith.addf %add3A_1518, %mul3A_1516 : vector<16xf32>
      %mul3A_1520 = arith.mulf %mul3A_1509, %add3A_1519 : vector<16xf32>
      %add3A_1521 = arith.constant 1.000000e+00 : f32
      %add3A_1522 = vector.broadcast %add3A_1521 : f32 to vector<16xf32>
      %add3A_1523 = arith.addf %add3A_1522, %mul3A_1520 : vector<16xf32>
      %mul3A_1524 = arith.constant 2.000000e+00 : f32
      %mul3A_1525 = vector.broadcast %mul3A_1524 : f32 to vector<16xf32>
      %mul3A_1526 = arith.mulf %mul3A_1525, %div3A_1508 : vector<16xf32>
      %mul3A_1527 = arith.mulf %mul3A_1526, %add3A_1523 : vector<16xf32>
      %mul3A_1528 = arith.constant 0.693147182 : f32
      %mul3A_1529 = vector.broadcast %mul3A_1528 : f32 to vector<16xf32>
      %mul3A_1530 = arith.mulf %convert_element_type3A_1494, %mul3A_1529 : vector<16xf32>
      %add3A_1531 = arith.addf %mul3A_1527, %mul3A_1530 : vector<16xf32>
      %mul3A_1532 = arith.mulf %gather3A_451, %add3A_1531 : vector<16xf32>
      %sub3A_1533 = arith.constant 0.693147182 : f32
      %sub3A_1534 = vector.broadcast %sub3A_1533 : f32 to vector<16xf32>
      %sub3A_1535 = arith.subf %sub3A_1534, %mul3A_1532 : vector<16xf32>
      %sub3A_1536 = arith.constant 1.000000e+00 : f32
      %sub3A_1537 = vector.broadcast %sub3A_1536 : f32 to vector<16xf32>
      %sub3A_1538 = arith.subf %sub3A_1537, %gather3A_451 : vector<16xf32>
      %add3A_1539 = arith.constant 1.000000e+00 : f32
      %add3A_1540 = vector.broadcast %add3A_1539 : f32 to vector<16xf32>
      %add3A_1541 = arith.addf %add3A_1540, %min3A_1483 : vector<16xf32>
      %bitcast_convert_type3A_1542 = tpu.bitcast %add3A_1541 : vector<16xf32> -> vector<16xi32>
      %shift_right_arithmetic3A_1543 = arith.constant 23 : i32
      %shift_right_arithmetic3A_1544 = vector.broadcast %shift_right_arithmetic3A_1543 : i32 to vector<16xi32>
      %shift_right_arithmetic3A_1545 = arith.shrsi %bitcast_convert_type3A_1542, %shift_right_arithmetic3A_1544 : vector<16xi32>
      %sub3A_1546 = arith.constant 127 : i32
      %sub3A_1547 = vector.broadcast %sub3A_1546 : i32 to vector<16xi32>
      %sub3A_1548 = arith.subi %shift_right_arithmetic3A_1545, %sub3A_1547 : vector<16xi32>
      %convert_element_type3A_1549 = arith.sitofp %sub3A_1548 : vector<16xi32> to vector<16xf32>
      %and3A_1550 = arith.constant 8388607 : i32
      %and3A_1551 = vector.broadcast %and3A_1550 : i32 to vector<16xi32>
      %and3A_1552 = arith.andi %bitcast_convert_type3A_1542, %and3A_1551 : vector<16xi32>
      %or3A_1553 = arith.constant 1065353216 : i32
      %or3A_1554 = vector.broadcast %or3A_1553 : i32 to vector<16xi32>
      %or3A_1555 = arith.ori %and3A_1552, %or3A_1554 : vector<16xi32>
      %bitcast_convert_type3A_1556 = tpu.bitcast %or3A_1555 : vector<16xi32> -> vector<16xf32>
      %sub3A_1557 = arith.constant 1.000000e+00 : f32
      %sub3A_1558 = vector.broadcast %sub3A_1557 : f32 to vector<16xf32>
      %sub3A_1559 = arith.subf %bitcast_convert_type3A_1556, %sub3A_1558 : vector<16xf32>
      %add3A_1560 = arith.constant 1.000000e+00 : f32
      %add3A_1561 = vector.broadcast %add3A_1560 : f32 to vector<16xf32>
      %add3A_1562 = arith.addf %bitcast_convert_type3A_1556, %add3A_1561 : vector<16xf32>
      %div3A_1563 = arith.divf %sub3A_1559, %add3A_1562 : vector<16xf32>
      %mul3A_1564 = arith.mulf %div3A_1563, %div3A_1563 : vector<16xf32>
      %mul3A_1565 = arith.constant 0.142857149 : f32
      %mul3A_1566 = vector.broadcast %mul3A_1565 : f32 to vector<16xf32>
      %mul3A_1567 = arith.mulf %mul3A_1564, %mul3A_1566 : vector<16xf32>
      %add3A_1568 = arith.constant 2.000000e-01 : f32
      %add3A_1569 = vector.broadcast %add3A_1568 : f32 to vector<16xf32>
      %add3A_1570 = arith.addf %add3A_1569, %mul3A_1567 : vector<16xf32>
      %mul3A_1571 = arith.mulf %mul3A_1564, %add3A_1570 : vector<16xf32>
      %add3A_1572 = arith.constant 0.333333343 : f32
      %add3A_1573 = vector.broadcast %add3A_1572 : f32 to vector<16xf32>
      %add3A_1574 = arith.addf %add3A_1573, %mul3A_1571 : vector<16xf32>
      %mul3A_1575 = arith.mulf %mul3A_1564, %add3A_1574 : vector<16xf32>
      %add3A_1576 = arith.constant 1.000000e+00 : f32
      %add3A_1577 = vector.broadcast %add3A_1576 : f32 to vector<16xf32>
      %add3A_1578 = arith.addf %add3A_1577, %mul3A_1575 : vector<16xf32>
      %mul3A_1579 = arith.constant 2.000000e+00 : f32
      %mul3A_1580 = vector.broadcast %mul3A_1579 : f32 to vector<16xf32>
      %mul3A_1581 = arith.mulf %mul3A_1580, %div3A_1563 : vector<16xf32>
      %mul3A_1582 = arith.mulf %mul3A_1581, %add3A_1578 : vector<16xf32>
      %mul3A_1583 = arith.constant 0.693147182 : f32
      %mul3A_1584 = vector.broadcast %mul3A_1583 : f32 to vector<16xf32>
      %mul3A_1585 = arith.mulf %convert_element_type3A_1549, %mul3A_1584 : vector<16xf32>
      %add3A_1586 = arith.addf %mul3A_1582, %mul3A_1585 : vector<16xf32>
      %mul3A_1587 = arith.mulf %sub3A_1538, %add3A_1586 : vector<16xf32>
      %sub3A_1588 = arith.subf %sub3A_1535, %mul3A_1587 : vector<16xf32>
      %mul3A_1589 = arith.mulf %select_n3A_281, %select_n3A_305 : vector<16xf32>
      %jit3A_1590 = arith.constant -0.999998986 : f32
      %jit3A_1591 = arith.constant 0.999998986 : f32
      %max3A_1592 = vector.broadcast %jit3A_1590 : f32 to vector<16xf32>
      %max3A_1593 = arith.maximumf %max3A_1592, %mul3A_1589 : vector<16xf32>
      %min3A_1594 = vector.broadcast %jit3A_1591 : f32 to vector<16xf32>
      %min3A_1595 = arith.minimumf %min3A_1594, %max3A_1593 : vector<16xf32>
      %sub3A_1596 = arith.constant 1.000000e+00 : f32
      %sub3A_1597 = vector.broadcast %sub3A_1596 : f32 to vector<16xf32>
      %sub3A_1598 = arith.subf %sub3A_1597, %min3A_1595 : vector<16xf32>
      %bitcast_convert_type3A_1599 = tpu.bitcast %sub3A_1598 : vector<16xf32> -> vector<16xi32>
      %shift_right_arithmetic3A_1600 = arith.constant 23 : i32
      %shift_right_arithmetic3A_1601 = vector.broadcast %shift_right_arithmetic3A_1600 : i32 to vector<16xi32>
      %shift_right_arithmetic3A_1602 = arith.shrsi %bitcast_convert_type3A_1599, %shift_right_arithmetic3A_1601 : vector<16xi32>
      %sub3A_1603 = arith.constant 127 : i32
      %sub3A_1604 = vector.broadcast %sub3A_1603 : i32 to vector<16xi32>
      %sub3A_1605 = arith.subi %shift_right_arithmetic3A_1602, %sub3A_1604 : vector<16xi32>
      %convert_element_type3A_1606 = arith.sitofp %sub3A_1605 : vector<16xi32> to vector<16xf32>
      %and3A_1607 = arith.constant 8388607 : i32
      %and3A_1608 = vector.broadcast %and3A_1607 : i32 to vector<16xi32>
      %and3A_1609 = arith.andi %bitcast_convert_type3A_1599, %and3A_1608 : vector<16xi32>
      %or3A_1610 = arith.constant 1065353216 : i32
      %or3A_1611 = vector.broadcast %or3A_1610 : i32 to vector<16xi32>
      %or3A_1612 = arith.ori %and3A_1609, %or3A_1611 : vector<16xi32>
      %bitcast_convert_type3A_1613 = tpu.bitcast %or3A_1612 : vector<16xi32> -> vector<16xf32>
      %sub3A_1614 = arith.constant 1.000000e+00 : f32
      %sub3A_1615 = vector.broadcast %sub3A_1614 : f32 to vector<16xf32>
      %sub3A_1616 = arith.subf %bitcast_convert_type3A_1613, %sub3A_1615 : vector<16xf32>
      %add3A_1617 = arith.constant 1.000000e+00 : f32
      %add3A_1618 = vector.broadcast %add3A_1617 : f32 to vector<16xf32>
      %add3A_1619 = arith.addf %bitcast_convert_type3A_1613, %add3A_1618 : vector<16xf32>
      %div3A_1620 = arith.divf %sub3A_1616, %add3A_1619 : vector<16xf32>
      %mul3A_1621 = arith.mulf %div3A_1620, %div3A_1620 : vector<16xf32>
      %mul3A_1622 = arith.constant 0.142857149 : f32
      %mul3A_1623 = vector.broadcast %mul3A_1622 : f32 to vector<16xf32>
      %mul3A_1624 = arith.mulf %mul3A_1621, %mul3A_1623 : vector<16xf32>
      %add3A_1625 = arith.constant 2.000000e-01 : f32
      %add3A_1626 = vector.broadcast %add3A_1625 : f32 to vector<16xf32>
      %add3A_1627 = arith.addf %add3A_1626, %mul3A_1624 : vector<16xf32>
      %mul3A_1628 = arith.mulf %mul3A_1621, %add3A_1627 : vector<16xf32>
      %add3A_1629 = arith.constant 0.333333343 : f32
      %add3A_1630 = vector.broadcast %add3A_1629 : f32 to vector<16xf32>
      %add3A_1631 = arith.addf %add3A_1630, %mul3A_1628 : vector<16xf32>
      %mul3A_1632 = arith.mulf %mul3A_1621, %add3A_1631 : vector<16xf32>
      %add3A_1633 = arith.constant 1.000000e+00 : f32
      %add3A_1634 = vector.broadcast %add3A_1633 : f32 to vector<16xf32>
      %add3A_1635 = arith.addf %add3A_1634, %mul3A_1632 : vector<16xf32>
      %mul3A_1636 = arith.constant 2.000000e+00 : f32
      %mul3A_1637 = vector.broadcast %mul3A_1636 : f32 to vector<16xf32>
      %mul3A_1638 = arith.mulf %mul3A_1637, %div3A_1620 : vector<16xf32>
      %mul3A_1639 = arith.mulf %mul3A_1638, %add3A_1635 : vector<16xf32>
      %mul3A_1640 = arith.constant 0.693147182 : f32
      %mul3A_1641 = vector.broadcast %mul3A_1640 : f32 to vector<16xf32>
      %mul3A_1642 = arith.mulf %convert_element_type3A_1606, %mul3A_1641 : vector<16xf32>
      %add3A_1643 = arith.addf %mul3A_1639, %mul3A_1642 : vector<16xf32>
      %mul3A_1644 = arith.mulf %gather3A_456, %add3A_1643 : vector<16xf32>
      %sub3A_1645 = arith.constant 0.693147182 : f32
      %sub3A_1646 = vector.broadcast %sub3A_1645 : f32 to vector<16xf32>
      %sub3A_1647 = arith.subf %sub3A_1646, %mul3A_1644 : vector<16xf32>
      %sub3A_1648 = arith.constant 1.000000e+00 : f32
      %sub3A_1649 = vector.broadcast %sub3A_1648 : f32 to vector<16xf32>
      %sub3A_1650 = arith.subf %sub3A_1649, %gather3A_456 : vector<16xf32>
      %add3A_1651 = arith.constant 1.000000e+00 : f32
      %add3A_1652 = vector.broadcast %add3A_1651 : f32 to vector<16xf32>
      %add3A_1653 = arith.addf %add3A_1652, %min3A_1595 : vector<16xf32>
      %bitcast_convert_type3A_1654 = tpu.bitcast %add3A_1653 : vector<16xf32> -> vector<16xi32>
      %shift_right_arithmetic3A_1655 = arith.constant 23 : i32
      %shift_right_arithmetic3A_1656 = vector.broadcast %shift_right_arithmetic3A_1655 : i32 to vector<16xi32>
      %shift_right_arithmetic3A_1657 = arith.shrsi %bitcast_convert_type3A_1654, %shift_right_arithmetic3A_1656 : vector<16xi32>
      %sub3A_1658 = arith.constant 127 : i32
      %sub3A_1659 = vector.broadcast %sub3A_1658 : i32 to vector<16xi32>
      %sub3A_1660 = arith.subi %shift_right_arithmetic3A_1657, %sub3A_1659 : vector<16xi32>
      %convert_element_type3A_1661 = arith.sitofp %sub3A_1660 : vector<16xi32> to vector<16xf32>
      %and3A_1662 = arith.constant 8388607 : i32
      %and3A_1663 = vector.broadcast %and3A_1662 : i32 to vector<16xi32>
      %and3A_1664 = arith.andi %bitcast_convert_type3A_1654, %and3A_1663 : vector<16xi32>
      %or3A_1665 = arith.constant 1065353216 : i32
      %or3A_1666 = vector.broadcast %or3A_1665 : i32 to vector<16xi32>
      %or3A_1667 = arith.ori %and3A_1664, %or3A_1666 : vector<16xi32>
      %bitcast_convert_type3A_1668 = tpu.bitcast %or3A_1667 : vector<16xi32> -> vector<16xf32>
      %sub3A_1669 = arith.constant 1.000000e+00 : f32
      %sub3A_1670 = vector.broadcast %sub3A_1669 : f32 to vector<16xf32>
      %sub3A_1671 = arith.subf %bitcast_convert_type3A_1668, %sub3A_1670 : vector<16xf32>
      %add3A_1672 = arith.constant 1.000000e+00 : f32
      %add3A_1673 = vector.broadcast %add3A_1672 : f32 to vector<16xf32>
      %add3A_1674 = arith.addf %bitcast_convert_type3A_1668, %add3A_1673 : vector<16xf32>
      %div3A_1675 = arith.divf %sub3A_1671, %add3A_1674 : vector<16xf32>
      %mul3A_1676 = arith.mulf %div3A_1675, %div3A_1675 : vector<16xf32>
      %mul3A_1677 = arith.constant 0.142857149 : f32
      %mul3A_1678 = vector.broadcast %mul3A_1677 : f32 to vector<16xf32>
      %mul3A_1679 = arith.mulf %mul3A_1676, %mul3A_1678 : vector<16xf32>
      %add3A_1680 = arith.constant 2.000000e-01 : f32
      %add3A_1681 = vector.broadcast %add3A_1680 : f32 to vector<16xf32>
      %add3A_1682 = arith.addf %add3A_1681, %mul3A_1679 : vector<16xf32>
      %mul3A_1683 = arith.mulf %mul3A_1676, %add3A_1682 : vector<16xf32>
      %add3A_1684 = arith.constant 0.333333343 : f32
      %add3A_1685 = vector.broadcast %add3A_1684 : f32 to vector<16xf32>
      %add3A_1686 = arith.addf %add3A_1685, %mul3A_1683 : vector<16xf32>
      %mul3A_1687 = arith.mulf %mul3A_1676, %add3A_1686 : vector<16xf32>
      %add3A_1688 = arith.constant 1.000000e+00 : f32
      %add3A_1689 = vector.broadcast %add3A_1688 : f32 to vector<16xf32>
      %add3A_1690 = arith.addf %add3A_1689, %mul3A_1687 : vector<16xf32>
      %mul3A_1691 = arith.constant 2.000000e+00 : f32
      %mul3A_1692 = vector.broadcast %mul3A_1691 : f32 to vector<16xf32>
      %mul3A_1693 = arith.mulf %mul3A_1692, %div3A_1675 : vector<16xf32>
      %mul3A_1694 = arith.mulf %mul3A_1693, %add3A_1690 : vector<16xf32>
      %mul3A_1695 = arith.constant 0.693147182 : f32
      %mul3A_1696 = vector.broadcast %mul3A_1695 : f32 to vector<16xf32>
      %mul3A_1697 = arith.mulf %convert_element_type3A_1661, %mul3A_1696 : vector<16xf32>
      %add3A_1698 = arith.addf %mul3A_1694, %mul3A_1697 : vector<16xf32>
      %mul3A_1699 = arith.mulf %sub3A_1650, %add3A_1698 : vector<16xf32>
      %sub3A_1700 = arith.subf %sub3A_1647, %mul3A_1699 : vector<16xf32>
      %mul3A_1701 = arith.mulf %select_n3A_305, %select_n3A_329 : vector<16xf32>
      %jit3A_1702 = arith.constant -0.999998986 : f32
      %jit3A_1703 = arith.constant 0.999998986 : f32
      %max3A_1704 = vector.broadcast %jit3A_1702 : f32 to vector<16xf32>
      %max3A_1705 = arith.maximumf %max3A_1704, %mul3A_1701 : vector<16xf32>
      %min3A_1706 = vector.broadcast %jit3A_1703 : f32 to vector<16xf32>
      %min3A_1707 = arith.minimumf %min3A_1706, %max3A_1705 : vector<16xf32>
      %sub3A_1708 = arith.constant 1.000000e+00 : f32
      %sub3A_1709 = vector.broadcast %sub3A_1708 : f32 to vector<16xf32>
      %sub3A_1710 = arith.subf %sub3A_1709, %min3A_1707 : vector<16xf32>
      %bitcast_convert_type3A_1711 = tpu.bitcast %sub3A_1710 : vector<16xf32> -> vector<16xi32>
      %shift_right_arithmetic3A_1712 = arith.constant 23 : i32
      %shift_right_arithmetic3A_1713 = vector.broadcast %shift_right_arithmetic3A_1712 : i32 to vector<16xi32>
      %shift_right_arithmetic3A_1714 = arith.shrsi %bitcast_convert_type3A_1711, %shift_right_arithmetic3A_1713 : vector<16xi32>
      %sub3A_1715 = arith.constant 127 : i32
      %sub3A_1716 = vector.broadcast %sub3A_1715 : i32 to vector<16xi32>
      %sub3A_1717 = arith.subi %shift_right_arithmetic3A_1714, %sub3A_1716 : vector<16xi32>
      %convert_element_type3A_1718 = arith.sitofp %sub3A_1717 : vector<16xi32> to vector<16xf32>
      %and3A_1719 = arith.constant 8388607 : i32
      %and3A_1720 = vector.broadcast %and3A_1719 : i32 to vector<16xi32>
      %and3A_1721 = arith.andi %bitcast_convert_type3A_1711, %and3A_1720 : vector<16xi32>
      %or3A_1722 = arith.constant 1065353216 : i32
      %or3A_1723 = vector.broadcast %or3A_1722 : i32 to vector<16xi32>
      %or3A_1724 = arith.ori %and3A_1721, %or3A_1723 : vector<16xi32>
      %bitcast_convert_type3A_1725 = tpu.bitcast %or3A_1724 : vector<16xi32> -> vector<16xf32>
      %sub3A_1726 = arith.constant 1.000000e+00 : f32
      %sub3A_1727 = vector.broadcast %sub3A_1726 : f32 to vector<16xf32>
      %sub3A_1728 = arith.subf %bitcast_convert_type3A_1725, %sub3A_1727 : vector<16xf32>
      %add3A_1729 = arith.constant 1.000000e+00 : f32
      %add3A_1730 = vector.broadcast %add3A_1729 : f32 to vector<16xf32>
      %add3A_1731 = arith.addf %bitcast_convert_type3A_1725, %add3A_1730 : vector<16xf32>
      %div3A_1732 = arith.divf %sub3A_1728, %add3A_1731 : vector<16xf32>
      %mul3A_1733 = arith.mulf %div3A_1732, %div3A_1732 : vector<16xf32>
      %mul3A_1734 = arith.constant 0.142857149 : f32
      %mul3A_1735 = vector.broadcast %mul3A_1734 : f32 to vector<16xf32>
      %mul3A_1736 = arith.mulf %mul3A_1733, %mul3A_1735 : vector<16xf32>
      %add3A_1737 = arith.constant 2.000000e-01 : f32
      %add3A_1738 = vector.broadcast %add3A_1737 : f32 to vector<16xf32>
      %add3A_1739 = arith.addf %add3A_1738, %mul3A_1736 : vector<16xf32>
      %mul3A_1740 = arith.mulf %mul3A_1733, %add3A_1739 : vector<16xf32>
      %add3A_1741 = arith.constant 0.333333343 : f32
      %add3A_1742 = vector.broadcast %add3A_1741 : f32 to vector<16xf32>
      %add3A_1743 = arith.addf %add3A_1742, %mul3A_1740 : vector<16xf32>
      %mul3A_1744 = arith.mulf %mul3A_1733, %add3A_1743 : vector<16xf32>
      %add3A_1745 = arith.constant 1.000000e+00 : f32
      %add3A_1746 = vector.broadcast %add3A_1745 : f32 to vector<16xf32>
      %add3A_1747 = arith.addf %add3A_1746, %mul3A_1744 : vector<16xf32>
      %mul3A_1748 = arith.constant 2.000000e+00 : f32
      %mul3A_1749 = vector.broadcast %mul3A_1748 : f32 to vector<16xf32>
      %mul3A_1750 = arith.mulf %mul3A_1749, %div3A_1732 : vector<16xf32>
      %mul3A_1751 = arith.mulf %mul3A_1750, %add3A_1747 : vector<16xf32>
      %mul3A_1752 = arith.constant 0.693147182 : f32
      %mul3A_1753 = vector.broadcast %mul3A_1752 : f32 to vector<16xf32>
      %mul3A_1754 = arith.mulf %convert_element_type3A_1718, %mul3A_1753 : vector<16xf32>
      %add3A_1755 = arith.addf %mul3A_1751, %mul3A_1754 : vector<16xf32>
      %mul3A_1756 = arith.mulf %gather3A_461, %add3A_1755 : vector<16xf32>
      %sub3A_1757 = arith.constant 0.693147182 : f32
      %sub3A_1758 = vector.broadcast %sub3A_1757 : f32 to vector<16xf32>
      %sub3A_1759 = arith.subf %sub3A_1758, %mul3A_1756 : vector<16xf32>
      %sub3A_1760 = arith.constant 1.000000e+00 : f32
      %sub3A_1761 = vector.broadcast %sub3A_1760 : f32 to vector<16xf32>
      %sub3A_1762 = arith.subf %sub3A_1761, %gather3A_461 : vector<16xf32>
      %add3A_1763 = arith.constant 1.000000e+00 : f32
      %add3A_1764 = vector.broadcast %add3A_1763 : f32 to vector<16xf32>
      %add3A_1765 = arith.addf %add3A_1764, %min3A_1707 : vector<16xf32>
      %bitcast_convert_type3A_1766 = tpu.bitcast %add3A_1765 : vector<16xf32> -> vector<16xi32>
      %shift_right_arithmetic3A_1767 = arith.constant 23 : i32
      %shift_right_arithmetic3A_1768 = vector.broadcast %shift_right_arithmetic3A_1767 : i32 to vector<16xi32>
      %shift_right_arithmetic3A_1769 = arith.shrsi %bitcast_convert_type3A_1766, %shift_right_arithmetic3A_1768 : vector<16xi32>
      %sub3A_1770 = arith.constant 127 : i32
      %sub3A_1771 = vector.broadcast %sub3A_1770 : i32 to vector<16xi32>
      %sub3A_1772 = arith.subi %shift_right_arithmetic3A_1769, %sub3A_1771 : vector<16xi32>
      %convert_element_type3A_1773 = arith.sitofp %sub3A_1772 : vector<16xi32> to vector<16xf32>
      %and3A_1774 = arith.constant 8388607 : i32
      %and3A_1775 = vector.broadcast %and3A_1774 : i32 to vector<16xi32>
      %and3A_1776 = arith.andi %bitcast_convert_type3A_1766, %and3A_1775 : vector<16xi32>
      %or3A_1777 = arith.constant 1065353216 : i32
      %or3A_1778 = vector.broadcast %or3A_1777 : i32 to vector<16xi32>
      %or3A_1779 = arith.ori %and3A_1776, %or3A_1778 : vector<16xi32>
      %bitcast_convert_type3A_1780 = tpu.bitcast %or3A_1779 : vector<16xi32> -> vector<16xf32>
      %sub3A_1781 = arith.constant 1.000000e+00 : f32
      %sub3A_1782 = vector.broadcast %sub3A_1781 : f32 to vector<16xf32>
      %sub3A_1783 = arith.subf %bitcast_convert_type3A_1780, %sub3A_1782 : vector<16xf32>
      %add3A_1784 = arith.constant 1.000000e+00 : f32
      %add3A_1785 = vector.broadcast %add3A_1784 : f32 to vector<16xf32>
      %add3A_1786 = arith.addf %bitcast_convert_type3A_1780, %add3A_1785 : vector<16xf32>
      %div3A_1787 = arith.divf %sub3A_1783, %add3A_1786 : vector<16xf32>
      %mul3A_1788 = arith.mulf %div3A_1787, %div3A_1787 : vector<16xf32>
      %mul3A_1789 = arith.constant 0.142857149 : f32
      %mul3A_1790 = vector.broadcast %mul3A_1789 : f32 to vector<16xf32>
      %mul3A_1791 = arith.mulf %mul3A_1788, %mul3A_1790 : vector<16xf32>
      %add3A_1792 = arith.constant 2.000000e-01 : f32
      %add3A_1793 = vector.broadcast %add3A_1792 : f32 to vector<16xf32>
      %add3A_1794 = arith.addf %add3A_1793, %mul3A_1791 : vector<16xf32>
      %mul3A_1795 = arith.mulf %mul3A_1788, %add3A_1794 : vector<16xf32>
      %add3A_1796 = arith.constant 0.333333343 : f32
      %add3A_1797 = vector.broadcast %add3A_1796 : f32 to vector<16xf32>
      %add3A_1798 = arith.addf %add3A_1797, %mul3A_1795 : vector<16xf32>
      %mul3A_1799 = arith.mulf %mul3A_1788, %add3A_1798 : vector<16xf32>
      %add3A_1800 = arith.constant 1.000000e+00 : f32
      %add3A_1801 = vector.broadcast %add3A_1800 : f32 to vector<16xf32>
      %add3A_1802 = arith.addf %add3A_1801, %mul3A_1799 : vector<16xf32>
      %mul3A_1803 = arith.constant 2.000000e+00 : f32
      %mul3A_1804 = vector.broadcast %mul3A_1803 : f32 to vector<16xf32>
      %mul3A_1805 = arith.mulf %mul3A_1804, %div3A_1787 : vector<16xf32>
      %mul3A_1806 = arith.mulf %mul3A_1805, %add3A_1802 : vector<16xf32>
      %mul3A_1807 = arith.constant 0.693147182 : f32
      %mul3A_1808 = vector.broadcast %mul3A_1807 : f32 to vector<16xf32>
      %mul3A_1809 = arith.mulf %convert_element_type3A_1773, %mul3A_1808 : vector<16xf32>
      %add3A_1810 = arith.addf %mul3A_1806, %mul3A_1809 : vector<16xf32>
      %mul3A_1811 = arith.mulf %sub3A_1762, %add3A_1810 : vector<16xf32>
      %sub3A_1812 = arith.subf %sub3A_1759, %mul3A_1811 : vector<16xf32>
      %mul3A_1813 = arith.mulf %select_n3A_329, %select_n3A_353 : vector<16xf32>
      %jit3A_1814 = arith.constant -0.999998986 : f32
      %jit3A_1815 = arith.constant 0.999998986 : f32
      %max3A_1816 = vector.broadcast %jit3A_1814 : f32 to vector<16xf32>
      %max3A_1817 = arith.maximumf %max3A_1816, %mul3A_1813 : vector<16xf32>
      %min3A_1818 = vector.broadcast %jit3A_1815 : f32 to vector<16xf32>
      %min3A_1819 = arith.minimumf %min3A_1818, %max3A_1817 : vector<16xf32>
      %sub3A_1820 = arith.constant 1.000000e+00 : f32
      %sub3A_1821 = vector.broadcast %sub3A_1820 : f32 to vector<16xf32>
      %sub3A_1822 = arith.subf %sub3A_1821, %min3A_1819 : vector<16xf32>
      %bitcast_convert_type3A_1823 = tpu.bitcast %sub3A_1822 : vector<16xf32> -> vector<16xi32>
      %shift_right_arithmetic3A_1824 = arith.constant 23 : i32
      %shift_right_arithmetic3A_1825 = vector.broadcast %shift_right_arithmetic3A_1824 : i32 to vector<16xi32>
      %shift_right_arithmetic3A_1826 = arith.shrsi %bitcast_convert_type3A_1823, %shift_right_arithmetic3A_1825 : vector<16xi32>
      %sub3A_1827 = arith.constant 127 : i32
      %sub3A_1828 = vector.broadcast %sub3A_1827 : i32 to vector<16xi32>
      %sub3A_1829 = arith.subi %shift_right_arithmetic3A_1826, %sub3A_1828 : vector<16xi32>
      %convert_element_type3A_1830 = arith.sitofp %sub3A_1829 : vector<16xi32> to vector<16xf32>
      %and3A_1831 = arith.constant 8388607 : i32
      %and3A_1832 = vector.broadcast %and3A_1831 : i32 to vector<16xi32>
      %and3A_1833 = arith.andi %bitcast_convert_type3A_1823, %and3A_1832 : vector<16xi32>
      %or3A_1834 = arith.constant 1065353216 : i32
      %or3A_1835 = vector.broadcast %or3A_1834 : i32 to vector<16xi32>
      %or3A_1836 = arith.ori %and3A_1833, %or3A_1835 : vector<16xi32>
      %bitcast_convert_type3A_1837 = tpu.bitcast %or3A_1836 : vector<16xi32> -> vector<16xf32>
      %sub3A_1838 = arith.constant 1.000000e+00 : f32
      %sub3A_1839 = vector.broadcast %sub3A_1838 : f32 to vector<16xf32>
      %sub3A_1840 = arith.subf %bitcast_convert_type3A_1837, %sub3A_1839 : vector<16xf32>
      %add3A_1841 = arith.constant 1.000000e+00 : f32
      %add3A_1842 = vector.broadcast %add3A_1841 : f32 to vector<16xf32>
      %add3A_1843 = arith.addf %bitcast_convert_type3A_1837, %add3A_1842 : vector<16xf32>
      %div3A_1844 = arith.divf %sub3A_1840, %add3A_1843 : vector<16xf32>
      %mul3A_1845 = arith.mulf %div3A_1844, %div3A_1844 : vector<16xf32>
      %mul3A_1846 = arith.constant 0.142857149 : f32
      %mul3A_1847 = vector.broadcast %mul3A_1846 : f32 to vector<16xf32>
      %mul3A_1848 = arith.mulf %mul3A_1845, %mul3A_1847 : vector<16xf32>
      %add3A_1849 = arith.constant 2.000000e-01 : f32
      %add3A_1850 = vector.broadcast %add3A_1849 : f32 to vector<16xf32>
      %add3A_1851 = arith.addf %add3A_1850, %mul3A_1848 : vector<16xf32>
      %mul3A_1852 = arith.mulf %mul3A_1845, %add3A_1851 : vector<16xf32>
      %add3A_1853 = arith.constant 0.333333343 : f32
      %add3A_1854 = vector.broadcast %add3A_1853 : f32 to vector<16xf32>
      %add3A_1855 = arith.addf %add3A_1854, %mul3A_1852 : vector<16xf32>
      %mul3A_1856 = arith.mulf %mul3A_1845, %add3A_1855 : vector<16xf32>
      %add3A_1857 = arith.constant 1.000000e+00 : f32
      %add3A_1858 = vector.broadcast %add3A_1857 : f32 to vector<16xf32>
      %add3A_1859 = arith.addf %add3A_1858, %mul3A_1856 : vector<16xf32>
      %mul3A_1860 = arith.constant 2.000000e+00 : f32
      %mul3A_1861 = vector.broadcast %mul3A_1860 : f32 to vector<16xf32>
      %mul3A_1862 = arith.mulf %mul3A_1861, %div3A_1844 : vector<16xf32>
      %mul3A_1863 = arith.mulf %mul3A_1862, %add3A_1859 : vector<16xf32>
      %mul3A_1864 = arith.constant 0.693147182 : f32
      %mul3A_1865 = vector.broadcast %mul3A_1864 : f32 to vector<16xf32>
      %mul3A_1866 = arith.mulf %convert_element_type3A_1830, %mul3A_1865 : vector<16xf32>
      %add3A_1867 = arith.addf %mul3A_1863, %mul3A_1866 : vector<16xf32>
      %mul3A_1868 = arith.mulf %gather3A_466, %add3A_1867 : vector<16xf32>
      %sub3A_1869 = arith.constant 0.693147182 : f32
      %sub3A_1870 = vector.broadcast %sub3A_1869 : f32 to vector<16xf32>
      %sub3A_1871 = arith.subf %sub3A_1870, %mul3A_1868 : vector<16xf32>
      %sub3A_1872 = arith.constant 1.000000e+00 : f32
      %sub3A_1873 = vector.broadcast %sub3A_1872 : f32 to vector<16xf32>
      %sub3A_1874 = arith.subf %sub3A_1873, %gather3A_466 : vector<16xf32>
      %add3A_1875 = arith.constant 1.000000e+00 : f32
      %add3A_1876 = vector.broadcast %add3A_1875 : f32 to vector<16xf32>
      %add3A_1877 = arith.addf %add3A_1876, %min3A_1819 : vector<16xf32>
      %bitcast_convert_type3A_1878 = tpu.bitcast %add3A_1877 : vector<16xf32> -> vector<16xi32>
      %shift_right_arithmetic3A_1879 = arith.constant 23 : i32
      %shift_right_arithmetic3A_1880 = vector.broadcast %shift_right_arithmetic3A_1879 : i32 to vector<16xi32>
      %shift_right_arithmetic3A_1881 = arith.shrsi %bitcast_convert_type3A_1878, %shift_right_arithmetic3A_1880 : vector<16xi32>
      %sub3A_1882 = arith.constant 127 : i32
      %sub3A_1883 = vector.broadcast %sub3A_1882 : i32 to vector<16xi32>
      %sub3A_1884 = arith.subi %shift_right_arithmetic3A_1881, %sub3A_1883 : vector<16xi32>
      %convert_element_type3A_1885 = arith.sitofp %sub3A_1884 : vector<16xi32> to vector<16xf32>
      %and3A_1886 = arith.constant 8388607 : i32
      %and3A_1887 = vector.broadcast %and3A_1886 : i32 to vector<16xi32>
      %and3A_1888 = arith.andi %bitcast_convert_type3A_1878, %and3A_1887 : vector<16xi32>
      %or3A_1889 = arith.constant 1065353216 : i32
      %or3A_1890 = vector.broadcast %or3A_1889 : i32 to vector<16xi32>
      %or3A_1891 = arith.ori %and3A_1888, %or3A_1890 : vector<16xi32>
      %bitcast_convert_type3A_1892 = tpu.bitcast %or3A_1891 : vector<16xi32> -> vector<16xf32>
      %sub3A_1893 = arith.constant 1.000000e+00 : f32
      %sub3A_1894 = vector.broadcast %sub3A_1893 : f32 to vector<16xf32>
      %sub3A_1895 = arith.subf %bitcast_convert_type3A_1892, %sub3A_1894 : vector<16xf32>
      %add3A_1896 = arith.constant 1.000000e+00 : f32
      %add3A_1897 = vector.broadcast %add3A_1896 : f32 to vector<16xf32>
      %add3A_1898 = arith.addf %bitcast_convert_type3A_1892, %add3A_1897 : vector<16xf32>
      %div3A_1899 = arith.divf %sub3A_1895, %add3A_1898 : vector<16xf32>
      %mul3A_1900 = arith.mulf %div3A_1899, %div3A_1899 : vector<16xf32>
      %mul3A_1901 = arith.constant 0.142857149 : f32
      %mul3A_1902 = vector.broadcast %mul3A_1901 : f32 to vector<16xf32>
      %mul3A_1903 = arith.mulf %mul3A_1900, %mul3A_1902 : vector<16xf32>
      %add3A_1904 = arith.constant 2.000000e-01 : f32
      %add3A_1905 = vector.broadcast %add3A_1904 : f32 to vector<16xf32>
      %add3A_1906 = arith.addf %add3A_1905, %mul3A_1903 : vector<16xf32>
      %mul3A_1907 = arith.mulf %mul3A_1900, %add3A_1906 : vector<16xf32>
      %add3A_1908 = arith.constant 0.333333343 : f32
      %add3A_1909 = vector.broadcast %add3A_1908 : f32 to vector<16xf32>
      %add3A_1910 = arith.addf %add3A_1909, %mul3A_1907 : vector<16xf32>
      %mul3A_1911 = arith.mulf %mul3A_1900, %add3A_1910 : vector<16xf32>
      %add3A_1912 = arith.constant 1.000000e+00 : f32
      %add3A_1913 = vector.broadcast %add3A_1912 : f32 to vector<16xf32>
      %add3A_1914 = arith.addf %add3A_1913, %mul3A_1911 : vector<16xf32>
      %mul3A_1915 = arith.constant 2.000000e+00 : f32
      %mul3A_1916 = vector.broadcast %mul3A_1915 : f32 to vector<16xf32>
      %mul3A_1917 = arith.mulf %mul3A_1916, %div3A_1899 : vector<16xf32>
      %mul3A_1918 = arith.mulf %mul3A_1917, %add3A_1914 : vector<16xf32>
      %mul3A_1919 = arith.constant 0.693147182 : f32
      %mul3A_1920 = vector.broadcast %mul3A_1919 : f32 to vector<16xf32>
      %mul3A_1921 = arith.mulf %convert_element_type3A_1885, %mul3A_1920 : vector<16xf32>
      %add3A_1922 = arith.addf %mul3A_1918, %mul3A_1921 : vector<16xf32>
      %mul3A_1923 = arith.mulf %sub3A_1874, %add3A_1922 : vector<16xf32>
      %sub3A_1924 = arith.subf %sub3A_1871, %mul3A_1923 : vector<16xf32>
      %mul3A_1925 = arith.mulf %select_n3A_353, %select_n3A_377 : vector<16xf32>
      %jit3A_1926 = arith.constant -0.999998986 : f32
      %jit3A_1927 = arith.constant 0.999998986 : f32
      %max3A_1928 = vector.broadcast %jit3A_1926 : f32 to vector<16xf32>
      %max3A_1929 = arith.maximumf %max3A_1928, %mul3A_1925 : vector<16xf32>
      %min3A_1930 = vector.broadcast %jit3A_1927 : f32 to vector<16xf32>
      %min3A_1931 = arith.minimumf %min3A_1930, %max3A_1929 : vector<16xf32>
      %sub3A_1932 = arith.constant 1.000000e+00 : f32
      %sub3A_1933 = vector.broadcast %sub3A_1932 : f32 to vector<16xf32>
      %sub3A_1934 = arith.subf %sub3A_1933, %min3A_1931 : vector<16xf32>
      %bitcast_convert_type3A_1935 = tpu.bitcast %sub3A_1934 : vector<16xf32> -> vector<16xi32>
      %shift_right_arithmetic3A_1936 = arith.constant 23 : i32
      %shift_right_arithmetic3A_1937 = vector.broadcast %shift_right_arithmetic3A_1936 : i32 to vector<16xi32>
      %shift_right_arithmetic3A_1938 = arith.shrsi %bitcast_convert_type3A_1935, %shift_right_arithmetic3A_1937 : vector<16xi32>
      %sub3A_1939 = arith.constant 127 : i32
      %sub3A_1940 = vector.broadcast %sub3A_1939 : i32 to vector<16xi32>
      %sub3A_1941 = arith.subi %shift_right_arithmetic3A_1938, %sub3A_1940 : vector<16xi32>
      %convert_element_type3A_1942 = arith.sitofp %sub3A_1941 : vector<16xi32> to vector<16xf32>
      %and3A_1943 = arith.constant 8388607 : i32
      %and3A_1944 = vector.broadcast %and3A_1943 : i32 to vector<16xi32>
      %and3A_1945 = arith.andi %bitcast_convert_type3A_1935, %and3A_1944 : vector<16xi32>
      %or3A_1946 = arith.constant 1065353216 : i32
      %or3A_1947 = vector.broadcast %or3A_1946 : i32 to vector<16xi32>
      %or3A_1948 = arith.ori %and3A_1945, %or3A_1947 : vector<16xi32>
      %bitcast_convert_type3A_1949 = tpu.bitcast %or3A_1948 : vector<16xi32> -> vector<16xf32>
      %sub3A_1950 = arith.constant 1.000000e+00 : f32
      %sub3A_1951 = vector.broadcast %sub3A_1950 : f32 to vector<16xf32>
      %sub3A_1952 = arith.subf %bitcast_convert_type3A_1949, %sub3A_1951 : vector<16xf32>
      %add3A_1953 = arith.constant 1.000000e+00 : f32
      %add3A_1954 = vector.broadcast %add3A_1953 : f32 to vector<16xf32>
      %add3A_1955 = arith.addf %bitcast_convert_type3A_1949, %add3A_1954 : vector<16xf32>
      %div3A_1956 = arith.divf %sub3A_1952, %add3A_1955 : vector<16xf32>
      %mul3A_1957 = arith.mulf %div3A_1956, %div3A_1956 : vector<16xf32>
      %mul3A_1958 = arith.constant 0.142857149 : f32
      %mul3A_1959 = vector.broadcast %mul3A_1958 : f32 to vector<16xf32>
      %mul3A_1960 = arith.mulf %mul3A_1957, %mul3A_1959 : vector<16xf32>
      %add3A_1961 = arith.constant 2.000000e-01 : f32
      %add3A_1962 = vector.broadcast %add3A_1961 : f32 to vector<16xf32>
      %add3A_1963 = arith.addf %add3A_1962, %mul3A_1960 : vector<16xf32>
      %mul3A_1964 = arith.mulf %mul3A_1957, %add3A_1963 : vector<16xf32>
      %add3A_1965 = arith.constant 0.333333343 : f32
      %add3A_1966 = vector.broadcast %add3A_1965 : f32 to vector<16xf32>
      %add3A_1967 = arith.addf %add3A_1966, %mul3A_1964 : vector<16xf32>
      %mul3A_1968 = arith.mulf %mul3A_1957, %add3A_1967 : vector<16xf32>
      %add3A_1969 = arith.constant 1.000000e+00 : f32
      %add3A_1970 = vector.broadcast %add3A_1969 : f32 to vector<16xf32>
      %add3A_1971 = arith.addf %add3A_1970, %mul3A_1968 : vector<16xf32>
      %mul3A_1972 = arith.constant 2.000000e+00 : f32
      %mul3A_1973 = vector.broadcast %mul3A_1972 : f32 to vector<16xf32>
      %mul3A_1974 = arith.mulf %mul3A_1973, %div3A_1956 : vector<16xf32>
      %mul3A_1975 = arith.mulf %mul3A_1974, %add3A_1971 : vector<16xf32>
      %mul3A_1976 = arith.constant 0.693147182 : f32
      %mul3A_1977 = vector.broadcast %mul3A_1976 : f32 to vector<16xf32>
      %mul3A_1978 = arith.mulf %convert_element_type3A_1942, %mul3A_1977 : vector<16xf32>
      %add3A_1979 = arith.addf %mul3A_1975, %mul3A_1978 : vector<16xf32>
      %mul3A_1980 = arith.mulf %gather3A_471, %add3A_1979 : vector<16xf32>
      %sub3A_1981 = arith.constant 0.693147182 : f32
      %sub3A_1982 = vector.broadcast %sub3A_1981 : f32 to vector<16xf32>
      %sub3A_1983 = arith.subf %sub3A_1982, %mul3A_1980 : vector<16xf32>
      %sub3A_1984 = arith.constant 1.000000e+00 : f32
      %sub3A_1985 = vector.broadcast %sub3A_1984 : f32 to vector<16xf32>
      %sub3A_1986 = arith.subf %sub3A_1985, %gather3A_471 : vector<16xf32>
      %add3A_1987 = arith.constant 1.000000e+00 : f32
      %add3A_1988 = vector.broadcast %add3A_1987 : f32 to vector<16xf32>
      %add3A_1989 = arith.addf %add3A_1988, %min3A_1931 : vector<16xf32>
      %bitcast_convert_type3A_1990 = tpu.bitcast %add3A_1989 : vector<16xf32> -> vector<16xi32>
      %shift_right_arithmetic3A_1991 = arith.constant 23 : i32
      %shift_right_arithmetic3A_1992 = vector.broadcast %shift_right_arithmetic3A_1991 : i32 to vector<16xi32>
      %shift_right_arithmetic3A_1993 = arith.shrsi %bitcast_convert_type3A_1990, %shift_right_arithmetic3A_1992 : vector<16xi32>
      %sub3A_1994 = arith.constant 127 : i32
      %sub3A_1995 = vector.broadcast %sub3A_1994 : i32 to vector<16xi32>
      %sub3A_1996 = arith.subi %shift_right_arithmetic3A_1993, %sub3A_1995 : vector<16xi32>
      %convert_element_type3A_1997 = arith.sitofp %sub3A_1996 : vector<16xi32> to vector<16xf32>
      %and3A_1998 = arith.constant 8388607 : i32
      %and3A_1999 = vector.broadcast %and3A_1998 : i32 to vector<16xi32>
      %and3A_2000 = arith.andi %bitcast_convert_type3A_1990, %and3A_1999 : vector<16xi32>
      %or3A_2001 = arith.constant 1065353216 : i32
      %or3A_2002 = vector.broadcast %or3A_2001 : i32 to vector<16xi32>
      %or3A_2003 = arith.ori %and3A_2000, %or3A_2002 : vector<16xi32>
      %bitcast_convert_type3A_2004 = tpu.bitcast %or3A_2003 : vector<16xi32> -> vector<16xf32>
      %sub3A_2005 = arith.constant 1.000000e+00 : f32
      %sub3A_2006 = vector.broadcast %sub3A_2005 : f32 to vector<16xf32>
      %sub3A_2007 = arith.subf %bitcast_convert_type3A_2004, %sub3A_2006 : vector<16xf32>
      %add3A_2008 = arith.constant 1.000000e+00 : f32
      %add3A_2009 = vector.broadcast %add3A_2008 : f32 to vector<16xf32>
      %add3A_2010 = arith.addf %bitcast_convert_type3A_2004, %add3A_2009 : vector<16xf32>
      %div3A_2011 = arith.divf %sub3A_2007, %add3A_2010 : vector<16xf32>
      %mul3A_2012 = arith.mulf %div3A_2011, %div3A_2011 : vector<16xf32>
      %mul3A_2013 = arith.constant 0.142857149 : f32
      %mul3A_2014 = vector.broadcast %mul3A_2013 : f32 to vector<16xf32>
      %mul3A_2015 = arith.mulf %mul3A_2012, %mul3A_2014 : vector<16xf32>
      %add3A_2016 = arith.constant 2.000000e-01 : f32
      %add3A_2017 = vector.broadcast %add3A_2016 : f32 to vector<16xf32>
      %add3A_2018 = arith.addf %add3A_2017, %mul3A_2015 : vector<16xf32>
      %mul3A_2019 = arith.mulf %mul3A_2012, %add3A_2018 : vector<16xf32>
      %add3A_2020 = arith.constant 0.333333343 : f32
      %add3A_2021 = vector.broadcast %add3A_2020 : f32 to vector<16xf32>
      %add3A_2022 = arith.addf %add3A_2021, %mul3A_2019 : vector<16xf32>
      %mul3A_2023 = arith.mulf %mul3A_2012, %add3A_2022 : vector<16xf32>
      %add3A_2024 = arith.constant 1.000000e+00 : f32
      %add3A_2025 = vector.broadcast %add3A_2024 : f32 to vector<16xf32>
      %add3A_2026 = arith.addf %add3A_2025, %mul3A_2023 : vector<16xf32>
      %mul3A_2027 = arith.constant 2.000000e+00 : f32
      %mul3A_2028 = vector.broadcast %mul3A_2027 : f32 to vector<16xf32>
      %mul3A_2029 = arith.mulf %mul3A_2028, %div3A_2011 : vector<16xf32>
      %mul3A_2030 = arith.mulf %mul3A_2029, %add3A_2026 : vector<16xf32>
      %mul3A_2031 = arith.constant 0.693147182 : f32
      %mul3A_2032 = vector.broadcast %mul3A_2031 : f32 to vector<16xf32>
      %mul3A_2033 = arith.mulf %convert_element_type3A_1997, %mul3A_2032 : vector<16xf32>
      %add3A_2034 = arith.addf %mul3A_2030, %mul3A_2033 : vector<16xf32>
      %mul3A_2035 = arith.mulf %sub3A_1986, %add3A_2034 : vector<16xf32>
      %sub3A_2036 = arith.subf %sub3A_1983, %mul3A_2035 : vector<16xf32>
      %mul3A_2037 = arith.mulf %select_n3A_377, %select_n3A_401 : vector<16xf32>
      %jit3A_2038 = arith.constant -0.999998986 : f32
      %jit3A_2039 = arith.constant 0.999998986 : f32
      %max3A_2040 = vector.broadcast %jit3A_2038 : f32 to vector<16xf32>
      %max3A_2041 = arith.maximumf %max3A_2040, %mul3A_2037 : vector<16xf32>
      %min3A_2042 = vector.broadcast %jit3A_2039 : f32 to vector<16xf32>
      %min3A_2043 = arith.minimumf %min3A_2042, %max3A_2041 : vector<16xf32>
      %sub3A_2044 = arith.constant 1.000000e+00 : f32
      %sub3A_2045 = vector.broadcast %sub3A_2044 : f32 to vector<16xf32>
      %sub3A_2046 = arith.subf %sub3A_2045, %min3A_2043 : vector<16xf32>
      %bitcast_convert_type3A_2047 = tpu.bitcast %sub3A_2046 : vector<16xf32> -> vector<16xi32>
      %shift_right_arithmetic3A_2048 = arith.constant 23 : i32
      %shift_right_arithmetic3A_2049 = vector.broadcast %shift_right_arithmetic3A_2048 : i32 to vector<16xi32>
      %shift_right_arithmetic3A_2050 = arith.shrsi %bitcast_convert_type3A_2047, %shift_right_arithmetic3A_2049 : vector<16xi32>
      %sub3A_2051 = arith.constant 127 : i32
      %sub3A_2052 = vector.broadcast %sub3A_2051 : i32 to vector<16xi32>
      %sub3A_2053 = arith.subi %shift_right_arithmetic3A_2050, %sub3A_2052 : vector<16xi32>
      %convert_element_type3A_2054 = arith.sitofp %sub3A_2053 : vector<16xi32> to vector<16xf32>
      %and3A_2055 = arith.constant 8388607 : i32
      %and3A_2056 = vector.broadcast %and3A_2055 : i32 to vector<16xi32>
      %and3A_2057 = arith.andi %bitcast_convert_type3A_2047, %and3A_2056 : vector<16xi32>
      %or3A_2058 = arith.constant 1065353216 : i32
      %or3A_2059 = vector.broadcast %or3A_2058 : i32 to vector<16xi32>
      %or3A_2060 = arith.ori %and3A_2057, %or3A_2059 : vector<16xi32>
      %bitcast_convert_type3A_2061 = tpu.bitcast %or3A_2060 : vector<16xi32> -> vector<16xf32>
      %sub3A_2062 = arith.constant 1.000000e+00 : f32
      %sub3A_2063 = vector.broadcast %sub3A_2062 : f32 to vector<16xf32>
      %sub3A_2064 = arith.subf %bitcast_convert_type3A_2061, %sub3A_2063 : vector<16xf32>
      %add3A_2065 = arith.constant 1.000000e+00 : f32
      %add3A_2066 = vector.broadcast %add3A_2065 : f32 to vector<16xf32>
      %add3A_2067 = arith.addf %bitcast_convert_type3A_2061, %add3A_2066 : vector<16xf32>
      %div3A_2068 = arith.divf %sub3A_2064, %add3A_2067 : vector<16xf32>
      %mul3A_2069 = arith.mulf %div3A_2068, %div3A_2068 : vector<16xf32>
      %mul3A_2070 = arith.constant 0.142857149 : f32
      %mul3A_2071 = vector.broadcast %mul3A_2070 : f32 to vector<16xf32>
      %mul3A_2072 = arith.mulf %mul3A_2069, %mul3A_2071 : vector<16xf32>
      %add3A_2073 = arith.constant 2.000000e-01 : f32
      %add3A_2074 = vector.broadcast %add3A_2073 : f32 to vector<16xf32>
      %add3A_2075 = arith.addf %add3A_2074, %mul3A_2072 : vector<16xf32>
      %mul3A_2076 = arith.mulf %mul3A_2069, %add3A_2075 : vector<16xf32>
      %add3A_2077 = arith.constant 0.333333343 : f32
      %add3A_2078 = vector.broadcast %add3A_2077 : f32 to vector<16xf32>
      %add3A_2079 = arith.addf %add3A_2078, %mul3A_2076 : vector<16xf32>
      %mul3A_2080 = arith.mulf %mul3A_2069, %add3A_2079 : vector<16xf32>
      %add3A_2081 = arith.constant 1.000000e+00 : f32
      %add3A_2082 = vector.broadcast %add3A_2081 : f32 to vector<16xf32>
      %add3A_2083 = arith.addf %add3A_2082, %mul3A_2080 : vector<16xf32>
      %mul3A_2084 = arith.constant 2.000000e+00 : f32
      %mul3A_2085 = vector.broadcast %mul3A_2084 : f32 to vector<16xf32>
      %mul3A_2086 = arith.mulf %mul3A_2085, %div3A_2068 : vector<16xf32>
      %mul3A_2087 = arith.mulf %mul3A_2086, %add3A_2083 : vector<16xf32>
      %mul3A_2088 = arith.constant 0.693147182 : f32
      %mul3A_2089 = vector.broadcast %mul3A_2088 : f32 to vector<16xf32>
      %mul3A_2090 = arith.mulf %convert_element_type3A_2054, %mul3A_2089 : vector<16xf32>
      %add3A_2091 = arith.addf %mul3A_2087, %mul3A_2090 : vector<16xf32>
      %mul3A_2092 = arith.mulf %gather3A_476, %add3A_2091 : vector<16xf32>
      %sub3A_2093 = arith.constant 0.693147182 : f32
      %sub3A_2094 = vector.broadcast %sub3A_2093 : f32 to vector<16xf32>
      %sub3A_2095 = arith.subf %sub3A_2094, %mul3A_2092 : vector<16xf32>
      %sub3A_2096 = arith.constant 1.000000e+00 : f32
      %sub3A_2097 = vector.broadcast %sub3A_2096 : f32 to vector<16xf32>
      %sub3A_2098 = arith.subf %sub3A_2097, %gather3A_476 : vector<16xf32>
      %add3A_2099 = arith.constant 1.000000e+00 : f32
      %add3A_2100 = vector.broadcast %add3A_2099 : f32 to vector<16xf32>
      %add3A_2101 = arith.addf %add3A_2100, %min3A_2043 : vector<16xf32>
      %bitcast_convert_type3A_2102 = tpu.bitcast %add3A_2101 : vector<16xf32> -> vector<16xi32>
      %shift_right_arithmetic3A_2103 = arith.constant 23 : i32
      %shift_right_arithmetic3A_2104 = vector.broadcast %shift_right_arithmetic3A_2103 : i32 to vector<16xi32>
      %shift_right_arithmetic3A_2105 = arith.shrsi %bitcast_convert_type3A_2102, %shift_right_arithmetic3A_2104 : vector<16xi32>
      %sub3A_2106 = arith.constant 127 : i32
      %sub3A_2107 = vector.broadcast %sub3A_2106 : i32 to vector<16xi32>
      %sub3A_2108 = arith.subi %shift_right_arithmetic3A_2105, %sub3A_2107 : vector<16xi32>
      %convert_element_type3A_2109 = arith.sitofp %sub3A_2108 : vector<16xi32> to vector<16xf32>
      %and3A_2110 = arith.constant 8388607 : i32
      %and3A_2111 = vector.broadcast %and3A_2110 : i32 to vector<16xi32>
      %and3A_2112 = arith.andi %bitcast_convert_type3A_2102, %and3A_2111 : vector<16xi32>
      %or3A_2113 = arith.constant 1065353216 : i32
      %or3A_2114 = vector.broadcast %or3A_2113 : i32 to vector<16xi32>
      %or3A_2115 = arith.ori %and3A_2112, %or3A_2114 : vector<16xi32>
      %bitcast_convert_type3A_2116 = tpu.bitcast %or3A_2115 : vector<16xi32> -> vector<16xf32>
      %sub3A_2117 = arith.constant 1.000000e+00 : f32
      %sub3A_2118 = vector.broadcast %sub3A_2117 : f32 to vector<16xf32>
      %sub3A_2119 = arith.subf %bitcast_convert_type3A_2116, %sub3A_2118 : vector<16xf32>
      %add3A_2120 = arith.constant 1.000000e+00 : f32
      %add3A_2121 = vector.broadcast %add3A_2120 : f32 to vector<16xf32>
      %add3A_2122 = arith.addf %bitcast_convert_type3A_2116, %add3A_2121 : vector<16xf32>
      %div3A_2123 = arith.divf %sub3A_2119, %add3A_2122 : vector<16xf32>
      %mul3A_2124 = arith.mulf %div3A_2123, %div3A_2123 : vector<16xf32>
      %mul3A_2125 = arith.constant 0.142857149 : f32
      %mul3A_2126 = vector.broadcast %mul3A_2125 : f32 to vector<16xf32>
      %mul3A_2127 = arith.mulf %mul3A_2124, %mul3A_2126 : vector<16xf32>
      %add3A_2128 = arith.constant 2.000000e-01 : f32
      %add3A_2129 = vector.broadcast %add3A_2128 : f32 to vector<16xf32>
      %add3A_2130 = arith.addf %add3A_2129, %mul3A_2127 : vector<16xf32>
      %mul3A_2131 = arith.mulf %mul3A_2124, %add3A_2130 : vector<16xf32>
      %add3A_2132 = arith.constant 0.333333343 : f32
      %add3A_2133 = vector.broadcast %add3A_2132 : f32 to vector<16xf32>
      %add3A_2134 = arith.addf %add3A_2133, %mul3A_2131 : vector<16xf32>
      %mul3A_2135 = arith.mulf %mul3A_2124, %add3A_2134 : vector<16xf32>
      %add3A_2136 = arith.constant 1.000000e+00 : f32
      %add3A_2137 = vector.broadcast %add3A_2136 : f32 to vector<16xf32>
      %add3A_2138 = arith.addf %add3A_2137, %mul3A_2135 : vector<16xf32>
      %mul3A_2139 = arith.constant 2.000000e+00 : f32
      %mul3A_2140 = vector.broadcast %mul3A_2139 : f32 to vector<16xf32>
      %mul3A_2141 = arith.mulf %mul3A_2140, %div3A_2123 : vector<16xf32>
      %mul3A_2142 = arith.mulf %mul3A_2141, %add3A_2138 : vector<16xf32>
      %mul3A_2143 = arith.constant 0.693147182 : f32
      %mul3A_2144 = vector.broadcast %mul3A_2143 : f32 to vector<16xf32>
      %mul3A_2145 = arith.mulf %convert_element_type3A_2109, %mul3A_2144 : vector<16xf32>
      %add3A_2146 = arith.addf %mul3A_2142, %mul3A_2145 : vector<16xf32>
      %mul3A_2147 = arith.mulf %sub3A_2098, %add3A_2146 : vector<16xf32>
      %sub3A_2148 = arith.subf %sub3A_2095, %mul3A_2147 : vector<16xf32>
      %mul3A_2149 = arith.mulf %select_n3A, %select_n3A_65 : vector<16xf32>
      %mul3A_2150 = arith.mulf %select_n3A_89, %select_n3A_113 : vector<16xf32>
      %mul3A_2151 = arith.mulf %select_n3A_137, %select_n3A_161 : vector<16xf32>
      %mul3A_2152 = arith.mulf %select_n3A_185, %select_n3A_209 : vector<16xf32>
      %mul3A_2153 = arith.mulf %select_n3A_233, %select_n3A_257 : vector<16xf32>
      %mul3A_2154 = arith.mulf %select_n3A_281, %select_n3A_305 : vector<16xf32>
      %mul3A_2155 = arith.mulf %select_n3A_329, %select_n3A_353 : vector<16xf32>
      %mul3A_2156 = arith.mulf %select_n3A_377, %select_n3A_401 : vector<16xf32>
      %mul3A_2157 = arith.mulf %mul3A_2149, %mul3A_2150 : vector<16xf32>
      %mul3A_2158 = arith.mulf %mul3A_2151, %mul3A_2152 : vector<16xf32>
      %mul3A_2159 = arith.mulf %mul3A_2153, %mul3A_2154 : vector<16xf32>
      %mul3A_2160 = arith.mulf %mul3A_2155, %mul3A_2156 : vector<16xf32>
      %mul3A_2161 = arith.mulf %mul3A_2157, %mul3A_2158 : vector<16xf32>
      %mul3A_2162 = arith.mulf %mul3A_2159, %mul3A_2160 : vector<16xf32>
      %mul3A_2163 = arith.mulf %mul3A_2161, %mul3A_2162 : vector<16xf32>
      %mul3A_2164 = arith.constant 16 : i32
      %mul3A_2165 = arith.muli %scan3A_20, %mul3A_2164 : i32
      %get3A = arith.index_cast %mul3A_2165 : i32 to index
      %get3A_2166 = tpu.vector_load %arg8[%get3A] {strides = array<i32>} : memref<512xf32, #tpu.memory_space<vmem>>, vector<16xf32>,
      %add3A_2167 = arith.addf %sub3A_580, %sub3A_692 : vector<16xf32>
      %add3A_2168 = arith.addf %sub3A_804, %sub3A_916 : vector<16xf32>
      %add3A_2169 = arith.addf %sub3A_1028, %sub3A_1140 : vector<16xf32>
      %add3A_2170 = arith.addf %sub3A_1252, %sub3A_1364 : vector<16xf32>
      %add3A_2171 = arith.addf %sub3A_1476, %sub3A_1588 : vector<16xf32>
      %add3A_2172 = arith.addf %sub3A_1700, %sub3A_1812 : vector<16xf32>
      %add3A_2173 = arith.addf %sub3A_1924, %sub3A_2036 : vector<16xf32>
      %add3A_2174 = arith.addf %add3A_2167, %add3A_2168 : vector<16xf32>
      %add3A_2175 = arith.addf %add3A_2169, %add3A_2170 : vector<16xf32>
      %add3A_2176 = arith.addf %add3A_2171, %add3A_2172 : vector<16xf32>
      %add3A_2177 = arith.addf %add3A_2173, %sub3A_2148 : vector<16xf32>
      %add3A_2178 = arith.addf %add3A_2174, %add3A_2175 : vector<16xf32>
      %add3A_2179 = arith.addf %add3A_2176, %add3A_2177 : vector<16xf32>
      %add3A_2180 = arith.addf %add3A_2178, %add3A_2179 : vector<16xf32>
      %mul3A_2181 = arith.constant 5.000000e-01 : f32
      %mul3A_2182 = vector.broadcast %mul3A_2181 : f32 to vector<16xf32>
      %mul3A_2183 = arith.mulf %mul3A_2182, %add3A_2180 : vector<16xf32>
      %jit3A_2184 = arith.constant -0.999998986 : f32
      %jit3A_2185 = arith.constant 0.999998986 : f32
      %max3A_2186 = vector.broadcast %jit3A_2184 : f32 to vector<16xf32>
      %max3A_2187 = arith.maximumf %max3A_2186, %mul3A_2163 : vector<16xf32>
      %min3A_2188 = vector.broadcast %jit3A_2185 : f32 to vector<16xf32>
      %min3A_2189 = arith.minimumf %min3A_2188, %max3A_2187 : vector<16xf32>
      %sub3A_2190 = arith.constant 1.000000e+00 : f32
      %sub3A_2191 = vector.broadcast %sub3A_2190 : f32 to vector<16xf32>
      %sub3A_2192 = arith.subf %sub3A_2191, %min3A_2189 : vector<16xf32>
      %bitcast_convert_type3A_2193 = tpu.bitcast %sub3A_2192 : vector<16xf32> -> vector<16xi32>
      %shift_right_arithmetic3A_2194 = arith.constant 23 : i32
      %shift_right_arithmetic3A_2195 = vector.broadcast %shift_right_arithmetic3A_2194 : i32 to vector<16xi32>
      %shift_right_arithmetic3A_2196 = arith.shrsi %bitcast_convert_type3A_2193, %shift_right_arithmetic3A_2195 : vector<16xi32>
      %sub3A_2197 = arith.constant 127 : i32
      %sub3A_2198 = vector.broadcast %sub3A_2197 : i32 to vector<16xi32>
      %sub3A_2199 = arith.subi %shift_right_arithmetic3A_2196, %sub3A_2198 : vector<16xi32>
      %convert_element_type3A_2200 = arith.sitofp %sub3A_2199 : vector<16xi32> to vector<16xf32>
      %and3A_2201 = arith.constant 8388607 : i32
      %and3A_2202 = vector.broadcast %and3A_2201 : i32 to vector<16xi32>
      %and3A_2203 = arith.andi %bitcast_convert_type3A_2193, %and3A_2202 : vector<16xi32>
      %or3A_2204 = arith.constant 1065353216 : i32
      %or3A_2205 = vector.broadcast %or3A_2204 : i32 to vector<16xi32>
      %or3A_2206 = arith.ori %and3A_2203, %or3A_2205 : vector<16xi32>
      %bitcast_convert_type3A_2207 = tpu.bitcast %or3A_2206 : vector<16xi32> -> vector<16xf32>
      %sub3A_2208 = arith.constant 1.000000e+00 : f32
      %sub3A_2209 = vector.broadcast %sub3A_2208 : f32 to vector<16xf32>
      %sub3A_2210 = arith.subf %bitcast_convert_type3A_2207, %sub3A_2209 : vector<16xf32>
      %add3A_2211 = arith.constant 1.000000e+00 : f32
      %add3A_2212 = vector.broadcast %add3A_2211 : f32 to vector<16xf32>
      %add3A_2213 = arith.addf %bitcast_convert_type3A_2207, %add3A_2212 : vector<16xf32>
      %div3A_2214 = arith.divf %sub3A_2210, %add3A_2213 : vector<16xf32>
      %mul3A_2215 = arith.mulf %div3A_2214, %div3A_2214 : vector<16xf32>
      %mul3A_2216 = arith.constant 0.142857149 : f32
      %mul3A_2217 = vector.broadcast %mul3A_2216 : f32 to vector<16xf32>
      %mul3A_2218 = arith.mulf %mul3A_2215, %mul3A_2217 : vector<16xf32>
      %add3A_2219 = arith.constant 2.000000e-01 : f32
      %add3A_2220 = vector.broadcast %add3A_2219 : f32 to vector<16xf32>
      %add3A_2221 = arith.addf %add3A_2220, %mul3A_2218 : vector<16xf32>
      %mul3A_2222 = arith.mulf %mul3A_2215, %add3A_2221 : vector<16xf32>
      %add3A_2223 = arith.constant 0.333333343 : f32
      %add3A_2224 = vector.broadcast %add3A_2223 : f32 to vector<16xf32>
      %add3A_2225 = arith.addf %add3A_2224, %mul3A_2222 : vector<16xf32>
      %mul3A_2226 = arith.mulf %mul3A_2215, %add3A_2225 : vector<16xf32>
      %add3A_2227 = arith.constant 1.000000e+00 : f32
      %add3A_2228 = vector.broadcast %add3A_2227 : f32 to vector<16xf32>
      %add3A_2229 = arith.addf %add3A_2228, %mul3A_2226 : vector<16xf32>
      %mul3A_2230 = arith.constant 2.000000e+00 : f32
      %mul3A_2231 = vector.broadcast %mul3A_2230 : f32 to vector<16xf32>
      %mul3A_2232 = arith.mulf %mul3A_2231, %div3A_2214 : vector<16xf32>
      %mul3A_2233 = arith.mulf %mul3A_2232, %add3A_2229 : vector<16xf32>
      %mul3A_2234 = arith.constant 0.693147182 : f32
      %mul3A_2235 = vector.broadcast %mul3A_2234 : f32 to vector<16xf32>
      %mul3A_2236 = arith.mulf %convert_element_type3A_2200, %mul3A_2235 : vector<16xf32>
      %add3A_2237 = arith.addf %mul3A_2233, %mul3A_2236 : vector<16xf32>
      %mul3A_2238 = arith.mulf %get3A_2166, %add3A_2237 : vector<16xf32>
      %sub3A_2239 = arith.constant 0.693147182 : f32
      %sub3A_2240 = vector.broadcast %sub3A_2239 : f32 to vector<16xf32>
      %sub3A_2241 = arith.subf %sub3A_2240, %mul3A_2238 : vector<16xf32>
      %sub3A_2242 = arith.constant 1.000000e+00 : f32
      %sub3A_2243 = vector.broadcast %sub3A_2242 : f32 to vector<16xf32>
      %sub3A_2244 = arith.subf %sub3A_2243, %get3A_2166 : vector<16xf32>
      %add3A_2245 = arith.constant 1.000000e+00 : f32
      %add3A_2246 = vector.broadcast %add3A_2245 : f32 to vector<16xf32>
      %add3A_2247 = arith.addf %add3A_2246, %min3A_2189 : vector<16xf32>
      %bitcast_convert_type3A_2248 = tpu.bitcast %add3A_2247 : vector<16xf32> -> vector<16xi32>
      %shift_right_arithmetic3A_2249 = arith.constant 23 : i32
      %shift_right_arithmetic3A_2250 = vector.broadcast %shift_right_arithmetic3A_2249 : i32 to vector<16xi32>
      %shift_right_arithmetic3A_2251 = arith.shrsi %bitcast_convert_type3A_2248, %shift_right_arithmetic3A_2250 : vector<16xi32>
      %sub3A_2252 = arith.constant 127 : i32
      %sub3A_2253 = vector.broadcast %sub3A_2252 : i32 to vector<16xi32>
      %sub3A_2254 = arith.subi %shift_right_arithmetic3A_2251, %sub3A_2253 : vector<16xi32>
      %convert_element_type3A_2255 = arith.sitofp %sub3A_2254 : vector<16xi32> to vector<16xf32>
      %and3A_2256 = arith.constant 8388607 : i32
      %and3A_2257 = vector.broadcast %and3A_2256 : i32 to vector<16xi32>
      %and3A_2258 = arith.andi %bitcast_convert_type3A_2248, %and3A_2257 : vector<16xi32>
      %or3A_2259 = arith.constant 1065353216 : i32
      %or3A_2260 = vector.broadcast %or3A_2259 : i32 to vector<16xi32>
      %or3A_2261 = arith.ori %and3A_2258, %or3A_2260 : vector<16xi32>
      %bitcast_convert_type3A_2262 = tpu.bitcast %or3A_2261 : vector<16xi32> -> vector<16xf32>
      %sub3A_2263 = arith.constant 1.000000e+00 : f32
      %sub3A_2264 = vector.broadcast %sub3A_2263 : f32 to vector<16xf32>
      %sub3A_2265 = arith.subf %bitcast_convert_type3A_2262, %sub3A_2264 : vector<16xf32>
      %add3A_2266 = arith.constant 1.000000e+00 : f32
      %add3A_2267 = vector.broadcast %add3A_2266 : f32 to vector<16xf32>
      %add3A_2268 = arith.addf %bitcast_convert_type3A_2262, %add3A_2267 : vector<16xf32>
      %div3A_2269 = arith.divf %sub3A_2265, %add3A_2268 : vector<16xf32>
      %mul3A_2270 = arith.mulf %div3A_2269, %div3A_2269 : vector<16xf32>
      %mul3A_2271 = arith.constant 0.142857149 : f32
      %mul3A_2272 = vector.broadcast %mul3A_2271 : f32 to vector<16xf32>
      %mul3A_2273 = arith.mulf %mul3A_2270, %mul3A_2272 : vector<16xf32>
      %add3A_2274 = arith.constant 2.000000e-01 : f32
      %add3A_2275 = vector.broadcast %add3A_2274 : f32 to vector<16xf32>
      %add3A_2276 = arith.addf %add3A_2275, %mul3A_2273 : vector<16xf32>
      %mul3A_2277 = arith.mulf %mul3A_2270, %add3A_2276 : vector<16xf32>
      %add3A_2278 = arith.constant 0.333333343 : f32
      %add3A_2279 = vector.broadcast %add3A_2278 : f32 to vector<16xf32>
      %add3A_2280 = arith.addf %add3A_2279, %mul3A_2277 : vector<16xf32>
      %mul3A_2281 = arith.mulf %mul3A_2270, %add3A_2280 : vector<16xf32>
      %add3A_2282 = arith.constant 1.000000e+00 : f32
      %add3A_2283 = vector.broadcast %add3A_2282 : f32 to vector<16xf32>
      %add3A_2284 = arith.addf %add3A_2283, %mul3A_2281 : vector<16xf32>
      %mul3A_2285 = arith.constant 2.000000e+00 : f32
      %mul3A_2286 = vector.broadcast %mul3A_2285 : f32 to vector<16xf32>
      %mul3A_2287 = arith.mulf %mul3A_2286, %div3A_2269 : vector<16xf32>
      %mul3A_2288 = arith.mulf %mul3A_2287, %add3A_2284 : vector<16xf32>
      %mul3A_2289 = arith.constant 0.693147182 : f32
      %mul3A_2290 = vector.broadcast %mul3A_2289 : f32 to vector<16xf32>
      %mul3A_2291 = arith.mulf %convert_element_type3A_2255, %mul3A_2290 : vector<16xf32>
      %add3A_2292 = arith.addf %mul3A_2288, %mul3A_2291 : vector<16xf32>
      %mul3A_2293 = arith.mulf %sub3A_2244, %add3A_2292 : vector<16xf32>
      %sub3A_2294 = arith.subf %sub3A_2241, %mul3A_2293 : vector<16xf32>
      %mul3A_2295 = arith.constant 5.000000e-01 : f32
      %mul3A_2296 = vector.broadcast %mul3A_2295 : f32 to vector<16xf32>
      %mul3A_2297 = arith.mulf %mul3A_2296, %sub3A_2294 : vector<16xf32>
      %add3A_2298 = arith.addf %mul3A_2183, %mul3A_2297 : vector<16xf32>
      %add3A_2299 = arith.addf %scan3A_21, %add3A_2298 : vector<16xf32>
      scf.yield %add3A_2299 : vector<16xf32>
    }
    %scan3A_18 = arith.constant 32 : i32
    %swap3A = arith.constant 0 : index
    %swap3A_19 = tpu.vector_load %arg9[%swap3A] {strides = array<i32>} : memref<16xf32, #tpu.memory_space<vmem>>, vector<16xf32>,
    tpu.vector_store %arg9[%swap3A], %scan3A_17 {strides = array<i32>} : memref<16xf32, #tpu.memory_space<vmem>>, vector<16xf32>,
    "tpu.region"() ({
      %run_scoped3A = tpu.sem_alloc : memref<!tpu.dma_semaphore, #tpu.memory_space<semaphore_mem>>
      %dma_start3A = arith.constant 0 : i32
      %dma_start3A_20 = tpu.memref_slice %arg5[%add3A, %dma_start3A] : memref<32x16xf32, #tpu.memory_space<hbm>> -> memref<1x16xf32, #tpu.memory_space<hbm>>
      %dma_start3A_21 = tpu.memref_squeeze %dma_start3A_20 : memref<1x16xf32, #tpu.memory_space<hbm>> -> memref<16xf32, #tpu.memory_space<hbm>>
      %dma_start3A_22 = arith.constant 0 : i32
      %dma_start3A_23 = tpu.memref_slice %arg5[%add3A, %dma_start3A_22] : memref<32x16xf32, #tpu.memory_space<hbm>> -> memref<1x16xf32, #tpu.memory_space<hbm>>
      %dma_start3A_24 = tpu.memref_squeeze %dma_start3A_23 : memref<1x16xf32, #tpu.memory_space<hbm>> -> memref<16xf32, #tpu.memory_space<hbm>>
      tpu.enqueue_dma source(%arg9 : memref<16xf32, #tpu.memory_space<vmem>>) target(%dma_start3A_24 : memref<16xf32, #tpu.memory_space<hbm>>) target_semaphore(%run_scoped3A : memref<!tpu.dma_semaphore, #tpu.memory_space<semaphore_mem>>)
      %dma_wait3A = arith.constant 0 : i32
      %dma_wait3A_25 = tpu.memref_slice %arg5[%add3A, %dma_wait3A] : memref<32x16xf32, #tpu.memory_space<hbm>> -> memref<1x16xf32, #tpu.memory_space<hbm>>
      %dma_wait3A_26 = tpu.memref_squeeze %dma_wait3A_25 : memref<1x16xf32, #tpu.memory_space<hbm>> -> memref<16xf32, #tpu.memory_space<hbm>>
      %dma_wait3A_27 = arith.constant 0 : i32
      %dma_wait3A_28 = tpu.memref_slice %arg5[%add3A, %dma_wait3A_27] : memref<32x16xf32, #tpu.memory_space<hbm>> -> memref<1x16xf32, #tpu.memory_space<hbm>>
      %dma_wait3A_29 = tpu.memref_squeeze %dma_wait3A_28 : memref<1x16xf32, #tpu.memory_space<hbm>> -> memref<16xf32, #tpu.memory_space<hbm>>
      tpu.wait_dma2 semaphore(%run_scoped3A : memref<!tpu.dma_semaphore, #tpu.memory_space<semaphore_mem>>) src(%arg9 : memref<16xf32, #tpu.memory_space<vmem>>) dst(%dma_wait3A_29 : memref<16xf32, #tpu.memory_space<hbm>>)
      tpu.yield
    }) : () -> ()
    return
  }
}

</mosaic_0001>

<sc_bundles>
// kernel: kernel.3.cloned.1.call-start
scs
__scs_entry_jumppad:
0x0: {  	(pc) =	sbr.rel $0x88, $3  }
0x1: {  	(tag) =	ssettag $0x0;
	lr =	simm.s32 $0x1  }
0x2: {  	[smem:$0x3F9E] =	sst lr;
	_ =	strace $0xD0000000  }
0x3: {  	_ = 	snop  }
0x4: {  	_ = 	snop  }
0x5: {  	_ = 	snop  }
0x6: {  	_ = 	snop  }
0x7: {  	_ = 	snop  }
__scs_overlays_trampoline_lowered:
0x8: {  	[smem:$0x3FAD] =	sst s0  }
0x9: {  	[smem:$0x3FAE] =	sst s1  }
0xa: {  	[smem:$0x3FAF] =	sst s2  }
0xb: {  	[smem:$0x3FB0] =	sst s3  }
0xc: {  	[smem:$0x3FB1] =	sst s4  }
0xd: {  	[smem:$0x3FB2] =	sst s5  }
0xe: {  	[smem:$0x3FB3] =	sst s6  }
0xf: {  	[smem:$0x3FB4] =	sst s7  }
0x10: {  	[smem:$0x3FB5] =	sst s8  }
0x11: {  	[smem:$0x3FB6] =	sst s9;
	s0 =	simm.s32 @!p0 $0x0  }
0x12: {  	s1 =	sld [smem:$0x3F9C];
	s0 =	simm.s32 @p0 $0x1  }
0x13: {  	[smem:$0x3FB7] =	sst s0;
	s0 =	simm.s32 @!p1 $0x0  }
0x14: {  	s2 =	sld [smem:$0x3F9B];
	s0 =	simm.s32 @p1 $0x1  }
0x15: {  	[smem:$0x3FB8] =	sst s0;
	s0 =	simm.s32 @!p2 $0x0  }
0x16: {  	s3 =	sld [smem:$0x3FDB];
	s0 =	simm.s32 @p2 $0x1  }
0x17: {  	s4 =	simm.s32 $0x1BF5;
	[smem:$0x3FBA] =	sst s0  }
0x18: {  	s0 =	sld [smem:$0x3F9D];
	_ =	swait.ge [sflag:s4], $0x0  }
0x19: {  	s7 =	sld [smem:$0x3F9E]  }
0x1a: {  	s8 =	sadd.s32 $0xFFFFE003, lr  }
0x1b: {  	s9 =	sadd.s32 $0xFFFFFEF7, lr;
	s5 =	simm.s32 $0xFFFFFFFF;
	p2 =	slt.u32 s8, $0xFFFFF086  }
0x1c: {  	p1 =	slt.u32 s9, $0xF7A;
	s5 =	simm.s32 @!p2 $0x0  }
0x1d: {  	s5 =	simm.s32 @p1 $0x1;
	p0 =	seq.s32 s7, s2  }
0x1e: {  	s7 =	smul.u32 @!p0 $0xF7A, s2;
	p2 =	seq.s32 @!p0 s5, $0x0  }
0x1f: {  	s9 =	smul.u32 $0xF7A, s1;
	s8 =	simm.s32 @!p0 $0x1BF5;
	p2 =	por !p2, p0  }
0x20: {  	[sflag:s8] =	ssyncset.s32 @!p0 $0xFFFFF086;
	s6 =	sadd.s32 @!p0 s3, s7;
	s7 =	simm.s32 @!p0 $0x108  }
0x21: {  	s3 =	sadd.s32 s3, s9;
	s6 =	sadd.s32 @!p0 $0x88, s6;
	s7 =	simm.s32 @p2 $0x1082  }
0x22: {  	[simem:s7], [sflag:s8] =	dma.local @!p0 [hbm:s6], $0xF7A  }
0x23: {  	s9 =	sor.u32 $0xD0000000, s2;
	s6 =	simm.s32 $0x108;
	_ =	swait.ge @!p0 [sflag:s8], $0x0  }
0x24: {  	s3 =	sadd.s32 $0x88, s3;
	s6 =	simm.s32 @!p1 $0x1082;
	[sflag:s4] =	ssyncset.s32 $0xFFFFF086  }
0x25: {  	[simem:s6], [sflag:s4] =	dma.local [hbm:s3], $0xF7A  }
0x26: {  	[smem:$0x3F9E] =	sst s1;
	(tag) =	ssettag s2;
	_ =	strace s9  }
0x27: {  	s1 =	sld [smem:$0x3FAE]  }
0x28: {  	s2 =	sld [smem:$0x3FAF]  }
0x29: {  	s4 =	sld [smem:$0x3FB1]  }
0x2a: {  	p0 =	seq.s32 s5, $0x0;
	s5 =	sld [smem:$0x3FB2]  }
0x2b: {  	s6 =	sld [smem:$0x3FB3]  }
0x2c: {  	s7 =	sld [smem:$0x3FB4]  }
0x2d: {  	s3 =	simm.s32 $0x108;
	s8 =	sld [smem:$0x3FB5]  }
0x2e: {  	s3 =	simm.s32 @!p0 $0x1082;
	s9 =	sld [smem:$0x3FB6]  }
0x2f: {  	lr =	sadd.s32 s0, s3;
	s0 =	sld [smem:$0x3FAD]  }
0x30: {  	s3 =	sld [smem:$0x3FB0]  }
0x31: {  	[smem:$0x3FB9] =	sst s10  }
0x32: {  	s10 =	sld [smem:$0x3FB7];
	_ =	sdelay $0x3  }
0x33: {  	p0 =	seq.s32 s10, $0x1;
	s10 =	sld [smem:$0x3FB9];
	_ =	sdelay $0x3  }
0x34: {  	[smem:$0x3FB9] =	sst s10  }
0x35: {  	s10 =	sld [smem:$0x3FB8];
	_ =	sdelay $0x3  }
0x36: {  	p1 =	seq.s32 s10, $0x1;
	s10 =	sld [smem:$0x3FB9];
	_ =	sdelay $0x3  }
0x37: {  	[smem:$0x3FB9] =	sst s10  }
0x38: {  	s10 =	sld [smem:$0x3FBA]  }
0x39: {  	_ = 	snop;
	(pc) =	sbr.ind lr, $3  }
0x3a: {  	_ = 	snop  }
0x3b: {  	_ = 	snop  }
0x3c: {  	p2 =	seq.s32 s10, $0x1;
	s10 =	sld [smem:$0x3FB9]  }
0x3d: {  	_ =	shalt  }
0x3e: {  	_ =	shalt  }
0x3f: {  	_ =	shalt  }
0x40: {  	_ =	shalt  }
0x41: {  	_ =	shalt  }
0x42: {  	_ =	shalt  }
0x43: {  	_ =	shalt  }
0x44: {  	_ =	shalt  }
0x45: {  	_ =	shalt  }
0x46: {  	_ =	shalt  }
0x47: {  	_ =	shalt  }
0x48: {  	_ =	shalt  }
0x49: {  	_ =	shalt  }
0x4a: {  	_ =	shalt  }
0x4b: {  	_ =	shalt  }
0x4c: {  	_ =	shalt  }
0x4d: {  	_ =	shalt  }
0x4e: {  	_ =	shalt  }
0x4f: {  	_ =	shalt  }
0x50: {  	_ =	shalt  }
0x51: {  	_ =	shalt  }
0x52: {  	_ =	shalt  }
0x53: {  	_ =	shalt  }
0x54: {  	_ =	shalt  }
0x55: {  	_ =	shalt  }
0x56: {  	_ =	shalt  }
0x57: {  	_ =	shalt  }
0x58: {  	_ =	shalt  }
0x59: {  	_ =	shalt  }
0x5a: {  	_ =	shalt  }
0x5b: {  	_ =	shalt  }
0x5c: {  	_ =	shalt  }
0x5d: {  	_ =	shalt  }
0x5e: {  	_ =	shalt  }
0x5f: {  	_ =	shalt  }
0x60: {  	_ =	shalt  }
0x61: {  	_ =	shalt  }
0x62: {  	_ =	shalt  }
0x63: {  	_ =	shalt  }
0x64: {  	_ =	shalt  }
0x65: {  	_ =	shalt  }
0x66: {  	_ =	shalt  }
0x67: {  	_ =	shalt  }
0x68: {  	_ =	shalt  }
0x69: {  	_ =	shalt  }
0x6a: {  	_ =	shalt  }
0x6b: {  	_ =	shalt  }
0x6c: {  	_ =	shalt  }
0x6d: {  	_ =	shalt  }
0x6e: {  	_ =	shalt  }
0x6f: {  	_ =	shalt  }
0x70: {  	_ =	shalt  }
0x71: {  	_ =	shalt  }
0x72: {  	_ =	shalt  }
0x73: {  	_ =	shalt  }
0x74: {  	_ =	shalt  }
0x75: {  	_ =	shalt  }
0x76: {  	_ =	shalt  }
0x77: {  	_ =	shalt  }
0x78: {  	_ =	shalt  }
0x79: {  	_ =	shalt  }
0x7a: {  	_ =	shalt  }
0x7b: {  	_ =	shalt  }
0x7c: {  	_ =	shalt  }
0x7d: {  	_ =	shalt  }
0x7e: {  	_ =	shalt  }
0x7f: {  	_ =	shalt  }
0x80: {  	_ =	shalt  }
0x81: {  	_ =	shalt  }
0x82: {  	_ =	shalt  }
0x83: {  	_ =	shalt  }
0x84: {  	_ =	shalt  }
0x85: {  	_ =	shalt  }
0x86: {  	_ =	shalt  }
0x87: {  	_ =	shalt  }
.Lfunc_end0:
.L_simem_size_0:
called_computation_lowered:
.L_overlay_start_0:
0x88: {  	s2 =	sld [smem:$0x3FD9]  }
0x89: {  	s3 =	sld [smem:$0x3FFE];
	_ =	sdelay $0x1  }
0x8a: {  	s1 =	srdreg.scid  }
0x8b: {  	s0 =	sand.u32 $0x1, s1  }
0x8c: {  	s17 =	sshll.u32 s0, $0xA;
	s2 =	sadd.s32 s3, s2  }
0x8d: {  	s2 =	sadd.s32 s2, s17  }
0x8e: {  	[smem:$0x3FC5] =	sst s2  }
0x8f: {  	_ = 	snop  }
0x90: {  	s2 =	sld [smem:$0x3FC7];
	(tm) =	ssettm $0x1  }
0x91: {  	s18 =	sld [smem:$0x3FFB];
	_ =	sdelay $0x3  }
0x92: {  	_ =	strace s18  }
0x93: {  	s3 =	sld [smem:$0x3FFC];
	_ =	sdelay $0x3  }
0x94: {  	_ =	strace s3  }
0x95: {  	s3 =	sld [smem:$0x3FFD];
	_ =	sdelay $0x3  }
0x96: {  	_ =	strace s3  }
0x97: {  	_ =	strace $0x8FFFFFFF  }
0x98: {  	s19 =	sld [smem:$0x3FDB];
	_ =	sdelay $0x1  }
0x99: {  	s4 =	simm.s32 $_scs_section_size  }
0x9a: {  	s5 =	simm.s32 $_size__tile_overlayer_lowered;
	s6 =	simm.s32 $_tile_overlayer_lowered  }
0x9b: {  	s22 =	simm.s32 $0x1BFF;
	s21 =	sshll.u32 s6, $0x1;
	s3 =	sadd.s32 s4, s19  }
0x9c: {  	s7 =	simm.s32 $0x0;
	s20 =	sshll.u32 s5, $0x1;
	s5 =	sadd.s32 s21, s3  }
0x9d: {  	[timem:s7], [sflag:s22] =	dma.local [hbm:s5], s20  }
0x9e: {  	_ =	swait.ge [sflag:s22], s20  }
0x9f: {  	s4 =	ssub.s32 $0x0, s20;
	[sflag:s22] =	ssyncset.done $0x0  }
0xa0: {  	[sflag:s22] =	ssyncadd.s32 s4;
	_ =	sdelay $0x1  }
0xa1: {  	s23 =	simm.s32 $0x1B8B  }
0xa2: {  	_ =	swait.ge [sflag:s23], $0x1  }
0xa3: {  	[sflag:s23] =	ssyncset.done $0x0  }
0xa4: {  	s25 =	simm.s32 $0x1B8E;
	s24 =	sld [smem:$0x3FFE];
	[sflag:s23] =	ssyncadd.s32 $0xFFFFFFFF  }
0xa5: {  	s26 =	simm.s32 $execute0_lowered;
	[smem:$0x3FD2] =	sst s25  }
0xa6: {  	s5 =	sshll.u32 s26, $0x1;
	_ =	strace $0x80000046;
	[dreg:$0x1] =	wrdreg $0xFFFFFFFF  }
0xa7: {  	s28 =	simm.s32 $_size_execute0_lowered;
	s3 =	sadd.s32 s3, s5;
	[dreg:$0x0] =	wrdreg $0x0  }
0xa8: {  	s5 =	sshll.u32 s28, $0x1;
	[dreg:$0x2] =	wrdreg s3  }
0xa9: {  	[dreg:$0x3] =	wrdreg s5  }
0xaa: {  	[dreg:$0x4] =	wrdreg $0xC0  }
0xab: {  	_ =	task [dreg:s7], $0x5FFFF  }
0xac: {  	[dreg:$0x1] =	wrdreg $0xFFFFFFFF  }
0xad: {  	[dreg:$0x0] =	wrdreg $0x60  }
0xae: {  	[dreg:$0x2] =	wrdreg s24  }
0xaf: {  	[dreg:$0x3] =	wrdreg s2  }
0xb0: {  	[dreg:$0x4] =	wrdreg $0x9  }
0xb1: {  	_ =	task.clear_ibuf [dreg:s7], $0x5FFFF;
	_ =	strace $0x90000046  }
0xb2: {  	s29 =	simm.s32 $0x9;
	_ =	strace $0x80000048  }
0xb3: {  	_ =	swait.ge [sflag:s29], $0x1  }
0xb4: {  	[sflag:s29] =	ssyncadd.s32 $0xFFFFFFFF  }
0xb5: {  	_ =	strace $0x90000048  }
0xb6: {  	_ =	sfence  }
0xb7: {  	s30 =	sld [smem:$0x0];
	_ =	sdelay $0x2  }
0xb8: {  	s31 =	sshll.u32 s1, $0xD;
	s1 =	sshrl.u32 s1, $0x2  }
0xb9: {  	s3 =	sand.u32 $0x4000, s31;
	s1 =	sadd.s32 s1, s30  }
0xba: {  	s0 =	sor.u32 s3, s0;
	s1 =	sshll.u32 s1, $0x11  }
0xbb: {  	s0 =	sor.u32 s1, s0  }
0xbc: {  	s0 =	sadd.s32 $0x8F2B, s0  }
0xbd: {  	[sflag:s0] =	ssyncadd.remote.s32 $0x1  }
0xbe: {  	_ =	sfence.sel $0xFFFF  }
0xbf: {  	[dreg:$0x0] =	wrdreg $0xFFFFFFFF;
	(pc) =	sbr.abs _section_cstart, $3  }
0xc0: {  	[dreg:$0x1] =	wrdreg $0xFFFFFFFF  }
0xc1: {  	_ =	task.clear_ibuf [dreg:s7], $0x2FFFF;
	_ =	strace $0x9FFFFFFF  }
0xc2: {  	(tm) =	ssettm $0x7FFFFFFF  }
0xc3: {  	_ =	shalt  }
tec
execute0_lowered:
.L_overlay_start_1:
0x0: {  	(tag) =	ssettag $0x1  }
0x1: {  	s3 =	rddreg [dreg:$0x0]  }
0x2: {  	s1 =	srdreg.scid;
	s0 =	stileid.u32  }
0x3: {  	s5 =	rddreg [dreg:$0x1];
	s2 =	simm.s32 $0x0;
	s11 =	simm.s32 $0x0  }
0x4: {  	s4 =	sand.u32 $0x1, s1;
	s6 =	sshll.u32 s0, $0x1;
	[smem:$0x7FF] =	sst s2  }
0x5: {  	s1 =	rddreg [dreg:$0x2];
	s6 =	sor.u32 s4, s6;
	_ =	strace $0x80000047  }
0x6: {  	s4 =	ssub.s32 $0x2, s4;
	s7 =	sshll.u32 s6, $0xA;
	s8 =	smul.u32 $0x3C0, s6  }
0x7: {  	s9 =	sshll.u32 s6, $0x4;
	s10 =	sshrl.u32 s4, $0x1;
	s6 =	sshll.u32 s6, $0x6  }
0x8: {  	s7 =	sadd.s32 s7, s3;
	s9 =	sadd.s32 s9, s3;
	s10 =	ssub.s32 s4, s10  }
0x9: {  	s5 =	sadd.s32 s5, s6;
	s8 =	sadd.s32 s8, s3;
	s3 =	sadd.s32 $0x200, s7  }
0xa: {  	v1 =	vlaneseq.u32;
	s6 =	sadd.s32 $0xFA00, s9;
	s7 =	smax.u32 s10, $0x1;
	s9 =	simm.s32 $0x2000  }
0xb: {  	v0 =	vmul.u32 $0x10, v1;
	v1 =	vmul.u32 $0xF, v1;
	s10 =	simm.s32 $0x4000;
	s4 =	sadd.s32 $0x8200, s8;
	s8 =	simm.s32 $0x1  }
.LBB2_1:
0xc: {  	[tilespmem:s2], [sflag:$0x1] =	stream.linear.gather [hbm4b:s3+s2], $0x2000, $0x38;
	[tilespmem:$0x4080] =	vst v63  }
0xd: {  	_ =	swait.ge [sflag:s8], $0x2000  }
0xe: {  	[sflag:s8] =	ssyncset.done $0x0  }
0xf: {  	[sflag:s8] =	ssyncadd.s32 $0xFFFFE000  }
0x10: {  	[tilespmem:s9], [sflag:$0x1] =	stream.linear.gather [hbm4b:s4+s2], $0x1E00, $0x38;
	[tilespmem:$0x4080] =	vst v63  }
0x11: {  	_ =	swait.ge [sflag:s8], $0x1E00  }
0x12: {  	[sflag:s8] =	ssyncset.done $0x0  }
0x13: {  	s12 =	simm.s32 $0x3E00;
	[sflag:s8] =	ssyncadd.s32 $0xFFFFE200  }
0x14: {  	[tilespmem:s12], [sflag:$0x1] =	stream.linear.gather [hbm4b:s5+s2], $0x200, $0x38;
	[tilespmem:$0x4080] =	vst v63  }
0x15: {  	_ =	swait.ge [sflag:s8], $0x200  }
0x16: {  	[sflag:s8] =	ssyncset.done $0x0  }
0x17: {  	v2 =	vimm.f32 $0.0e+00;
	s13 =	simm.s32 $0xF;
	s14 =	simm.s32 $0xE;
	[sflag:s8] =	ssyncadd.s32 $0xFFFFFE00  }
.LBB2_2:
0x18: {  	s15 =	sadd.s32 $0xFFFFFFF1, s13  }
0x19: {  	v3 =	vor.u32 s15, v0;
	_ =	sdelay $0x4  }
0x1a: {  	v3 =	vld.idx.msk [tilespmem:v3+s2+$0x0], $0xffff;
	_ =	sdelay $0x4  }
0x1b: {  	v4 =	vand.u32 $0x7FFFFFFF, v3  }
0x1c: {  	v4 =	vsub.f32 $0.0e+00, v4  }
0x1d: {  	s19 =	sadd.s32 $0xFFFFFFF2, s13  }
0x1e: {  	v5 =	vor.u32 s19, v0;
	v4 =	vmul.f32 $1.442695020e+00, v4;
	_ =	sdelay $0x1  }
0x1f: {  	(erf) = vpow2.f32 v4;
	_ =	sdelay $0x2  }
0x20: {  	v5 =	vld.idx.msk [tilespmem:v5+s2+$0x0], $0xffff;
	_ =	sdelay $0x4  }
0x21: {  	v62 =	vand.u32 $0x7FFFFFFF, v5  }
0x22: {  	v4 =	vsub.f32 $0.0e+00, v62;
	v8 =	vpop (erf)  }
0x23: {  	s20 =	sadd.s32 $0xFFFFFFF3, s13;
	v6 =	vadd.f32 $1.000000000e+00, v8  }
0x24: {  	v7 =	vor.u32 s20, v0;
	v4 =	vmul.f32 $1.442695020e+00, v4  }
0x25: {  	(erf) = vrcp.f32 v6  }
0x26: {  	(erf) = vpow2.f32 v4;
	_ =	sdelay $0x2  }
0x27: {  	v63 =	vld.idx.msk [tilespmem:v7+s2+$0x0], $0xffff;
	_ =	sdelay $0x4  }
0x28: {  	v36 =	vand.u32 $0x7FFFFFFF, v63;
	v10 =	vpop (erf)  }
0x29: {  	v6 =	vsub.f32 $0.0e+00, v36;
	v11 =	vpop (erf)  }
0x2a: {  	s21 =	sadd.s32 $0xFFFFFFF4, s13;
	v37 =	vadd.f32 $1.000000000e+00, v11  }
0x2b: {  	v9 =	vor.u32 s21, v0;
	v6 =	vmul.f32 $1.442695020e+00, v6  }
0x2c: {  	(erf) = vrcp.f32 v37  }
0x2d: {  	(erf) = vpow2.f32 v6;
	_ =	sdelay $0x2  }
0x2e: {  	v6 =	vld.idx.msk [tilespmem:v9+s2+$0x0], $0xffff;
	_ =	sdelay $0x4  }
0x2f: {  	v38 =	vand.u32 $0x7FFFFFFF, v6;
	v17 =	vpop (erf)  }
0x30: {  	v7 =	vsub.f32 $0.0e+00, v38;
	v15 =	vpop (erf)  }
0x31: {  	s22 =	sadd.s32 $0xFFFFFFF5, s13;
	v39 =	vadd.f32 $1.000000000e+00, v15  }
0x32: {  	v12 =	vor.u32 s22, v0;
	v7 =	vmul.f32 $1.442695020e+00, v7  }
0x33: {  	(erf) = vrcp.f32 v39  }
0x34: {  	(erf) = vpow2.f32 v7;
	_ =	sdelay $0x2  }
0x35: {  	v7 =	vld.idx.msk [tilespmem:v12+s2+$0x0], $0xffff;
	_ =	sdelay $0x4  }
0x36: {  	v40 =	vand.u32 $0x7FFFFFFF, v7;
	v18 =	vpop (erf)  }
0x37: {  	v9 =	vsub.f32 $0.0e+00, v40;
	v19 =	vpop (erf)  }
0x38: {  	s23 =	sadd.s32 $0xFFFFFFF6, s13;
	v41 =	vadd.f32 $1.000000000e+00, v19  }
0x39: {  	v13 =	vor.u32 s23, v0;
	v9 =	vmul.f32 $1.442695020e+00, v9  }
0x3a: {  	(erf) = vrcp.f32 v41  }
0x3b: {  	(erf) = vpow2.f32 v9;
	_ =	sdelay $0x2  }
0x3c: {  	v9 =	vld.idx.msk [tilespmem:v13+s2+$0x0], $0xffff;
	_ =	sdelay $0x4  }
0x3d: {  	v42 =	vand.u32 $0x7FFFFFFF, v9;
	v21 =	vpop (erf)  }
0x3e: {  	v12 =	vsub.f32 $0.0e+00, v42;
	v22 =	vpop (erf)  }
0x3f: {  	s24 =	sadd.s32 $0xFFFFFFF7, s13;
	v43 =	vadd.f32 $1.000000000e+00, v22  }
0x40: {  	v14 =	vor.u32 s24, v0;
	v12 =	vmul.f32 $1.442695020e+00, v12  }
0x41: {  	(erf) = vrcp.f32 v43  }
0x42: {  	(erf) = vpow2.f32 v12;
	_ =	sdelay $0x2  }
0x43: {  	v12 =	vld.idx.msk [tilespmem:v14+s2+$0x0], $0xffff;
	_ =	sdelay $0x4  }
0x44: {  	v44 =	vand.u32 $0x7FFFFFFF, v12;
	v23 =	vpop (erf)  }
0x45: {  	v13 =	vsub.f32 $0.0e+00, v44;
	v24 =	vpop (erf)  }
0x46: {  	s25 =	sadd.s32 $0xFFFFFFF8, s13;
	v45 =	vadd.f32 $1.000000000e+00, v24  }
0x47: {  	v16 =	vor.u32 s25, v0;
	v13 =	vmul.f32 $1.442695020e+00, v13  }
0x48: {  	(erf) = vrcp.f32 v45  }
0x49: {  	(erf) = vpow2.f32 v13;
	_ =	sdelay $0x2  }
0x4a: {  	v16 =	vld.idx.msk [tilespmem:v16+s2+$0x0], $0xffff;
	_ =	sdelay $0x4  }
0x4b: {  	v46 =	vand.u32 $0x7FFFFFFF, v16;
	v25 =	vpop (erf)  }
0x4c: {  	v13 =	vsub.f32 $0.0e+00, v46;
	v26 =	vpop (erf)  }
0x4d: {  	s26 =	sadd.s32 $0xFFFFFFF9, s13;
	v47 =	vadd.f32 $1.000000000e+00, v26  }
0x4e: {  	v20 =	vor.u32 s26, v0;
	v13 =	vmul.f32 $1.442695020e+00, v13  }
0x4f: {  	(erf) = vrcp.f32 v47  }
0x50: {  	(erf) = vpow2.f32 v13;
	_ =	sdelay $0x2  }
0x51: {  	v14 =	vld.idx.msk [tilespmem:v20+s2+$0x0], $0xffff;
	_ =	sdelay $0x4  }
0x52: {  	v48 =	vand.u32 $0x7FFFFFFF, v14;
	v27 =	vpop (erf)  }
0x53: {  	v13 =	vsub.f32 $0.0e+00, v48;
	v28 =	vpop (erf)  }
0x54: {  	s28 =	sadd.s32 $0xFFFFFFFA, s13;
	v49 =	vadd.f32 $1.000000000e+00, v28  }
0x55: {  	v29 =	vor.u32 s28, v0;
	v13 =	vmul.f32 $1.442695020e+00, v13  }
0x56: {  	(erf) = vrcp.f32 v49  }
0x57: {  	(erf) = vpow2.f32 v13;
	_ =	sdelay $0x2  }
0x58: {  	v13 =	vld.idx.msk [tilespmem:v29+s2+$0x0], $0xffff;
	_ =	sdelay $0x4  }
0x59: {  	v51 =	vand.u32 $0x7FFFFFFF, v13;
	v50 =	vpop (erf)  }
0x5a: {  	v20 =	vsub.f32 $0.0e+00, v51;
	v30 =	vpop (erf)  }
0x5b: {  	s29 =	sadd.s32 $0xFFFFFFFB, s13;
	v31 =	vadd.f32 $1.000000000e+00, v30  }
0x5c: {  	v32 =	vor.u32 s29, v0;
	v20 =	vmul.f32 $1.442695020e+00, v20  }
0x5d: {  	(erf) = vrcp.f32 v31  }
0x5e: {  	(erf) = vpow2.f32 v20;
	_ =	sdelay $0x2  }
0x5f: {  	v20 =	vld.idx.msk [tilespmem:v32+s2+$0x0], $0xffff;
	_ =	sdelay $0x4  }
0x60: {  	v32 =	vand.u32 $0x7FFFFFFF, v20;
	v31 =	vpop (erf)  }
0x61: {  	v32 =	vsub.f32 $0.0e+00, v32;
	v33 =	vpop (erf)  }
0x62: {  	s30 =	sadd.s32 $0xFFFFFFFC, s13;
	v34 =	vadd.f32 $1.000000000e+00, v33  }
0x63: {  	v35 =	vor.u32 s30, v0;
	v32 =	vmul.f32 $1.442695020e+00, v32  }
0x64: {  	(erf) = vrcp.f32 v34  }
0x65: {  	(erf) = vpow2.f32 v32;
	_ =	sdelay $0x2  }
0x66: {  	v32 =	vld.idx.msk [tilespmem:v35+s2+$0x0], $0xffff;
	_ =	sdelay $0x4  }
0x67: {  	v35 =	vand.u32 $0x7FFFFFFF, v32;
	v34 =	vpop (erf)  }
0x68: {  	v35 =	vsub.f32 $0.0e+00, v35;
	v36 =	vpop (erf)  }
0x69: {  	s31 =	sadd.s32 $0xFFFFFFFD, s13;
	v37 =	vadd.f32 $1.000000000e+00, v36  }
0x6a: {  	v38 =	vor.u32 s31, v0;
	v35 =	vmul.f32 $1.442695020e+00, v35  }
0x6b: {  	(erf) = vrcp.f32 v37  }
0x6c: {  	(erf) = vpow2.f32 v35;
	_ =	sdelay $0x2  }
0x6d: {  	v35 =	vld.idx.msk [tilespmem:v38+s2+$0x0], $0xffff;
	_ =	sdelay $0x4  }
0x6e: {  	v38 =	vand.u32 $0x7FFFFFFF, v35;
	v37 =	vpop (erf)  }
0x6f: {  	v38 =	vsub.f32 $0.0e+00, v38;
	v39 =	vpop (erf)  }
0x70: {  	s16 =	sadd.s32 $0xFFFFFFFE, s13;
	v40 =	vadd.f32 $1.000000000e+00, v39  }
0x71: {  	v41 =	vor.u32 s16, v0;
	v38 =	vmul.f32 $1.442695020e+00, v38  }
0x72: {  	(erf) = vrcp.f32 v40  }
0x73: {  	(erf) = vpow2.f32 v38;
	_ =	sdelay $0x2  }
0x74: {  	v38 =	vld.idx.msk [tilespmem:v41+s2+$0x0], $0xffff;
	_ =	sdelay $0x4  }
0x75: {  	v41 =	vand.u32 $0x7FFFFFFF, v38;
	v40 =	vpop (erf)  }
0x76: {  	v41 =	vsub.f32 $0.0e+00, v41;
	v42 =	vpop (erf)  }
0x77: {  	s17 =	sadd.s32 $0xFFFFFFFF, s13;
	v43 =	vadd.f32 $1.000000000e+00, v42  }
0x78: {  	v44 =	vor.u32 s17, v0;
	v41 =	vmul.f32 $1.442695020e+00, v41  }
0x79: {  	v8 =	vsub.f32 $1.000000000e+00, v8;
	v52 =	vsub.f32 $1.000000000e+00, v11;
	(erf) = vrcp.f32 v43  }
0x7a: {  	v55 =	vsub.f32 $1.000000000e+00, v15;
	(erf) = vpow2.f32 v41  }
0x7b: {  	v8 =	vmul.f32 v10, v8;
	v10 =	vmul.f32 v17, v52  }
0x7c: {  	vm0 =	vlt.f32 v3, $0.0e+00;
	v58 =	vmul.f32 v18, v55  }
0x7d: {  	vm15 =	vlt.f32 v5, $0.0e+00;
	v53 =	vsub.f32 $0.0e+00, v8;
	v54 =	vsub.f32 $0.0e+00, v10;
	v41 =	vld.idx.msk [tilespmem:v44+s2+$0x0], $0xffff  }
0x7e: {  	vm4 =	vlt.f32 v63, $0.0e+00;
	v56 =	vsub.f32 $1.000000000e+00, v19;
	v62 =	vsub.f32 $0.0e+00, v58  }
0x7f: {  	vm2 =	vlt.f32 v16, $0.0e+00;
	v3 =	vsel vm0, v53, v8;
	vm5 =	vlt.f32 v6, $0.0e+00  }
0x80: {  	v8 =	vsel vm15, v54, v10;
	v4 =	vsel vm4, v62, v58;
	v5 =	vmul.f32 v21, v56  }
0x81: {  	v3 =	vmul.f32 v8, v3;
	vm6 =	vlt.f32 v7, $0.0e+00;
	v8 =	vmul.f32 v4, v8  }
0x82: {  	v60 =	vsub.f32 $1.000000000e+00, v22;
	v63 =	vsub.f32 $0.0e+00, v5;
	v44 =	vand.u32 $0x7FFFFFFF, v41;
	v43 =	vpop (erf)  }
0x83: {  	v8 =	vmax.f32 v8, $-9.999989860e-01;
	vm7 =	vlt.f32 v9, $0.0e+00;
	v44 =	vsub.f32 $0.0e+00, v44;
	v45 =	vpop (erf)  }
0x84: {  	v5 =	vsel vm5, v63, v5;
	v15 =	vmul.f32 v23, v60;
	v46 =	vadd.f32 $1.000000000e+00, v45  }
0x85: {  	v23 =	vsub.f32 $1.000000000e+00, v26;
	v47 =	vor.u32 s13, v0;
	v44 =	vmul.f32 $1.442695020e+00, v44  }
0x86: {  	v4 =	vmul.f32 v5, v4;
	v22 =	vsub.f32 $1.000000000e+00, v24;
	(erf) = vrcp.f32 v46  }
0x87: {  	v7 =	vmul.f32 v27, v23;
	v24 =	vsub.f32 $1.000000000e+00, v28;
	(erf) = vpow2.f32 v44  }
0x88: {  	vm1 =	vlt.f32 v12, $0.0e+00;
	vm8 =	vlt.f32 v14, $0.0e+00;
	v26 =	vmul.f32 v25, v22  }
0x89: {  	s19 =	sadd.s32 $0xFFFFFFF4, s14;
	v48 =	vsub.f32 $0.0e+00, v7;
	v28 =	vmul.f32 v50, v24;
	v50 =	vsub.f32 $1.000000000e+00, v30  }
0x8a: {  	s22 =	sadd.s32 $0xFFFFFFF7, s14;
	v21 =	vsub.f32 $0.0e+00, v15;
	v25 =	vadd.s32 s19, v1;
	v29 =	vsub.f32 $0.0e+00, v26;
	v44 =	vld.idx.msk [tilespmem:v47+s2+$0x0], $0xffff  }
0x8b: {  	v22 =	vadd.s32 s22, v1;
	v10 =	vsel vm1, v48, v7;
	v52 =	vmul.f32 v31, v50  }
0x8c: {  	s21 =	sadd.s32 $0xFFFFFFF6, s14;
	v9 =	vsel vm7, v29, v26;
	v17 =	vsub.f32 $0.0e+00, v28;
	v53 =	vsub.f32 $1.000000000e+00, v33  }
0x8d: {  	vm9 =	vlt.f32 v13, $0.0e+00;
	v13 =	vadd.s32 s21, v1;
	v60 =	vsub.f32 $0.0e+00, v52  }
0x8e: {  	v19 =	vsel vm2, v17, v28;
	vm10 =	vlt.f32 v20, $0.0e+00;
	v12 =	vmul.f32 v34, v53  }
0x8f: {  	s18 =	sadd.s32 $0xFFFFFFF2, s14;
	v17 =	vsel vm8, v60, v52;
	v63 =	vsub.f32 $1.000000000e+00, v39;
	v57 =	vand.u32 $0x7FFFFFFF, v44;
	v46 =	vpop (erf)  }
0x90: {  	v52 =	vadd.s32 s18, v1;
	v62 =	vsub.f32 $0.0e+00, v12;
	v59 =	vsub.f32 $0.0e+00, v57;
	v18 =	vpop (erf)  }
0x91: {  	vm11 =	vlt.f32 v32, $0.0e+00;
	v28 =	vmul.f32 v40, v63;
	v61 =	vadd.f32 $1.000000000e+00, v18  }
0x92: {  	v56 =	vsub.f32 $1.000000000e+00, v36;
	v20 =	vsel vm9, v62, v12;
	v11 =	vmul.f32 $1.442695020e+00, v59  }
0x93: {  	vm12 =	vlt.f32 v35, $0.0e+00;
	v30 =	vsub.f32 $0.0e+00, v28;
	(erf) = vrcp.f32 v61  }
0x94: {  	vm13 =	vlt.f32 v38, $0.0e+00;
	v47 =	vmax.f32 v3, $-9.999989860e-01;
	(erf) = vpow2.f32 v11  }
0x95: {  	v31 =	vsub.f32 $1.000000000e+00, v42;
	v14 =	vsel vm11, v30, v28;
	v49 =	vmin.f32 v47, $9.999989860e-01  }
0x96: {  	s16 =	sadd.s32 $0xFFFFFFF3, s14;
	vm14 =	vlt.f32 v41, $0.0e+00;
	v41 =	vmin.f32 v8, $9.999989860e-01;
	v23 =	vsub.f32 $1.000000000e+00, v49  }
0x97: {  	v34 =	vmul.f32 v43, v31;
	v31 =	vadd.s32 s16, v1;
	v32 =	vsub.f32 $1.000000000e+00, v45  }
0x98: {  	v3 =	vmul.f32 v4, v3;
	v55 =	vand.u32 $0x7FFFFF, v23;
	v23 =	vshra.s32 v23, $0x17  }
0x99: {  	v58 =	vor.u32 $0x3F800000, v55;
	vm15 =	vlt.f32 v44, $0.0e+00;
	v35 =	vmul.f32 v46, v32  }
0x9a: {  	v23 =	vadd.s32 $0xFFFFFF81, v23;
	v24 =	vadd.f32 $-1.000000000e+00, v58;
	v59 =	vadd.f32 $1.000000000e+00, v58  }
0x9b: {  	v58 =	vmax.f32 v4, $-9.999989860e-01;
	v38 =	vsub.f32 $0.0e+00, v35;
	v61 =	vmul.f32 v37, v56  }
0x9c: {  	v37 =	vsub.f32 $0.0e+00, v34;
	v11 =	vsel vm6, v21, v15;
	v21 =	vadd.f32 $1.000000000e+00, v49;
	v51 =	vpop (erf)  }
0x9d: {  	v18 =	vsub.f32 $1.000000000e+00, v18;
	v8 =	vsel vm13, v38, v35;
	v27 =	vsub.f32 $0.0e+00, v61;
	v54 =	vpop (erf)  }
0x9e: {  	v12 =	vsel vm12, v37, v34;
	v29 =	vand.u32 $0x7FFFFF, v21;
	v57 =	vadd.f32 $1.000000000e+00, v54  }
0x9f: {  	v34 =	vmin.f32 v58, $9.999989860e-01;
	v5 =	vmul.f32 v11, v5;
	v7 =	vor.u32 $0x3F800000, v29  }
0xa0: {  	v11 =	vmul.f32 v9, v11;
	v33 =	vadd.f32 $1.000000000e+00, v7;
	(erf) = vrcp.f32 v57  }
0xa1: {  	v9 =	vmul.f32 v10, v9;
	v37 =	vsub.f32 $1.000000000e+00, v34;
	(erf) = vrcp.f32 v59  }
0xa2: {  	v34 =	vadd.f32 $1.000000000e+00, v34;
	v15 =	vsel vm10, v27, v61;
	(erf) = vrcp.f32 v33  }
0xa3: {  	v29 =	vsub.f32 $1.000000000e+00, v41;
	v27 =	vadd.f32 $1.000000000e+00, v41;
	v5 =	vmax.f32 v5, $-9.999989860e-01  }
0xa4: {  	v9 =	vmax.f32 v9, $-9.999989860e-01;
	v47 =	vadd.f32 $-1.000000000e+00, v7;
	v61 =	vand.u32 $0x7FFFFF, v37  }
0xa5: {  	v5 =	vmin.f32 v5, $9.999989860e-01;
	v37 =	vshra.s32 v37, $0x17;
	v9 =	vmin.f32 v9, $9.999989860e-01  }
0xa6: {  	v46 =	vand.u32 $0x7FFFFF, v29;
	v63 =	vor.u32 $0x3F800000, v61;
	v29 =	vshra.s32 v29, $0x17  }
0xa7: {  	v41 =	vsub.f32 $1.000000000e+00, v5;
	v37 =	vadd.s32 $0xFFFFFF81, v37;
	v48 =	vor.u32 $0x3F800000, v46  }
0xa8: {  	v44 =	vadd.f32 $1.000000000e+00, v63;
	v38 =	vadd.f32 $-1.000000000e+00, v63;
	v29 =	vadd.s32 $0xFFFFFF81, v29  }
0xa9: {  	v6 =	vmul.f32 v51, v18;
	v51 =	vadd.f32 $1.000000000e+00, v48;
	v16 =	vsub.f32 $1.000000000e+00, v54;
	v36 =	vpop (erf)  }
0xaa: {  	v37 =	vcvt.s32.f32 v37;
	v26 =	vadd.f32 $-1.000000000e+00, v48;
	v29 =	vcvt.s32.f32 v29;
	v39 =	vpop (erf)  }
0xab: {  	v59 =	vand.u32 $0x7FFFFF, v27;
	v16 =	vmul.f32 v36, v16;
	(erf) = vrcp.f32 v51;
	v50 =	vpop (erf)  }
0xac: {  	v36 =	vor.u32 $0x3F800000, v59;
	v18 =	vmul.f32 v39, v24;
	v53 =	vmul.f32 v50, v47  }
0xad: {  	v37 =	vmul.f32 $6.931471820e-01, v37;
	v40 =	vsub.f32 $0.0e+00, v6;
	v60 =	vadd.f32 $1.000000000e+00, v36  }
0xae: {  	v61 =	vand.u32 $0x7FFFFF, v41;
	v42 =	vmul.f32 v18, v18;
	v55 =	vmul.f32 v53, v53  }
0xaf: {  	v29 =	vmul.f32 $6.931471820e-01, v29;
	v6 =	vsel vm14, v40, v6;
	(erf) = vrcp.f32 v60  }
0xb0: {  	v36 =	vadd.f32 $-1.000000000e+00, v36;
	v45 =	vmul.f32 $1.428571490e-01, v42;
	v57 =	vmul.f32 $1.428571490e-01, v55  }
0xb1: {  	s23 =	sadd.s32 $0xFFFFFFF8, s14;
	v27 =	vshra.s32 v27, $0x17;
	v43 =	vsub.f32 $0.0e+00, v16;
	v18 =	vadd.f32 v18, v18  }
0xb2: {  	s20 =	sadd.s32 $0xFFFFFFF5, s14;
	v24 =	vadd.s32 s23, v1;
	v49 =	vadd.f32 $2.000000030e-01, v45;
	v35 =	vadd.f32 $2.000000030e-01, v57  }
0xb3: {  	s24 =	sadd.s32 $0xFFFFFFF9, s14;
	v7 =	vsel vm15, v43, v16;
	v16 =	vadd.s32 s20, v1;
	v43 =	vcvt.s32.f32 v23  }
0xb4: {  	v23 =	vadd.s32 s24, v1;
	v54 =	vmul.f32 v49, v42;
	v62 =	vpop (erf);
	v35 =	vmul.f32 v35, v55  }
0xb5: {  	v32 =	vadd.f32 v53, v53;
	v48 =	vmul.f32 $6.931471820e-01, v43;
	v26 =	vmul.f32 v62, v26  }
0xb6: {  	s25 =	sadd.s32 $0xFFFFFFFA, s14;
	v45 =	vshra.s32 v21, $0x17;
	v56 =	vadd.f32 $3.333333430e-01, v54;
	v35 =	vadd.f32 $3.333333430e-01, v35  }
0xb7: {  	v21 =	vadd.s32 s25, v1;
	(erf) = vrcp.f32 v44;
	v47 =	vmul.f32 v26, v26  }
0xb8: {  	v62 =	vor.u32 $0x3F800000, v61;
	v28 =	vmul.f32 v56, v42;
	v54 =	vpop (erf);
	v46 =	vmul.f32 v35, v55  }
0xb9: {  	v44 =	vadd.f32 $1.000000000e+00, v62;
	v51 =	vmul.f32 $1.428571490e-01, v47;
	v35 =	vmul.f32 v54, v36  }
0xba: {  	v55 =	vand.u32 $0x7FFFFF, v34;
	v34 =	vshra.s32 v34, $0x17;
	v28 =	vadd.f32 $1.000000000e+00, v28  }
0xbb: {  	v36 =	vor.u32 $0x3F800000, v55;
	v34 =	vadd.s32 $0xFFFFFF81, v34;
	v50 =	vadd.f32 $1.000000000e+00, v46  }
0xbc: {  	v53 =	vadd.f32 $2.000000030e-01, v51;
	v57 =	vadd.f32 $1.000000000e+00, v36;
	v58 =	vmul.f32 v35, v35  }
0xbd: {  	v34 =	vcvt.s32.f32 v34;
	v28 =	vmul.f32 v28, v18;
	v18 =	vadd.s32 $0xFFFFFF81, v45  }
0xbe: {  	v26 =	vadd.f32 v26, v26;
	v49 =	vcvt.s32.f32 v18;
	v32 =	vmul.f32 v50, v32  }
0xbf: {  	v30 =	vld.idx.msk [tilespmem:v52+s9+$0x0], $0xffff;
	v46 =	vadd.s32 $0xFFFFFF81, v27;
	v39 =	vmul.f32 v53, v47;
	(erf) = vrcp.f32 v57  }
0xc0: {  	v36 =	vadd.f32 $-1.000000000e+00, v36;
	v56 =	vpop (erf);
	v59 =	vmul.f32 $1.428571490e-01, v58;
	v53 =	vcvt.s32.f32 v46  }
0xc1: {  	v35 =	vadd.f32 v35, v35;
	v34 =	vmul.f32 $6.931471820e-01, v34;
	v38 =	vmul.f32 v56, v38  }
0xc2: {  	s26 =	sadd.s32 $0xFFFFFFFB, s14;
	v28 =	vadd.f32 v28, v48;
	(erf) = vrcp.f32 v44;
	v39 =	vadd.f32 $3.333333430e-01, v39  }
0xc3: {  	v18 =	vadd.s32 s26, v1;
	v52 =	vmul.f32 $6.931471820e-01, v49;
	v40 =	vmul.f32 v38, v38  }
0xc4: {  	v28 =	vmul.f32 v28, v30;
	v33 =	vmul.f32 v39, v47;
	v39 =	vadd.f32 $2.000000030e-01, v59  }
0xc5: {  	v30 =	vsub.f32 $1.000000000e+00, v30;
	v32 =	vadd.f32 v32, v52;
	v60 =	vmul.f32 $1.428571490e-01, v40  }
0xc6: {  	v38 =	vadd.f32 v38, v38;
	v33 =	vadd.f32 $1.000000000e+00, v33;
	v39 =	vmul.f32 v39, v58  }
0xc7: {  	v28 =	vsub.f32 $6.931471820e-01, v28;
	v30 =	vmul.f32 v32, v30;
	v43 =	vadd.f32 $2.000000030e-01, v60  }
0xc8: {  	v31 =	vld.idx.msk [tilespmem:v31+s9+$0x0], $0xffff;
	v26 =	vmul.f32 v33, v26;
	v63 =	vadd.f32 $3.333333430e-01, v39;
	v39 =	vadd.f32 $1.000000000e+00, v5  }
0xc9: {  	v59 =	vmul.f32 $6.931471820e-01, v53;
	v33 =	vadd.f32 $-1.000000000e+00, v62;
	v5 =	vsub.f32 v28, v30  }
0xca: {  	v45 =	vmul.f32 v43, v40;
	v48 =	vpop (erf);
	v26 =	vadd.f32 v26, v29;
	v29 =	vmul.f32 v63, v58  }
0xcb: {  	v32 =	vmul.f32 v48, v36;
	v49 =	vand.u32 $0x7FFFFF, v39;
	v58 =	vmax.f32 v11, $-9.999989860e-01  }
0xcc: {  	v55 =	vpop (erf);
	v39 =	vshra.s32 v39, $0x17;
	v47 =	vadd.f32 $3.333333430e-01, v45;
	v36 =	vor.u32 $0x3F800000, v49  }
0xcd: {  	v56 =	vmul.f32 v55, v33;
	v39 =	vadd.s32 $0xFFFFFF81, v39;
	v26 =	vmul.f32 v26, v31  }
0xce: {  	v50 =	vmul.f32 v32, v32;
	v51 =	vadd.f32 $1.000000000e+00, v36;
	v29 =	vadd.f32 $1.000000000e+00, v29  }
0xcf: {  	v36 =	vadd.f32 $-1.000000000e+00, v36;
	v32 =	vadd.f32 v32, v32;
	v39 =	vcvt.s32.f32 v39  }
0xd0: {  	v31 =	vsub.f32 $1.000000000e+00, v31;
	v27 =	vmul.f32 v47, v40;
	v33 =	vmul.f32 v56, v56  }
0xd1: {  	v28 =	vadd.f32 v56, v56;
	v52 =	vmul.f32 $1.428571490e-01, v50;
	(erf) = vrcp.f32 v51  }
0xd2: {  	v26 =	vsub.f32 $6.931471820e-01, v26;
	v29 =	vmul.f32 v29, v35;
	v35 =	vmin.f32 v58, $9.999989860e-01  }
0xd3: {  	v51 =	vshra.s32 v41, $0x17;
	v41 =	vsub.f32 $1.000000000e+00, v9;
	v27 =	vadd.f32 $1.000000000e+00, v27  }
0xd4: {  	v60 =	vmul.f32 $1.428571490e-01, v33;
	v42 =	vsub.f32 $1.000000000e+00, v35;
	v35 =	vadd.f32 $1.000000000e+00, v35  }
0xd5: {  	v54 =	vadd.f32 $2.000000030e-01, v52;
	v29 =	vadd.f32 v29, v59;
	v52 =	vadd.s32 $0xFFFFFF81, v51  }
0xd6: {  	v56 =	vand.u32 $0x7FFFFF, v41;
	v59 =	vmul.f32 $6.931471820e-01, v39;
	v62 =	vand.u32 $0x7FFFFF, v42  }
0xd7: {  	v25 =	vld.idx.msk [tilespmem:v25+s9+$0x0], $0xffff;
	v27 =	vmul.f32 v27, v38;
	v57 =	vmul.f32 v54, v50;
	v63 =	vor.u32 $0x3F800000, v62  }
0xd8: {  	v38 =	vadd.f32 $2.000000030e-01, v60;
	v53 =	vand.u32 $0x7FFFFF, v35;
	v43 =	vadd.f32 $1.000000000e+00, v63  }
0xd9: {  	v58 =	vor.u32 $0x3F800000, v56;
	v42 =	vshra.s32 v42, $0x17;
	v30 =	vadd.f32 $3.333333430e-01, v57  }
0xda: {  	v29 =	vmul.f32 v29, v31;
	v27 =	vadd.f32 v27, v37;
	(erf) = vrcp.f32 v43  }
0xdb: {  	v45 =	vadd.s32 $0xFFFFFF81, v42;
	v38 =	vmul.f32 v38, v33;
	v30 =	vmul.f32 v30, v50;
	v61 =	vpop (erf)  }
0xdc: {  	v16 =	vld.idx.msk [tilespmem:v16+s9+$0x0], $0xffff;
	v40 =	vadd.f32 $-1.000000000e+00, v63;
	v27 =	vmul.f32 v27, v25;
	v36 =	vmul.f32 v61, v36  }
0xdd: {  	v49 =	vadd.f32 $3.333333430e-01, v38;
	v38 =	vor.u32 $0x3F800000, v53;
	v30 =	vadd.f32 $1.000000000e+00, v30  }
0xde: {  	v43 =	vadd.f32 $1.000000000e+00, v58;
	v55 =	vadd.f32 $1.000000000e+00, v38;
	v48 =	vmul.f32 v36, v36  }
0xdf: {  	v25 =	vsub.f32 $1.000000000e+00, v25;
	v30 =	vmul.f32 v30, v32;
	v32 =	vmul.f32 v49, v33  }
0xe0: {  	v27 =	vsub.f32 $6.931471820e-01, v27;
	(erf) = vrcp.f32 v55;
	v33 =	vcvt.s32.f32 v52  }
0xe1: {  	v61 =	vsub.f32 $1.000000000e+00, v16;
	v50 =	vmul.f32 $1.428571490e-01, v48;
	v32 =	vadd.f32 $1.000000000e+00, v32  }
0xe2: {  	v36 =	vadd.f32 v36, v36;
	v33 =	vmul.f32 $6.931471820e-01, v33;
	v30 =	vadd.f32 v30, v34  }
0xe3: {  	v37 =	vadd.f32 $2.000000030e-01, v50;
	v28 =	vmul.f32 v32, v28;
	v57 =	vpop (erf);
	(erf) = vrcp.f32 v43  }
0xe4: {  	v49 =	vadd.f32 $-1.000000000e+00, v58;
	v25 =	vmul.f32 v30, v25;
	v40 =	vmul.f32 v57, v40  }
0xe5: {  	v43 =	vadd.f32 $-1.000000000e+00, v38;
	v37 =	vmul.f32 v37, v48;
	v28 =	vadd.f32 v28, v33  }
0xe6: {  	v33 =	vcvt.s32.f32 v45;
	v44 =	vmul.f32 v40, v40;
	v58 =	vadd.f32 v40, v40  }
0xe7: {  	v54 =	vadd.f32 $3.333333430e-01, v37;
	v28 =	vmul.f32 v28, v16;
	v16 =	vmul.f32 v19, v10  }
0xe8: {  	v10 =	vsub.f32 v27, v25;
	v19 =	vmul.f32 v17, v19;
	v60 =	vmul.f32 $1.428571490e-01, v44  }
0xe9: {  	v33 =	vmul.f32 $6.931471820e-01, v33;
	v32 =	vmul.f32 v54, v48;
	v57 =	vmax.f32 v16, $-9.999989860e-01  }
0xea: {  	v19 =	vmax.f32 v19, $-9.999989860e-01;
	v11 =	vmul.f32 v16, v11;
	v63 =	vadd.f32 $2.000000030e-01, v60  }
0xeb: {  	v28 =	vsub.f32 $6.931471820e-01, v28;
	v19 =	vmin.f32 v19, $9.999989860e-01;
	v32 =	vadd.f32 $1.000000000e+00, v32  }
0xec: {  	v46 =	vpop (erf);
	v38 =	vsub.f32 $1.000000000e+00, v19;
	v3 =	vmul.f32 v11, v3;
	v47 =	vmul.f32 v63, v44  }
0xed: {  	v52 =	vpop (erf);
	v32 =	vmul.f32 v32, v36;
	v36 =	vadd.f32 $1.000000000e+00, v9;
	v9 =	vsub.f32 v26, v29  }
0xee: {  	v26 =	vmul.f32 v52, v49;
	v52 =	vshra.s32 v41, $0x17;
	v31 =	vadd.f32 $3.333333430e-01, v47  }
0xef: {  	v62 =	vadd.f32 v32, v59;
	v32 =	vmul.f32 v46, v43;
	v48 =	vand.u32 $0x7FFFFF, v36  }
0xf0: {  	v56 =	vmul.f32 v26, v26;
	v46 =	vshra.s32 v35, $0x17;
	v26 =	vadd.f32 v26, v26  }
0xf1: {  	v36 =	vshra.s32 v36, $0x17;
	v5 =	vadd.f32 v9, v5;
	v50 =	vor.u32 $0x3F800000, v48  }
0xf2: {  	v54 =	vmul.f32 v31, v44;
	v31 =	vmin.f32 v57, $9.999989860e-01;
	v49 =	vadd.s32 $0xFFFFFF81, v46  }
0xf3: {  	v36 =	vadd.s32 $0xFFFFFF81, v36;
	v30 =	vmul.f32 v62, v61;
	v53 =	vadd.f32 $1.000000000e+00, v50  }
0xf4: {  	v51 =	vmul.f32 v32, v32;
	v40 =	vsub.f32 $1.000000000e+00, v31;
	v47 =	vadd.f32 $-1.000000000e+00, v50  }
0xf5: {  	v61 =	vmul.f32 $1.428571490e-01, v56;
	v32 =	vadd.f32 v32, v32;
	v31 =	vadd.f32 $1.000000000e+00, v31  }
0xf6: {  	v59 =	vld.idx.msk [tilespmem:v13+s9+$0x0], $0xffff;
	v36 =	vcvt.s32.f32 v36;
	v25 =	vadd.f32 $1.000000000e+00, v54;
	(erf) = vrcp.f32 v53  }
0xf7: {  	v55 =	vmul.f32 $1.428571490e-01, v51;
	v27 =	vadd.f32 $2.000000030e-01, v61;
	v63 =	vand.u32 $0x7FFFFF, v40  }
0xf8: {  	v13 =	vsub.f32 v28, v30;
	v53 =	vadd.s32 $0xFFFFFF81, v52;
	v57 =	vand.u32 $0x7FFFFF, v31  }
0xf9: {  	v61 =	vand.u32 $0x7FFFFF, v38;
	v31 =	vshra.s32 v31, $0x17;
	v25 =	vmul.f32 v25, v58  }
0xfa: {  	v43 =	vor.u32 $0x3F800000, v63;
	v31 =	vadd.s32 $0xFFFFFF81, v31;
	v60 =	vadd.f32 $2.000000030e-01, v55  }
0xfb: {  	v27 =	vmul.f32 v27, v56;
	v45 =	vadd.f32 $1.000000000e+00, v43;
	v55 =	vsub.f32 $1.000000000e+00, v59  }
0xfc: {  	v28 =	vadd.f32 $-1.000000000e+00, v43;
	v10 =	vadd.f32 v13, v10;
	v62 =	vmul.f32 v60, v51  }
0xfd: {  	v31 =	vcvt.s32.f32 v31;
	v25 =	vadd.f32 v25, v33;
	v27 =	vadd.f32 $3.333333430e-01, v27  }
0xfe: {  	v33 =	vor.u32 $0x3F800000, v57;
	v5 =	vadd.f32 v10, v5;
	v44 =	vadd.f32 $3.333333430e-01, v62  }
0xff: {  	v25 =	vmul.f32 v25, v59;
	v59 =	vadd.f32 $1.000000000e+00, v33;
	v27 =	vmul.f32 v27, v56  }
0x100: {  	v62 =	vor.u32 $0x3F800000, v61;
	v30 =	vmul.f32 v44, v51;
	v48 =	vpop (erf);
	(erf) = vrcp.f32 v45  }
0x101: {  	v51 =	vcvt.s32.f32 v49;
	v27 =	vadd.f32 $1.000000000e+00, v27;
	v50 =	vmul.f32 v48, v47  }
0x102: {  	v45 =	vmul.f32 $6.931471820e-01, v36;
	v30 =	vadd.f32 $1.000000000e+00, v30;
	(erf) = vrcp.f32 v59  }
0x103: {  	v25 =	vsub.f32 $6.931471820e-01, v25;
	v26 =	vmul.f32 v27, v26;
	v35 =	vmul.f32 v50, v50  }
0x104: {  	v36 =	vadd.f32 $1.000000000e+00, v19;
	v29 =	vmul.f32 $6.931471820e-01, v51;
	v30 =	vmul.f32 v30, v32  }
0x105: {  	v44 =	vadd.f32 $1.000000000e+00, v62;
	v32 =	vcvt.s32.f32 v53;
	v54 =	vmul.f32 $1.428571490e-01, v35  }
0x106: {  	v22 =	vld.idx.msk [tilespmem:v22+s9+$0x0], $0xffff;
	v48 =	vadd.f32 $-1.000000000e+00, v33;
	v51 =	vand.u32 $0x7FFFFF, v36;
	v36 =	vshra.s32 v36, $0x17  }
0x107: {  	v34 =	vadd.f32 v50, v50;
	v32 =	vmul.f32 $6.931471820e-01, v32;
	v56 =	vadd.f32 $2.000000030e-01, v54  }
0x108: {  	v52 =	vor.u32 $0x3F800000, v51;
	v53 =	vshra.s32 v40, $0x17;
	v29 =	vadd.f32 v30, v29  }
0x109: {  	v33 =	vadd.f32 $-1.000000000e+00, v52;
	v26 =	vadd.f32 v26, v32;
	v27 =	vmul.f32 v56, v35;
	v58 =	vpop (erf)  }
0x10a: {  	v47 =	vmul.f32 v29, v55;
	v54 =	vadd.f32 $1.000000000e+00, v52;
	v28 =	vmul.f32 v58, v28  }
0x10b: {  	v52 =	vmul.f32 $6.931471820e-01, v31;
	v26 =	vmul.f32 v26, v22;
	v50 =	vpop (erf);
	v27 =	vadd.f32 $3.333333430e-01, v27  }
0x10c: {  	v55 =	vadd.s32 $0xFFFFFF81, v53;
	v29 =	vmul.f32 v50, v48;
	v60 =	vmul.f32 v28, v28  }
0x10d: {  	v53 =	vshra.s32 v38, $0x17;
	(erf) = vrcp.f32 v44;
	v27 =	vmul.f32 v27, v35  }
0x10e: {  	v22 =	vsub.f32 $1.000000000e+00, v22;
	v56 =	vmul.f32 v29, v29;
	v63 =	vmul.f32 $1.428571490e-01, v60  }
0x10f: {  	v58 =	vadd.f32 $-1.000000000e+00, v62;
	(erf) = vrcp.f32 v54;
	v27 =	vadd.f32 $1.000000000e+00, v27  }
0x110: {  	v26 =	vsub.f32 $6.931471820e-01, v26;
	v59 =	vmul.f32 $1.428571490e-01, v56;
	v39 =	vadd.f32 $2.000000030e-01, v63  }
0x111: {  	v28 =	vadd.f32 v28, v28;
	v29 =	vadd.f32 v29, v29;
	v63 =	vld.idx.msk [tilespmem:v24+s9+$0x0], $0xffff;
	v27 =	vmul.f32 v27, v34  }
0x112: {  	s28 =	sadd.s32 $0xFFFFFFFC, s14;
	v34 =	vcvt.s32.f32 v55;
	v42 =	vadd.f32 $2.000000030e-01, v59;
	v46 =	vmul.f32 v39, v60  }
0x113: {  	v35 =	vadd.s32 $0xFFFFFF81, v53;
	v24 =	vadd.s32 s28, v1;
	v27 =	vadd.f32 v27, v45  }
0x114: {  	v23 =	vld.idx.msk [tilespmem:v23+s9+$0x0], $0xffff;
	v43 =	vmul.f32 $6.931471820e-01, v34;
	v45 =	vmul.f32 v42, v56;
	v49 =	vadd.f32 $3.333333430e-01, v46  }
0x115: {  	v27 =	vmul.f32 v27, v22;
	v22 =	vmul.f32 v20, v17;
	v17 =	vsub.f32 v25, v47  }
0x116: {  	v50 =	vsub.f32 $1.000000000e+00, v63;
	v20 =	vmul.f32 v15, v20;
	v15 =	vmul.f32 v14, v15  }
0x117: {  	v14 =	vmul.f32 v12, v14;
	v30 =	vmul.f32 v49, v60;
	v61 =	vmax.f32 v22, $-9.999989860e-01  }
0x118: {  	v19 =	vsub.f32 v26, v27;
	v26 =	vadd.f32 $3.333333430e-01, v45;
	v20 =	vmax.f32 v20, $-9.999989860e-01  }
0x119: {  	v60 =	vpop (erf);
	v45 =	vsub.f32 $1.000000000e+00, v23;
	v14 =	vmax.f32 v14, $-9.999989860e-01;
	v57 =	vadd.f32 $1.000000000e+00, v30  }
0x11a: {  	v30 =	vmul.f32 v60, v58;
	v62 =	vmin.f32 v61, $9.999989860e-01;
	v20 =	vmin.f32 v20, $9.999989860e-01  }
0x11b: {  	v49 =	vpop (erf);
	v58 =	vcvt.s32.f32 v35;
	v32 =	vsub.f32 $1.000000000e+00, v62;
	v26 =	vmul.f32 v26, v56  }
0x11c: {  	v33 =	vmul.f32 v49, v33;
	v31 =	vadd.f32 $1.000000000e+00, v62;
	v40 =	vsub.f32 $1.000000000e+00, v20  }
0x11d: {  	v37 =	vadd.f32 $1.000000000e+00, v20;
	v41 =	vmul.f32 v57, v28;
	v44 =	vmul.f32 v30, v30  }
0x11e: {  	v30 =	vadd.f32 v30, v30;
	v46 =	vand.u32 $0x7FFFFF, v32;
	v26 =	vadd.f32 $1.000000000e+00, v26  }
0x11f: {  	v51 =	vmul.f32 v33, v33;
	v55 =	vand.u32 $0x7FFFFF, v31;
	v27 =	vor.u32 $0x3F800000, v46  }
0x120: {  	v61 =	vand.u32 $0x7FFFFF, v40;
	v33 =	vadd.f32 v33, v33;
	v48 =	vadd.f32 $1.000000000e+00, v27  }
0x121: {  	v31 =	vshra.s32 v31, $0x17;
	v40 =	vshra.s32 v40, $0x17;
	v47 =	vmul.f32 $1.428571490e-01, v44  }
0x122: {  	v25 =	vadd.f32 v41, v43;
	v38 =	vor.u32 $0x3F800000, v55;
	(erf) = vrcp.f32 v48  }
0x123: {  	v35 =	vor.u32 $0x3F800000, v61;
	v43 =	vadd.s32 $0xFFFFFF81, v36;
	v28 =	vadd.f32 $2.000000030e-01, v47  }
0x124: {  	v31 =	vadd.s32 $0xFFFFFF81, v31;
	v26 =	vmul.f32 v26, v29;
	v56 =	vadd.f32 $1.000000000e+00, v38  }
0x125: {  	v40 =	vadd.s32 $0xFFFFFF81, v40;
	v54 =	vmul.f32 $1.428571490e-01, v51;
	v28 =	vmul.f32 v28, v44  }
0x126: {  	v27 =	vadd.f32 $-1.000000000e+00, v27;
	v38 =	vadd.f32 $-1.000000000e+00, v38;
	(erf) = vrcp.f32 v56  }
0x127: {  	v29 =	vmul.f32 $6.931471820e-01, v58;
	v34 =	vadd.f32 $2.000000030e-01, v54;
	v28 =	vadd.f32 $3.333333430e-01, v28  }
0x128: {  	v31 =	vcvt.s32.f32 v31;
	v25 =	vmul.f32 v25, v63;
	v63 =	vadd.f32 $1.000000000e+00, v35  }
0x129: {  	v58 =	vld.idx.msk [tilespmem:v21+s9+$0x0], $0xffff;
	v47 =	vand.u32 $0x7FFFFF, v37;
	v34 =	vmul.f32 v34, v51;
	v28 =	vmul.f32 v28, v44  }
0x12a: {  	v35 =	vadd.f32 $-1.000000000e+00, v35;
	v26 =	vadd.f32 v26, v52;
	v48 =	vor.u32 $0x3F800000, v47  }
0x12b: {  	v31 =	vmul.f32 $6.931471820e-01, v31;
	v59 =	vadd.f32 $3.333333430e-01, v34;
	v28 =	vadd.f32 $1.000000000e+00, v28;
	v57 =	vpop (erf)  }
0x12c: {  	v47 =	vadd.f32 $-1.000000000e+00, v48;
	v26 =	vmul.f32 v26, v50;
	v27 =	vmul.f32 v57, v27  }
0x12d: {  	v50 =	vadd.f32 $1.000000000e+00, v48;
	v28 =	vmul.f32 v28, v30;
	v30 =	vmul.f32 v59, v51  }
0x12e: {  	v41 =	vsub.f32 $1.000000000e+00, v58;
	(erf) = vrcp.f32 v63;
	v60 =	vmul.f32 v27, v27  }
0x12f: {  	v51 =	vshra.s32 v32, $0x17;
	v46 =	vpop (erf);
	(erf) = vrcp.f32 v50;
	v30 =	vadd.f32 $1.000000000e+00, v30  }
0x130: {  	v28 =	vadd.f32 v28, v29;
	v29 =	vcvt.s32.f32 v43;
	v62 =	vmul.f32 $1.428571490e-01, v60  }
0x131: {  	v57 =	vmax.f32 v15, $-9.999989860e-01;
	v30 =	vmul.f32 v30, v33;
	v33 =	vmul.f32 v46, v38  }
0x132: {  	v15 =	vmul.f32 v15, v22;
	v29 =	vmul.f32 $6.931471820e-01, v29;
	v44 =	vadd.f32 $2.000000030e-01, v62  }
0x133: {  	v61 =	vmin.f32 v57, $9.999989860e-01;
	v57 =	vshra.s32 v37, $0x17;
	v53 =	vmul.f32 v33, v33  }
0x134: {  	v49 =	vadd.f32 v30, v29;
	v30 =	vadd.s32 $0xFFFFFF81, v51;
	v36 =	vmul.f32 v44, v60  }
0x135: {  	v27 =	vadd.f32 v27, v27;
	v54 =	vcvt.s32.f32 v30;
	v55 =	vmul.f32 $1.428571490e-01, v53  }
0x136: {  	v34 =	vadd.f32 $1.000000000e+00, v61;
	v23 =	vmul.f32 v28, v23;
	v36 =	vadd.f32 $3.333333430e-01, v36  }
0x137: {  	v33 =	vadd.f32 v33, v33;
	v29 =	vmul.f32 $6.931471820e-01, v54;
	v59 =	vadd.f32 $2.000000030e-01, v55  }
0x138: {  	v51 =	vand.u32 $0x7FFFFF, v34;
	v56 =	vpop (erf);
	v54 =	vcvt.s32.f32 v40;
	v52 =	vmul.f32 v36, v60  }
0x139: {  	v38 =	vor.u32 $0x3F800000, v51;
	v62 =	vmul.f32 v59, v53;
	v60 =	vmul.f32 v56, v35  }
0x13a: {  	v21 =	vmul.f32 v49, v45;
	v36 =	vsub.f32 $6.931471820e-01, v25;
	v32 =	vadd.f32 $1.000000000e+00, v52  }
0x13b: {  	v56 =	vmul.f32 $6.931471820e-01, v54;
	v25 =	vadd.f32 $3.333333430e-01, v62;
	v63 =	vmul.f32 v60, v60  }
0x13c: {  	v30 =	vadd.f32 v60, v60;
	v27 =	vmul.f32 v32, v27;
	v32 =	vsub.f32 $1.000000000e+00, v61  }
0x13d: {  	v49 =	vpop (erf);
	v25 =	vmul.f32 v25, v53;
	v53 =	vadd.f32 $1.000000000e+00, v38;
	v46 =	vmul.f32 $1.428571490e-01, v63  }
0x13e: {  	v44 =	vadd.f32 v27, v29;
	v45 =	vand.u32 $0x7FFFFF, v32;
	v29 =	vmul.f32 v49, v47  }
0x13f: {  	v25 =	vadd.f32 $1.000000000e+00, v25;
	v28 =	vadd.f32 $2.000000030e-01, v46;
	v27 =	vor.u32 $0x3F800000, v45  }
0x140: {  	v38 =	vadd.f32 $-1.000000000e+00, v38;
	v48 =	vadd.f32 $1.000000000e+00, v27;
	v50 =	vmul.f32 v29, v29  }
0x141: {  	v61 =	vadd.s32 $0xFFFFFF81, v57;
	v25 =	vmul.f32 v25, v33;
	v28 =	vmul.f32 v28, v63  }
0x142: {  	v54 =	vshra.s32 v32, $0x17;
	(erf) = vrcp.f32 v48;
	v52 =	vmul.f32 $1.428571490e-01, v50  }
0x143: {  	v20 =	vmul.f32 v44, v58;
	v28 =	vadd.f32 $3.333333430e-01, v28;
	(erf) = vrcp.f32 v53  }
0x144: {  	v27 =	vadd.f32 $-1.000000000e+00, v27;
	v58 =	vmin.f32 v14, $9.999989860e-01;
	v33 =	vadd.f32 $2.000000030e-01, v52  }
0x145: {  	v29 =	vadd.f32 v29, v29;
	v25 =	vadd.f32 v25, v31;
	v28 =	vmul.f32 v28, v63  }
0x146: {  	v39 =	vsub.f32 $1.000000000e+00, v58;
	v37 =	vadd.f32 $1.000000000e+00, v58;
	v33 =	vmul.f32 v33, v50  }
0x147: {  	v20 =	vsub.f32 $6.931471820e-01, v20;
	v14 =	vmul.f32 v25, v41;
	v28 =	vadd.f32 $1.000000000e+00, v28  }
0x148: {  	v44 =	vand.u32 $0x7FFFFF, v39;
	v47 =	vand.u32 $0x7FFFFF, v37;
	v33 =	vadd.f32 $3.333333430e-01, v33  }
0x149: {  	v25 =	vadd.s32 $0xFFFFFF81, v54;
	v40 =	vor.u32 $0x3F800000, v47;
	v28 =	vmul.f32 v28, v30  }
0x14a: {  	v62 =	vld.idx.msk [tilespmem:v18+s9+$0x0], $0xffff;
	v37 =	vshra.s32 v37, $0x17;
	v47 =	vadd.f32 $-1.000000000e+00, v40;
	v33 =	vmul.f32 v33, v50  }
0x14b: {  	v58 =	vcvt.s32.f32 v25;
	v14 =	vsub.f32 v20, v14;
	v60 =	vadd.f32 v28, v56;
	v55 =	vpop (erf)  }
0x14c: {  	v30 =	vmul.f32 v55, v27;
	v63 =	vadd.f32 $1.000000000e+00, v33;
	v33 =	vor.u32 $0x3F800000, v44;
	v45 =	vpop (erf)  }
0x14d: {  	v27 =	vcvt.s32.f32 v61;
	v46 =	vadd.f32 $1.000000000e+00, v33;
	v38 =	vmul.f32 v45, v38  }
0x14e: {  	v50 =	vadd.f32 $1.000000000e+00, v40;
	v59 =	vmul.f32 v30, v30;
	v29 =	vmul.f32 v63, v29  }
0x14f: {  	v28 =	vsub.f32 $1.000000000e+00, v62;
	v51 =	vmul.f32 $6.931471820e-01, v27;
	(erf) = vrcp.f32 v46  }
0x150: {  	v61 =	vadd.f32 $-1.000000000e+00, v33;
	v49 =	vmul.f32 v38, v38;
	v43 =	vmul.f32 $1.428571490e-01, v59  }
0x151: {  	v45 =	vshra.s32 v34, $0x17;
	v27 =	vmul.f32 v8, v12;
	(erf) = vrcp.f32 v50  }
0x152: {  	v30 =	vadd.f32 v30, v30;
	v53 =	vmul.f32 $1.428571490e-01, v49;
	v18 =	vadd.f32 $2.000000030e-01, v43  }
0x153: {  	v63 =	vmul.f32 $6.931471820e-01, v58;
	v12 =	vsub.f32 v36, v26;
	v8 =	vmul.f32 v6, v8  }
0x154: {  	v54 =	vld.idx.msk [tilespmem:v24+s9+$0x0], $0xffff;
	v6 =	vmul.f32 v7, v6;
	v57 =	vadd.f32 $2.000000030e-01, v53;
	v48 =	vmul.f32 v18, v59  }
0x155: {  	v56 =	vadd.f32 v29, v51;
	v8 =	vmax.f32 v8, $-9.999989860e-01;
	v18 =	vmul.f32 v60, v62  }
0x156: {  	v8 =	vmin.f32 v8, $9.999989860e-01;
	v29 =	vmul.f32 v57, v49;
	v52 =	vadd.f32 $3.333333430e-01, v48  }
0x157: {  	v25 =	vmul.f32 v56, v28;
	v40 =	vsub.f32 $1.000000000e+00, v8;
	v18 =	vsub.f32 $6.931471820e-01, v18  }
0x158: {  	v29 =	vadd.f32 $3.333333430e-01, v29;
	v55 =	vmul.f32 v52, v59;
	v59 =	vmax.f32 v27, $-9.999989860e-01;
	v44 =	vpop (erf)  }
0x159: {  	v60 =	vmin.f32 v59, $9.999989860e-01;
	v31 =	vmul.f32 v44, v61;
	v44 =	vsub.f32 $1.000000000e+00, v54  }
0x15a: {  	v29 =	vmul.f32 v29, v49;
	v50 =	vpop (erf);
	v32 =	vadd.f32 $1.000000000e+00, v55;
	v33 =	vsub.f32 $1.000000000e+00, v60  }
0x15b: {  	v35 =	vadd.f32 $1.000000000e+00, v60;
	v34 =	vmul.f32 v50, v47;
	v55 =	vadd.f32 v38, v38  }
0x15c: {  	v50 =	vadd.s32 $0xFFFFFF81, v37;
	v37 =	vadd.f32 $1.000000000e+00, v8;
	v49 =	vmul.f32 v31, v31  }
0x15d: {  	v29 =	vadd.f32 $1.000000000e+00, v29;
	v31 =	vadd.f32 v31, v31;
	v62 =	vmul.f32 v32, v30  }
0x15e: {  	v46 =	vand.u32 $0x7FFFFF, v33;
	v32 =	vadd.s32 $0xFFFFFF81, v45;
	v53 =	vand.u32 $0x7FFFFF, v35  }
0x15f: {  	v56 =	vmul.f32 v34, v34;
	v45 =	vshra.s32 v39, $0x17;
	v34 =	vadd.f32 v34, v34  }
0x160: {  	v33 =	vshra.s32 v33, $0x17;
	v43 =	vand.u32 $0x7FFFFF, v37;
	v48 =	vor.u32 $0x3F800000, v46  }
0x161: {  	v52 =	vmul.f32 $1.428571490e-01, v49;
	v42 =	vor.u32 $0x3F800000, v53;
	v32 =	vcvt.s32.f32 v32  }
0x162: {  	s29 =	sadd.s32 $0xFFFFFFFD, s14;
	v59 =	vmul.f32 v29, v55;
	v51 =	vadd.f32 $1.000000000e+00, v48;
	v58 =	vadd.f32 $1.000000000e+00, v42  }
0x163: {  	v60 =	vmul.f32 $1.428571490e-01, v56;
	v28 =	vadd.f32 v62, v63;
	v62 =	vadd.s32 s29, v1  }
0x164: {  	v46 =	vadd.f32 $-1.000000000e+00, v48;
	v57 =	vadd.f32 $2.000000030e-01, v52;
	v32 =	vmul.f32 $6.931471820e-01, v32  }
0x165: {  	v52 =	vadd.f32 $-1.000000000e+00, v42;
	(erf) = vrcp.f32 v51;
	v24 =	vmul.f32 v28, v54  }
0x166: {  	v63 =	vadd.f32 $2.000000030e-01, v60;
	v61 =	vmul.f32 v57, v49;
	(erf) = vrcp.f32 v58  }
0x167: {  	v26 =	vadd.f32 v59, v32;
	v32 =	vadd.s32 $0xFFFFFF81, v45;
	v57 =	vand.u32 $0x7FFFFF, v40  }
0x168: {  	v45 =	vsub.f32 $6.931471820e-01, v23;
	v36 =	vmul.f32 v63, v56;
	v29 =	vadd.f32 $3.333333430e-01, v61  }
0x169: {  	v47 =	vcvt.s32.f32 v32;
	v59 =	vor.u32 $0x3F800000, v57;
	v24 =	vsub.f32 $6.931471820e-01, v24  }
0x16a: {  	s30 =	sadd.s32 $0xFFFFFFFE, s14;
	v26 =	vmul.f32 v26, v44;
	v48 =	vadd.f32 $3.333333430e-01, v36;
	v29 =	vmul.f32 v29, v49  }
0x16b: {  	v30 =	vld.idx.msk [tilespmem:v62+s9+$0x0], $0xffff;
	v41 =	vadd.f32 $1.000000000e+00, v59;
	v61 =	vadd.s32 s30, v1;
	v62 =	vadd.s32 $0xFFFFFF81, v33  }
0x16c: {  	v33 =	vor.u32 $0x3F800000, v43;
	v32 =	vmul.f32 v48, v56;
	v29 =	vadd.f32 $1.000000000e+00, v29  }
0x16d: {  	v7 =	vsub.f32 v45, v21;
	v28 =	vmul.f32 $6.931471820e-01, v47;
	v44 =	vadd.f32 $1.000000000e+00, v33  }
0x16e: {  	v33 =	vadd.f32 $-1.000000000e+00, v33;
	v32 =	vadd.f32 $1.000000000e+00, v32;
	v29 =	vmul.f32 v29, v31  }
0x16f: {  	v24 =	vsub.f32 v24, v26;
	v49 =	vpop (erf);
	v31 =	vcvt.s32.f32 v50;
	(erf) = vrcp.f32 v41  }
0x170: {  	v7 =	vadd.f32 v7, v12;
	v36 =	vmul.f32 v49, v46;
	v54 =	vpop (erf);
	v32 =	vmul.f32 v32, v34  }
0x171: {  	v48 =	vshra.s32 v35, $0x17;
	v50 =	vld.idx.msk [tilespmem:v61+s9+$0x0], $0xffff;
	(erf) = vrcp.f32 v44;
	v38 =	vmul.f32 v54, v52  }
0x172: {  	v49 =	vmax.f32 v6, $-9.999989860e-01;
	v34 =	vadd.f32 $-1.000000000e+00, v59;
	v6 =	vmul.f32 v6, v27  }
0x173: {  	v31 =	vmul.f32 $6.931471820e-01, v31;
	v28 =	vadd.f32 v29, v28;
	v56 =	vmul.f32 v38, v38  }
0x174: {  	v51 =	vmul.f32 v36, v36;
	v41 =	vadd.f32 v36, v36;
	v6 =	vmul.f32 v6, v15  }
0x175: {  	v31 =	vadd.f32 v32, v31;
	v28 =	vmul.f32 v28, v30;
	v60 =	vmul.f32 $1.428571490e-01, v56  }
0x176: {  	v30 =	vsub.f32 $1.000000000e+00, v30;
	v53 =	vmul.f32 $1.428571490e-01, v51;
	v57 =	vsub.f32 $1.000000000e+00, v50  }
0x177: {  	v3 =	vmul.f32 v6, v3;
	v6 =	vsub.f32 v18, v25;
	v32 =	vadd.f32 $2.000000030e-01, v60  }
0x178: {  	v8 =	vmul.f32 v31, v30;
	v30 =	vcvt.s32.f32 v62;
	v55 =	vadd.f32 $2.000000030e-01, v53  }
0x179: {  	v3 =	vmax.f32 v3, $-9.999989860e-01;
	v63 =	vmul.f32 v32, v56;
	v32 =	vmin.f32 v49, $9.999989860e-01  }
0x17a: {  	v6 =	vadd.f32 v6, v14;
	v58 =	vmul.f32 v55, v51;
	v52 =	vpop (erf);
	v39 =	vsub.f32 $1.000000000e+00, v32  }
0x17b: {  	v46 =	vmul.f32 $6.931471820e-01, v30;
	v3 =	vmin.f32 v3, $9.999989860e-01;
	v54 =	vmul.f32 v52, v34  }
0x17c: {  	v62 =	vpop (erf);
	v29 =	vadd.f32 $3.333333430e-01, v58;
	v32 =	vadd.f32 $1.000000000e+00, v32;
	v55 =	vand.u32 $0x7FFFFF, v39  }
0x17d: {  	v21 =	vmul.f32 v62, v33;
	v31 =	vadd.f32 $3.333333430e-01, v63;
	v34 =	vor.u32 $0x3F800000, v55  }
0x17e: {  	v63 =	vshra.s32 v40, $0x17;
	v40 =	vadd.s32 s14, v1;
	v58 =	vadd.f32 $1.000000000e+00, v34  }
0x17f: {  	v29 =	vmul.f32 v29, v51;
	v51 =	vadd.f32 v38, v38;
	v59 =	vand.u32 $0x7FFFFF, v32  }
0x180: {  	v47 =	vmul.f32 v31, v56;
	v42 =	vor.u32 $0x3F800000, v59;
	(erf) = vrcp.f32 v58  }
0x181: {  	s31 =	sadd.s32 $0xFFFFFFFF, s14;
	v31 =	vadd.s32 $0xFFFFFF81, v48;
	v29 =	vadd.f32 $1.000000000e+00, v29;
	v61 =	vadd.f32 $1.000000000e+00, v42  }
0x182: {  	v38 =	vadd.s32 s31, v1;
	v56 =	vmul.f32 v54, v54;
	v53 =	vcvt.s32.f32 v31  }
0x183: {  	v30 =	vadd.f32 $1.000000000e+00, v47;
	v29 =	vmul.f32 v29, v41;
	(erf) = vrcp.f32 v61  }
0x184: {  	v33 =	vadd.s32 $0xFFFFFF81, v63;
	v43 =	vmul.f32 v21, v21;
	v60 =	vmul.f32 $1.428571490e-01, v56  }
0x185: {  	v30 =	vmul.f32 v30, v51;
	v23 =	vadd.f32 v29, v46;
	v29 =	vmul.f32 $6.931471820e-01, v53  }
0x186: {  	v31 =	vsub.f32 $1.000000000e+00, v3;
	v3 =	vadd.f32 $1.000000000e+00, v3;
	v47 =	vmul.f32 $1.428571490e-01, v43  }
0x187: {  	v33 =	vcvt.s32.f32 v33;
	v29 =	vadd.f32 v30, v29;
	v30 =	vadd.f32 $2.000000030e-01, v60  }
0x188: {  	v44 =	vadd.f32 $-1.000000000e+00, v34;
	v51 =	vadd.f32 $2.000000030e-01, v47;
	v61 =	vand.u32 $0x7FFFFF, v3  }
0x189: {  	v3 =	vshra.s32 v3, $0x17;
	v46 =	vadd.f32 v54, v54;
	v30 =	vmul.f32 v30, v56;
	v48 =	vpop (erf)  }
0x18a: {  	v53 =	vadd.f32 $-1.000000000e+00, v42;
	v62 =	vor.u32 $0x3F800000, v61;
	v49 =	vmul.f32 v48, v44  }
0x18b: {  	v3 =	vadd.s32 $0xFFFFFF81, v3;
	v18 =	vmul.f32 v51, v43;
	v30 =	vadd.f32 $3.333333430e-01, v30  }
0x18c: {  	v29 =	vmul.f32 v29, v57;
	v57 =	vand.u32 $0x7FFFFF, v31;
	v55 =	vpop (erf);
	v52 =	vmul.f32 v49, v49  }
0x18d: {  	v41 =	vmul.f32 v30, v56;
	v30 =	vor.u32 $0x3F800000, v57;
	v15 =	vmul.f32 v55, v53  }
0x18e: {  	v36 =	vadd.f32 $1.000000000e+00, v62;
	v59 =	vadd.f32 $1.000000000e+00, v30;
	v54 =	vmul.f32 $1.428571490e-01, v52  }
0x18f: {  	v3 =	vcvt.s32.f32 v3;
	v18 =	vadd.f32 $3.333333430e-01, v18;
	v58 =	vmul.f32 v15, v15  }
0x190: {  	v23 =	vmul.f32 v23, v50;
	(erf) = vrcp.f32 v59;
	v25 =	vadd.f32 $2.000000030e-01, v54  }
0x191: {  	v21 =	vadd.f32 v21, v21;
	v18 =	vmul.f32 v18, v43;
	v60 =	vmul.f32 $1.428571490e-01, v58  }
0x192: {  	v42 =	vadd.f32 $-1.000000000e+00, v62;
	(erf) = vrcp.f32 v36;
	v25 =	vmul.f32 v25, v52  }
0x193: {  	v50 =	vmul.f32 $6.931471820e-01, v33;
	v23 =	vsub.f32 $6.931471820e-01, v23;
	v27 =	vadd.f32 $2.000000030e-01, v60  }
0x194: {  	v18 =	vadd.f32 $1.000000000e+00, v18;
	v56 =	vshra.s32 v37, $0x17;
	v25 =	vadd.f32 $3.333333430e-01, v25  }
0x195: {  	v37 =	vsub.f32 $6.931471820e-01, v28;
	v63 =	vmul.f32 v27, v58;
	v27 =	vshra.s32 v39, $0x17  }
0x196: {  	v18 =	vmul.f32 v18, v21;
	v21 =	vadd.s32 $0xFFFFFF81, v27;
	v22 =	vmul.f32 v25, v52  }
0x197: {  	v16 =	vld.idx.msk [tilespmem:v40+s9+$0x0], $0xffff;
	v40 =	vadd.f32 $-1.000000000e+00, v30;
	v45 =	vadd.f32 $1.000000000e+00, v41;
	v21 =	vcvt.s32.f32 v21  }
0x198: {  	v33 =	vadd.s32 $0xFFFFFF81, v56;
	v20 =	vadd.f32 v49, v49;
	v22 =	vadd.f32 $1.000000000e+00, v22  }
0x199: {  	v55 =	vadd.f32 v19, v17;
	v33 =	vcvt.s32.f32 v33;
	v41 =	vpop (erf);
	v21 =	vmul.f32 $6.931471820e-01, v21  }
0x19a: {  	v56 =	vshra.s32 v31, $0x17;
	v28 =	vmul.f32 v41, v40;
	v20 =	vmul.f32 v22, v20  }
0x19b: {  	v4 =	vld.idx.msk [tilespmem:v38+s9+$0x0], $0xffff;
	v8 =	vsub.f32 v37, v8;
	v49 =	vsub.f32 v23, v29;
	v11 =	vmul.f32 v45, v46;
	v45 =	vpop (erf)  }
0x19c: {  	v44 =	vmul.f32 v28, v28;
	v20 =	vadd.f32 v20, v21;
	v21 =	vmul.f32 v45, v42  }
0x19d: {  	v12 =	vadd.s32 $0xFFFFFF81, v56;
	v15 =	vadd.f32 v15, v15;
	v36 =	vmul.f32 $6.931471820e-01, v33  }
0x19e: {  	v11 =	vadd.f32 v11, v50;
	v46 =	vmul.f32 $1.428571490e-01, v44;
	v47 =	vmul.f32 v21, v21  }
0x19f: {  	v12 =	vcvt.s32.f32 v12;
	v18 =	vadd.f32 v18, v36;
	v25 =	vadd.f32 $3.333333430e-01, v63  }
0x1a0: {  	v11 =	vmul.f32 v11, v4;
	v48 =	vadd.f32 $2.000000030e-01, v46;
	v50 =	vmul.f32 $1.428571490e-01, v47  }
0x1a1: {  	v4 =	vsub.f32 $1.000000000e+00, v4;
	v39 =	vshra.s32 v32, $0x17;
	v38 =	vmul.f32 v25, v58  }
0x1a2: {  	v25 =	vadd.s32 $0xFFFFFF81, v39;
	v52 =	vmul.f32 v48, v44;
	v53 =	vadd.f32 $2.000000030e-01, v50  }
0x1a3: {  	v11 =	vsub.f32 $6.931471820e-01, v11;
	v4 =	vmul.f32 v18, v4;
	v25 =	vcvt.s32.f32 v25  }
0x1a4: {  	v22 =	vadd.f32 $1.000000000e+00, v38;
	v54 =	vadd.f32 $3.333333430e-01, v52;
	v9 =	vmul.f32 v53, v47  }
0x1a5: {  	v7 =	vadd.f32 v7, v55;
	v4 =	vsub.f32 v11, v4;
	v43 =	vmul.f32 $6.931471820e-01, v25  }
0x1a6: {  	v15 =	vmul.f32 v22, v15;
	v13 =	vmul.f32 v54, v44;
	v9 =	vadd.f32 $3.333333430e-01, v9  }
0x1a7: {  	v57 =	vadd.f32 v28, v28;
	v20 =	vmul.f32 v20, v16;
	v16 =	vsub.f32 $1.000000000e+00, v16  }
0x1a8: {  	v58 =	vld [tilespmem:s12+$0x0];
	v15 =	vadd.f32 v15, v43;
	v13 =	vadd.f32 $1.000000000e+00, v13;
	v9 =	vmul.f32 v9, v47  }
0x1a9: {  	v12 =	vmul.f32 $6.931471820e-01, v12;
	v59 =	vadd.f32 v21, v21;
	v20 =	vsub.f32 $6.931471820e-01, v20  }
0x1aa: {  	v15 =	vmul.f32 v15, v16;
	v13 =	vmul.f32 v13, v57;
	v9 =	vadd.f32 $1.000000000e+00, v9  }
0x1ab: {  	v3 =	vmul.f32 $6.931471820e-01, v3;
	v8 =	vadd.f32 v8, v24;
	v4 =	vadd.f32 v4, v49  }
0x1ac: {  	v51 =	vsub.f32 v20, v15;
	v60 =	vadd.f32 v13, v12;
	v9 =	vmul.f32 v9, v59  }
0x1ad: {  	v6 =	vadd.f32 v8, v6;
	v62 =	vsub.f32 $1.000000000e+00, v58  }
0x1ae: {  	v4 =	vadd.f32 v51, v4;
	v61 =	vmul.f32 v60, v58;
	v3 =	vadd.f32 v9, v3  }
0x1af: {  	v5 =	vadd.f32 v7, v5  }
0x1b0: {  	v4 =	vadd.f32 v4, v6;
	v63 =	vsub.f32 $6.931471820e-01, v61;
	v3 =	vmul.f32 v3, v62;
	_ =	sdelay $0x1  }
0x1b1: {  	v4 =	vadd.f32 v4, v5;
	v3 =	vsub.f32 v63, v3  }
0x1b2: {  	p0 =	sne.s32 s13, $0x1F0F  }
.Ltmp0:
0x1b3: {  	v4 =	vmul.f32 $5.000000000e-01, v4;
	v3 =	vmul.f32 $5.000000000e-01, v3;
	(pc) =	sbr.rel @p0 .LBB2_2-.Ltmp0, $3  }
0x1b4: {  	_ = 	snop  }
0x1b5: {  	v3 =	vadd.f32 v3, v4;
	_ =	sdelay $0x1  }
0x1b6: {  	s13 =	sadd.s32 $0x100, s13;
	s14 =	sadd.s32 $0xF0, s14;
	s12 =	sadd.s32 $0x10, s12;
	v2 =	vadd.f32 v3, v2  }
0x1b7: {  	s11 =	sadd.s32 $0x1, s11  }
0x1b8: {  	p0 =	sne.s32 s11, s7  }
.Ltmp1:
0x1b9: {  	[tilespmem:$0x4000] =	vst v2;
	(pc) =	sbr.rel @p0 .LBB2_1-.Ltmp1, $4  }
0x1ba: {  	[hbm4b:s6+s2] =	stream.linear.scatter [tilespmem:s10], [sflag:$0x1], $0x80, $0x38;
	[tilespmem:$0x4080] =	vst v63  }
0x1bb: {  	_ =	swait.ge [sflag:s8], $0x80  }
0x1bc: {  	[sflag:s8] =	ssyncset.done $0x0  }
0x1bd: {  	[sflag:s8] =	ssyncadd.s32 $0xFFFFFF80  }
0x1be: {  	_ =	sfence.sel $0x180000  }
0x1bf: {  	[bflag:$0x0] =	sbarrier.arrive $0xFFFF  }
0x1c0: {  	p0 =	sne.s32 s0, $0x0;
	_ =	strace $0x90000047  }
0x1c1: {  	s0 =	sadd.s32 @!p0 $0x100000, s1;
	[bflag:$0x2] =	sbarrier.arrive $0xFFFF  }
0x1c2: {  	[sflag:s0] =	ssyncadd.tile.s32 @!p0 $0x1;
	_ =	shalt  }
.Lfunc_end2:
_tile_overlayer_lowered:
.L_overlay_start_2:
0x1c3: {  	(tag) =	ssettag $0x2  }
0x1c4: {  	s0 =	rddreg [dreg:$0x0];
	s2 =	stileid.u32  }
0x1c5: {  	s1 =	rddreg [dreg:$0x1];
	p0 =	sne.s32 s2, $0x0  }
0x1c6: {  	s3 =	rddreg [dreg:$0x2];
	[bflag:$0x3] =	sbarrier.arrive $0xFFFF;
	s2 =	simm.s32 @!p0 $0x1C01  }
0x1c7: {  	[timem:s3], [sflag:s2] =	dma.local @!p0 [hbm:s0], s1  }
0x1c8: {  	s0 =	simm.s32 @!p0 $0x1  }
0x1c9: {  	_ =	swait.ge @!p0 [sflag:s0], s1  }
0x1ca: {  	s1 =	ssub.s32 @!p0 $0x0, s1;
	[sflag:s0] =	ssyncset.done @!p0 $0x0  }
0x1cb: {  	[sflag:s0] =	ssyncadd.s32 @!p0 s1  }
0x1cc: {  	[bflag:$0x3] =	sbarrier.arrive $0xFFFF  }
0x1cd: {  	_ =	shalt  }

</sc_bundles>
